<compile_context>
chip_gen: v7x
topology: tpu7x:2x2x1
jax: 0.10.2.dev20260603
libtpu: 0.0.44.dev20260713+nightly
codegen_flags: <defaults>
</compile_context>

<pallas_src>
import math
import functools

import jax
import jax.numpy as jnp
from jax import lax
from jax.experimental import pallas as pl
from jax.experimental.pallas import tpu as pltpu
from jax.experimental.pallas import tpu_sc as plsc


def _gate_kernel(x_ref, wg_ref, comb_ref, p_ref, laux_ref,
                 base_ref, me_ref, ce_ref, *, tb, num_experts, capacity,
                 num_tokens):
    i = pl.program_id(0)
    E = num_experts
    C = capacity

    @pl.when(i == 0)
    def _init():
        base_ref[...] = jnp.zeros_like(base_ref)
        me_ref[...] = jnp.zeros_like(me_ref)
        ce_ref[...] = jnp.zeros_like(ce_ref)

    x = x_ref[...]
    wg = wg_ref[...]
    logits = jax.lax.dot_general(
        wg, x, (((1,), (1,)), ((), ())),
        preferred_element_type=jnp.float32)

    m = jnp.max(logits, axis=0, keepdims=True)
    ex = jnp.exp(logits - m)
    gates = ex / jnp.sum(ex, axis=0, keepdims=True)

    gmax = jnp.max(gates, axis=0, keepdims=True)
    iota_e = jax.lax.broadcasted_iota(jnp.int32, (E, tb), 0)
    idx = jnp.min(jnp.where(gates == gmax, iota_e, E),
                  axis=0, keepdims=True)
    mask1 = (iota_e == idx).astype(jnp.float32)

    me_ref[...] += gates
    ce_ref[...] += mask1

    r = jax.lax.broadcasted_iota(jnp.int32, (tb, tb), 0)
    c = jax.lax.broadcasted_iota(jnp.int32, (tb, tb), 1)
    ut = (r <= c).astype(jnp.float32)
    csum = jax.lax.dot_general(
        mask1, ut, (((1,), (0,)), ((), ())),
        preferred_element_type=jnp.float32)

    locations = base_ref[...] + csum - 1.0
    base_ref[...] += csum[:, tb - 1:tb]

    keep = mask1 * (locations < C).astype(jnp.float32)
    loc_s = jnp.sum(locations * keep, axis=0, keepdims=True)
    gate_s = jnp.sum(gates * keep, axis=0, keepdims=True)
    kept = jnp.sum(keep, axis=0, keepdims=True)

    p = jnp.where(kept > 0.0,
                  idx.astype(jnp.float32) * C + loc_s,
                  -1.0).astype(jnp.int32)
    p_ref[...] = p.reshape(1, 1, tb)

    p_col = p.reshape(tb, 1)[:, :, None]
    g_col = gate_s.reshape(tb, 1)[:, :, None]

    iota_e3 = jax.lax.broadcasted_iota(jnp.int32, (tb, E, 1), 1)
    pe = p_col - iota_e3 * C
    iota_c3 = jax.lax.broadcasted_iota(jnp.int32, (tb, E, C), 2)
    msk = iota_c3 == pe
    comb_ref[...] = jnp.where(msk, g_col, 0.0)

    @pl.when(i == pl.num_programs(0) - 1)
    def _laux():
        me = jnp.sum(me_ref[...], axis=1, keepdims=True) / num_tokens
        ce = jnp.sum(ce_ref[...], axis=1, keepdims=True) / num_tokens
        laux_ref[...] = (jnp.sum(me * ce) * E).reshape(1, 1)


def _disp_body(pat_hbm, zblock_hbm, p_hbm, out_hbm, zv, pv, pats_sh, sem, *,
               tokens_per_worker, chunk_rows, num_cores, capacity):
    wid = lax.axis_index("s") * num_cores + lax.axis_index("c")
    base = wid * tokens_per_worker

    @pl.when(lax.axis_index("s") == 0)
    def _():
        pltpu.sync_copy(pat_hbm, pats_sh)
    plsc.subcore_barrier()

    pltpu.sync_copy(p_hbm.at[pl.ds(base, tokens_per_worker)], pv)
    pltpu.sync_copy(zblock_hbm, zv)

    cbits = capacity.bit_length() - 1

    def _pattern_dmas(ci, zero_pass):
        copies = []
        for v in range(chunk_rows // 16):
            pvec = pv[pl.ds(ci * chunk_rows + v * 16, 16)]
            for t in range(16):
                pt = pvec[t]
                ok = pt >= 0
                e = jnp.where(ok, lax.shift_right_logical(pt, cbits), 0)
                cc = jnp.bitwise_and(pt, capacity - 1)
                cw = pl.multiple_of(
                    jnp.where(ok, jnp.bitwise_and(cc, capacity - 8), 0), 8)
                if zero_pass:
                    b = jnp.int32(8)
                else:
                    b = jnp.where(ok, jnp.bitwise_and(cc, 7), 8)
                copies.append(pltpu.async_copy(
                    pats_sh.at[b],
                    zv.at[v * 16 + t, e, pl.ds(cw, 8)],
                    sem))
        for cp in copies:
            cp.wait()

    def _chunk(ci, _):
        _pattern_dmas(ci, False)
        pltpu.sync_copy(
            zv, out_hbm.at[pl.ds(base + ci * chunk_rows, chunk_rows)])
        _pattern_dmas(ci, True)
        return 0
    lax.fori_loop(0, tokens_per_worker // chunk_rows, _chunk, 0)


@jax.jit
def kernel(input, wg):
    num_tokens, model_dim = input.shape
    num_experts = wg.shape[0]
    capacity = int(math.ceil(num_tokens / num_experts))
    tb = 256
    num_blocks = num_tokens // tb

    body = functools.partial(
        _gate_kernel, tb=tb, num_experts=num_experts, capacity=capacity,
        num_tokens=num_tokens)

    comb, p_out, laux = pl.pallas_call(
        body,
        grid=(num_blocks,),
        in_specs=[
            pl.BlockSpec((tb, model_dim), lambda i: (i, 0)),
            pl.BlockSpec((num_experts, model_dim), lambda i: (0, 0)),
        ],
        out_specs=[
            pl.BlockSpec((tb, num_experts, capacity), lambda i: (i, 0, 0)),
            pl.BlockSpec((1, 1, tb), lambda i: (i, 0, 0)),
            pl.BlockSpec((1, 1), lambda i: (0, 0)),
        ],
        out_shape=[
            jax.ShapeDtypeStruct((num_tokens, num_experts, capacity),
                                 jnp.float32),
            jax.ShapeDtypeStruct((num_blocks, 1, tb), jnp.int32),
            jax.ShapeDtypeStruct((1, 1), jnp.float32),
        ],
        scratch_shapes=[
            pltpu.VMEM((num_experts, 1), jnp.float32),
            pltpu.VMEM((num_experts, tb), jnp.float32),
            pltpu.VMEM((num_experts, tb), jnp.float32),
        ],
    )(input, wg)

    info = plsc.get_sparse_core_info()
    num_workers = info.num_cores * info.num_subcores
    tokens_per_worker = num_tokens // num_workers
    chunk_rows = 16

    pat = (jnp.arange(9, dtype=jnp.int32)[:, None]
           == jnp.arange(8, dtype=jnp.int32)[None, :])
    zblock = jnp.zeros((chunk_rows, num_experts, capacity), jnp.bool_)

    disp_fn = pl.kernel(
        functools.partial(
            _disp_body, tokens_per_worker=tokens_per_worker,
            chunk_rows=chunk_rows, num_cores=info.num_cores,
            capacity=capacity),
        out_type=jax.ShapeDtypeStruct((num_tokens, num_experts, capacity),
                                      jnp.bool_),
        mesh=plsc.VectorSubcoreMesh(core_axis_name="c", subcore_axis_name="s"),
        compiler_params=pltpu.CompilerParams(use_tc_tiling_on_sc=False),
        scratch_types=[
            pltpu.VMEM((chunk_rows, num_experts, capacity), jnp.bool_),
            pltpu.VMEM((tokens_per_worker,), jnp.int32),
            pltpu.VMEM_SHARED((9, 8), jnp.bool_),
            pltpu.SemaphoreType.DMA,
        ],
    )

    disp = disp_fn(pat, zblock, p_out.reshape(num_tokens))
    return (laux.reshape(()), comb, disp)

# --- scband reference (transcript-rebuilt; emitter-appended) ---
"""Pipeline reference for scband-top-kgate-11982958756385 (READ-ONLY COPY).

The authoritative reference and input builder live on the scoring server;
editing this copy changes nothing except your own understanding.
"""

import jax, jax.numpy as jnp
import numpy as np
import math

MODEL_DIM = 1024
NUM_EXPERTS = 16
CAPACITY_FACTOR = 1.0


def setup_inputs(seed: int = 0) -> dict:
    key = jax.random.key(seed)
    k1, k2 = jax.random.split(key)
    inp = jax.random.normal(k1, (4096, MODEL_DIM), dtype=jnp.float32)
    # torch.nn.Linear(model_dim, num_experts, bias=False) weight: [num_experts, model_dim]
    bound = 1.0 / math.sqrt(MODEL_DIM)
    wg = jax.random.uniform(k2, (NUM_EXPERTS, MODEL_DIM), dtype=jnp.float32, minval=-bound, maxval=bound)
    return {"input": inp, "wg": wg}


def reference(input, wg):
    logits = input @ wg.T
    gates = jax.nn.softmax(logits, axis=1)
    num_tokens = gates.shape[0]
    num_experts = gates.shape[1]
    capacity = math.ceil(num_tokens / num_experts * CAPACITY_FACTOR)
    indices1_s = jnp.argmax(gates, axis=1)
    mask1 = jax.nn.one_hot(indices1_s, num_experts, dtype=jnp.int32)
    locations1 = jnp.cumsum(mask1, axis=0) - 1
    me = jnp.mean(gates, axis=0)
    ce = jnp.mean(mask1.astype(jnp.float32), axis=0)
    l_aux = jnp.mean(me * ce) * num_experts * num_experts
    mask1 = mask1 * (locations1 < capacity).astype(mask1.dtype)
    locations1_s = jnp.sum(locations1 * mask1, axis=1)
    mask1_float = mask1.astype(logits.dtype)
    gates1_s = jnp.einsum('se,se->s', gates, mask1_float)
    gates1 = jnp.einsum('s,se->se', gates1_s, mask1_float)
    locations1_sc = jax.nn.one_hot(locations1_s, capacity, dtype=logits.dtype)
    combine_weights = jnp.einsum('se,sc->sec', gates1, locations1_sc)
    dispatch_mask = combine_weights.astype(bool)
    return (l_aux, combine_weights, dispatch_mask)

if __name__ == "__main__":
    import jax
    _d = setup_inputs()
    print(jax.jit(kernel)(*tuple(_d.values())))

</pallas_src>

<mosaic_0001>
#map = affine_map<(d0, d1) -> (0, 0)>
#map1 = affine_map<(d0, d1) -> (0, 0, 0)>
#map2 = affine_map<(d0, d1) -> (0)>
module attributes {stable_mosaic.version = 14 : i64} {
  func.func @_disp_body(%arg0: i32, %arg1: i32, %arg2: memref<9x8xi32, #tpu.memory_space<hbm>>, %arg3: memref<16x16x256xi32, #tpu.memory_space<hbm>>, %arg4: memref<4096xi32, #tpu.memory_space<hbm>>, %arg5: memref<4096x16x256xi32, #tpu.memory_space<hbm>>, %arg6: memref<16x16x256xi32, #tpu.memory_space<vmem>>, %arg7: memref<128xi32, #tpu.memory_space<vmem>>, %arg8: memref<9x8xi32, #tpu.memory_space<vmem_shared>>, %arg9: memref<!tpu.dma_semaphore, #tpu.memory_space<semaphore_mem>>) attributes {dimension_semantics = [#tpu.dimension_semantics<core_parallel>, #tpu.dimension_semantics<subcore_parallel>], iteration_bounds = array<i64: 2, 16>, scalar_prefetch = 0 : i64, scratch_operands = 4 : i64, tpu.core_type = #tpu.core_type<sc_vector_subcore>, window_params = [{transform_indices = #map}, {transform_indices = #map1}, {transform_indices = #map2}, {transform_indices = #map1}]} {
    %mul3A = arith.constant 2 : i32
    %mul3A_0 = arith.muli %arg1, %mul3A : i32
    %add3A = arith.addi %mul3A_0, %arg0 : i32
    %mul3A_1 = arith.constant 128 : i32
    %mul3A_2 = arith.muli %add3A, %mul3A_1 : i32
    %eq3A = arith.constant 0 : i32
    %eq3A_3 = arith.cmpi eq, %arg1, %eq3A : i32
    %convert_element_type3A = arith.extui %eq3A_3 : i1 to i32
    %cond3A = arith.constant 0 : i32
    %cond3A_4 = arith.cmpi ne, %convert_element_type3A, %cond3A : i32
    scf.if %cond3A_4 {
      "tpu.region"() ({
        %run_scoped3A = tpu.sem_alloc : memref<!tpu.dma_semaphore, #tpu.memory_space<semaphore_mem>>
        tpu.enqueue_dma source(%arg2 : memref<9x8xi32, #tpu.memory_space<hbm>>) target(%arg8 : memref<9x8xi32, #tpu.memory_space<vmem_shared>>) target_semaphore(%run_scoped3A : memref<!tpu.dma_semaphore, #tpu.memory_space<semaphore_mem>>)
        tpu.wait_dma2 semaphore(%run_scoped3A : memref<!tpu.dma_semaphore, #tpu.memory_space<semaphore_mem>>) src(%arg2 : memref<9x8xi32, #tpu.memory_space<hbm>>) dst(%arg8 : memref<9x8xi32, #tpu.memory_space<vmem_shared>>)
        tpu.yield
      }) : () -> ()
    } else {
    }
    %barrier3A = arith.constant 0 : index
    tpu.barrier barrier_id(%barrier3A)
    "tpu.region"() ({
      %run_scoped3A = tpu.sem_alloc : memref<!tpu.dma_semaphore, #tpu.memory_space<semaphore_mem>>
      %dma_start3A = tpu.memref_slice %arg4[%mul3A_2] : memref<4096xi32, #tpu.memory_space<hbm>> -> memref<128xi32, #tpu.memory_space<hbm>>
      %dma_start3A_11 = tpu.memref_slice %arg4[%mul3A_2] : memref<4096xi32, #tpu.memory_space<hbm>> -> memref<128xi32, #tpu.memory_space<hbm>>
      tpu.enqueue_dma source(%dma_start3A_11 : memref<128xi32, #tpu.memory_space<hbm>>) target(%arg7 : memref<128xi32, #tpu.memory_space<vmem>>) target_semaphore(%run_scoped3A : memref<!tpu.dma_semaphore, #tpu.memory_space<semaphore_mem>>)
      %dma_wait3A = tpu.memref_slice %arg4[%mul3A_2] : memref<4096xi32, #tpu.memory_space<hbm>> -> memref<128xi32, #tpu.memory_space<hbm>>
      %dma_wait3A_12 = tpu.memref_slice %arg4[%mul3A_2] : memref<4096xi32, #tpu.memory_space<hbm>> -> memref<128xi32, #tpu.memory_space<hbm>>
      tpu.wait_dma2 semaphore(%run_scoped3A : memref<!tpu.dma_semaphore, #tpu.memory_space<semaphore_mem>>) src(%dma_wait3A_12 : memref<128xi32, #tpu.memory_space<hbm>>) dst(%arg7 : memref<128xi32, #tpu.memory_space<vmem>>)
      tpu.yield
    }) : () -> ()
    "tpu.region"() ({
      %run_scoped3A = tpu.sem_alloc : memref<!tpu.dma_semaphore, #tpu.memory_space<semaphore_mem>>
      tpu.enqueue_dma source(%arg3 : memref<16x16x256xi32, #tpu.memory_space<hbm>>) target(%arg6 : memref<16x16x256xi32, #tpu.memory_space<vmem>>) target_semaphore(%run_scoped3A : memref<!tpu.dma_semaphore, #tpu.memory_space<semaphore_mem>>)
      tpu.wait_dma2 semaphore(%run_scoped3A : memref<!tpu.dma_semaphore, #tpu.memory_space<semaphore_mem>>) src(%arg3 : memref<16x16x256xi32, #tpu.memory_space<hbm>>) dst(%arg6 : memref<16x16x256xi32, #tpu.memory_space<vmem>>)
      tpu.yield
    }) : () -> ()
    %scan3A = arith.constant 0 : i32
    %scan3A_5 = arith.constant 0 : i32
    %scan3A_6 = arith.constant 8 : i32
    %scan3A_7 = arith.addi %scan3A_5, %scan3A_6 : i32
    %scan3A_8 = arith.constant 1 : i32
    %scan3A_9 = scf.for %scan3A_11 = %scan3A_5 to %scan3A_7 step %scan3A_8 iter_args(%scan3A_12 = %scan3A) -> (i32)  : i32 {
      %mul3A_13 = arith.constant 16 : i32
      %mul3A_14 = arith.muli %scan3A_11, %mul3A_13 : i32
      %add3A_15 = arith.constant 0 : i32
      %add3A_16 = arith.addi %mul3A_14, %add3A_15 : i32
      %get3A = arith.index_cast %add3A_16 : i32 to index
      %get3A_17 = tpu.vector_load %arg7[%get3A] {strides = array<i32>} : memref<128xi32, #tpu.memory_space<vmem>>, vector<16xi32>,
      %get3A_18 = vector.shape_cast %get3A_17 : vector<16xi32> to vector<16xi32>
      %slice3A = vector.extract_strided_slice %get3A_18 {offsets = [0], sizes = [1], strides = [1]} : vector<16xi32> to vector<1xi32>
      %squeeze3A = vector.extract %slice3A[0] : i32 from vector<1xi32>
      %ge3A = arith.constant 0 : i32
      %ge3A_19 = arith.cmpi sge, %squeeze3A, %ge3A : i32
      %shift_right_logical3A = arith.constant 8 : i32
      %shift_right_logical3A_20 = arith.shrui %squeeze3A, %shift_right_logical3A : i32
      %jit3A = arith.constant 0 : i32
      %select_n3A = arith.select %ge3A_19, %shift_right_logical3A_20, %jit3A : i32
      %and3A = arith.constant 255 : i32
      %and3A_21 = arith.andi %squeeze3A, %and3A : i32
      %and3A_22 = arith.constant 248 : i32
      %and3A_23 = arith.andi %and3A_21, %and3A_22 : i32
      %jit3A_24 = arith.constant 0 : i32
      %select_n3A_25 = arith.select %ge3A_19, %and3A_23, %jit3A_24 : i32
      %multiple_of3A = tpu.assume_multiple %select_n3A_25, 8 : i32
      %and3A_26 = arith.constant 7 : i32
      %and3A_27 = arith.andi %and3A_21, %and3A_26 : i32
      %jit3A_28 = arith.constant 8 : i32
      %select_n3A_29 = arith.select %ge3A_19, %and3A_27, %jit3A_28 : i32
      %dma_start3A = arith.constant 0 : i32
      %dma_start3A_30 = tpu.memref_slice %arg6[%dma_start3A, %select_n3A, %multiple_of3A] : memref<16x16x256xi32, #tpu.memory_space<vmem>> -> memref<1x1x8xi32, #tpu.memory_space<vmem>>
      %dma_start3A_31 = tpu.memref_squeeze %dma_start3A_30 : memref<1x1x8xi32, #tpu.memory_space<vmem>> -> memref<8xi32, #tpu.memory_space<vmem>>
      %dma_start3A_32 = arith.constant 0 : i32
      %dma_start3A_33 = tpu.memref_slice %arg8[%select_n3A_29, %dma_start3A_32] : memref<9x8xi32, #tpu.memory_space<vmem_shared>> -> memref<1x8xi32, #tpu.memory_space<vmem_shared>>
      %dma_start3A_34 = tpu.memref_squeeze %dma_start3A_33 : memref<1x8xi32, #tpu.memory_space<vmem_shared>> -> memref<8xi32, #tpu.memory_space<vmem_shared>>
      %dma_start3A_35 = tpu.memref_slice %arg6[%dma_start3A, %select_n3A, %multiple_of3A] : memref<16x16x256xi32, #tpu.memory_space<vmem>> -> memref<1x1x8xi32, #tpu.memory_space<vmem>>
      %dma_start3A_36 = tpu.memref_squeeze %dma_start3A_35 : memref<1x1x8xi32, #tpu.memory_space<vmem>> -> memref<8xi32, #tpu.memory_space<vmem>>
      %dma_start3A_37 = arith.constant 0 : i32
      %dma_start3A_38 = tpu.memref_slice %arg8[%select_n3A_29, %dma_start3A_37] : memref<9x8xi32, #tpu.memory_space<vmem_shared>> -> memref<1x8xi32, #tpu.memory_space<vmem_shared>>
      %dma_start3A_39 = tpu.memref_squeeze %dma_start3A_38 : memref<1x8xi32, #tpu.memory_space<vmem_shared>> -> memref<8xi32, #tpu.memory_space<vmem_shared>>
      tpu.enqueue_dma source(%dma_start3A_39 : memref<8xi32, #tpu.memory_space<vmem_shared>>) target(%dma_start3A_36 : memref<8xi32, #tpu.memory_space<vmem>>) target_semaphore(%arg9 : memref<!tpu.dma_semaphore, #tpu.memory_space<semaphore_mem>>)
      %slice3A_40 = vector.extract_strided_slice %get3A_18 {offsets = [1], sizes = [1], strides = [1]} : vector<16xi32> to vector<1xi32>
      %squeeze3A_41 = vector.extract %slice3A_40[0] : i32 from vector<1xi32>
      %ge3A_42 = arith.constant 0 : i32
      %ge3A_43 = arith.cmpi sge, %squeeze3A_41, %ge3A_42 : i32
      %shift_right_logical3A_44 = arith.constant 8 : i32
      %shift_right_logical3A_45 = arith.shrui %squeeze3A_41, %shift_right_logical3A_44 : i32
      %jit3A_46 = arith.constant 0 : i32
      %select_n3A_47 = arith.select %ge3A_43, %shift_right_logical3A_45, %jit3A_46 : i32
      %and3A_48 = arith.constant 255 : i32
      %and3A_49 = arith.andi %squeeze3A_41, %and3A_48 : i32
      %and3A_50 = arith.constant 248 : i32
      %and3A_51 = arith.andi %and3A_49, %and3A_50 : i32
      %jit3A_52 = arith.constant 0 : i32
      %select_n3A_53 = arith.select %ge3A_43, %and3A_51, %jit3A_52 : i32
      %multiple_of3A_54 = tpu.assume_multiple %select_n3A_53, 8 : i32
      %and3A_55 = arith.constant 7 : i32
      %and3A_56 = arith.andi %and3A_49, %and3A_55 : i32
      %jit3A_57 = arith.constant 8 : i32
      %select_n3A_58 = arith.select %ge3A_43, %and3A_56, %jit3A_57 : i32
      %dma_start3A_59 = arith.constant 1 : i32
      %dma_start3A_60 = tpu.memref_slice %arg6[%dma_start3A_59, %select_n3A_47, %multiple_of3A_54] : memref<16x16x256xi32, #tpu.memory_space<vmem>> -> memref<1x1x8xi32, #tpu.memory_space<vmem>>
      %dma_start3A_61 = tpu.memref_squeeze %dma_start3A_60 : memref<1x1x8xi32, #tpu.memory_space<vmem>> -> memref<8xi32, #tpu.memory_space<vmem>>
      %dma_start3A_62 = arith.constant 0 : i32
      %dma_start3A_63 = tpu.memref_slice %arg8[%select_n3A_58, %dma_start3A_62] : memref<9x8xi32, #tpu.memory_space<vmem_shared>> -> memref<1x8xi32, #tpu.memory_space<vmem_shared>>
      %dma_start3A_64 = tpu.memref_squeeze %dma_start3A_63 : memref<1x8xi32, #tpu.memory_space<vmem_shared>> -> memref<8xi32, #tpu.memory_space<vmem_shared>>
      %dma_start3A_65 = tpu.memref_slice %arg6[%dma_start3A_59, %select_n3A_47, %multiple_of3A_54] : memref<16x16x256xi32, #tpu.memory_space<vmem>> -> memref<1x1x8xi32, #tpu.memory_space<vmem>>
      %dma_start3A_66 = tpu.memref_squeeze %dma_start3A_65 : memref<1x1x8xi32, #tpu.memory_space<vmem>> -> memref<8xi32, #tpu.memory_space<vmem>>
      %dma_start3A_67 = arith.constant 0 : i32
      %dma_start3A_68 = tpu.memref_slice %arg8[%select_n3A_58, %dma_start3A_67] : memref<9x8xi32, #tpu.memory_space<vmem_shared>> -> memref<1x8xi32, #tpu.memory_space<vmem_shared>>
      %dma_start3A_69 = tpu.memref_squeeze %dma_start3A_68 : memref<1x8xi32, #tpu.memory_space<vmem_shared>> -> memref<8xi32, #tpu.memory_space<vmem_shared>>
      tpu.enqueue_dma source(%dma_start3A_69 : memref<8xi32, #tpu.memory_space<vmem_shared>>) target(%dma_start3A_66 : memref<8xi32, #tpu.memory_space<vmem>>) target_semaphore(%arg9 : memref<!tpu.dma_semaphore, #tpu.memory_space<semaphore_mem>>)
      %slice3A_70 = vector.extract_strided_slice %get3A_18 {offsets = [2], sizes = [1], strides = [1]} : vector<16xi32> to vector<1xi32>
      %squeeze3A_71 = vector.extract %slice3A_70[0] : i32 from vector<1xi32>
      %ge3A_72 = arith.constant 0 : i32
      %ge3A_73 = arith.cmpi sge, %squeeze3A_71, %ge3A_72 : i32
      %shift_right_logical3A_74 = arith.constant 8 : i32
      %shift_right_logical3A_75 = arith.shrui %squeeze3A_71, %shift_right_logical3A_74 : i32
      %jit3A_76 = arith.constant 0 : i32
      %select_n3A_77 = arith.select %ge3A_73, %shift_right_logical3A_75, %jit3A_76 : i32
      %and3A_78 = arith.constant 255 : i32
      %and3A_79 = arith.andi %squeeze3A_71, %and3A_78 : i32
      %and3A_80 = arith.constant 248 : i32
      %and3A_81 = arith.andi %and3A_79, %and3A_80 : i32
      %jit3A_82 = arith.constant 0 : i32
      %select_n3A_83 = arith.select %ge3A_73, %and3A_81, %jit3A_82 : i32
      %multiple_of3A_84 = tpu.assume_multiple %select_n3A_83, 8 : i32
      %and3A_85 = arith.constant 7 : i32
      %and3A_86 = arith.andi %and3A_79, %and3A_85 : i32
      %jit3A_87 = arith.constant 8 : i32
      %select_n3A_88 = arith.select %ge3A_73, %and3A_86, %jit3A_87 : i32
      %dma_start3A_89 = arith.constant 2 : i32
      %dma_start3A_90 = tpu.memref_slice %arg6[%dma_start3A_89, %select_n3A_77, %multiple_of3A_84] : memref<16x16x256xi32, #tpu.memory_space<vmem>> -> memref<1x1x8xi32, #tpu.memory_space<vmem>>
      %dma_start3A_91 = tpu.memref_squeeze %dma_start3A_90 : memref<1x1x8xi32, #tpu.memory_space<vmem>> -> memref<8xi32, #tpu.memory_space<vmem>>
      %dma_start3A_92 = arith.constant 0 : i32
      %dma_start3A_93 = tpu.memref_slice %arg8[%select_n3A_88, %dma_start3A_92] : memref<9x8xi32, #tpu.memory_space<vmem_shared>> -> memref<1x8xi32, #tpu.memory_space<vmem_shared>>
      %dma_start3A_94 = tpu.memref_squeeze %dma_start3A_93 : memref<1x8xi32, #tpu.memory_space<vmem_shared>> -> memref<8xi32, #tpu.memory_space<vmem_shared>>
      %dma_start3A_95 = tpu.memref_slice %arg6[%dma_start3A_89, %select_n3A_77, %multiple_of3A_84] : memref<16x16x256xi32, #tpu.memory_space<vmem>> -> memref<1x1x8xi32, #tpu.memory_space<vmem>>
      %dma_start3A_96 = tpu.memref_squeeze %dma_start3A_95 : memref<1x1x8xi32, #tpu.memory_space<vmem>> -> memref<8xi32, #tpu.memory_space<vmem>>
      %dma_start3A_97 = arith.constant 0 : i32
      %dma_start3A_98 = tpu.memref_slice %arg8[%select_n3A_88, %dma_start3A_97] : memref<9x8xi32, #tpu.memory_space<vmem_shared>> -> memref<1x8xi32, #tpu.memory_space<vmem_shared>>
      %dma_start3A_99 = tpu.memref_squeeze %dma_start3A_98 : memref<1x8xi32, #tpu.memory_space<vmem_shared>> -> memref<8xi32, #tpu.memory_space<vmem_shared>>
      tpu.enqueue_dma source(%dma_start3A_99 : memref<8xi32, #tpu.memory_space<vmem_shared>>) target(%dma_start3A_96 : memref<8xi32, #tpu.memory_space<vmem>>) target_semaphore(%arg9 : memref<!tpu.dma_semaphore, #tpu.memory_space<semaphore_mem>>)
      %slice3A_100 = vector.extract_strided_slice %get3A_18 {offsets = [3], sizes = [1], strides = [1]} : vector<16xi32> to vector<1xi32>
      %squeeze3A_101 = vector.extract %slice3A_100[0] : i32 from vector<1xi32>
      %ge3A_102 = arith.constant 0 : i32
      %ge3A_103 = arith.cmpi sge, %squeeze3A_101, %ge3A_102 : i32
      %shift_right_logical3A_104 = arith.constant 8 : i32
      %shift_right_logical3A_105 = arith.shrui %squeeze3A_101, %shift_right_logical3A_104 : i32
      %jit3A_106 = arith.constant 0 : i32
      %select_n3A_107 = arith.select %ge3A_103, %shift_right_logical3A_105, %jit3A_106 : i32
      %and3A_108 = arith.constant 255 : i32
      %and3A_109 = arith.andi %squeeze3A_101, %and3A_108 : i32
      %and3A_110 = arith.constant 248 : i32
      %and3A_111 = arith.andi %and3A_109, %and3A_110 : i32
      %jit3A_112 = arith.constant 0 : i32
      %select_n3A_113 = arith.select %ge3A_103, %and3A_111, %jit3A_112 : i32
      %multiple_of3A_114 = tpu.assume_multiple %select_n3A_113, 8 : i32
      %and3A_115 = arith.constant 7 : i32
      %and3A_116 = arith.andi %and3A_109, %and3A_115 : i32
      %jit3A_117 = arith.constant 8 : i32
      %select_n3A_118 = arith.select %ge3A_103, %and3A_116, %jit3A_117 : i32
      %dma_start3A_119 = arith.constant 3 : i32
      %dma_start3A_120 = tpu.memref_slice %arg6[%dma_start3A_119, %select_n3A_107, %multiple_of3A_114] : memref<16x16x256xi32, #tpu.memory_space<vmem>> -> memref<1x1x8xi32, #tpu.memory_space<vmem>>
      %dma_start3A_121 = tpu.memref_squeeze %dma_start3A_120 : memref<1x1x8xi32, #tpu.memory_space<vmem>> -> memref<8xi32, #tpu.memory_space<vmem>>
      %dma_start3A_122 = arith.constant 0 : i32
      %dma_start3A_123 = tpu.memref_slice %arg8[%select_n3A_118, %dma_start3A_122] : memref<9x8xi32, #tpu.memory_space<vmem_shared>> -> memref<1x8xi32, #tpu.memory_space<vmem_shared>>
      %dma_start3A_124 = tpu.memref_squeeze %dma_start3A_123 : memref<1x8xi32, #tpu.memory_space<vmem_shared>> -> memref<8xi32, #tpu.memory_space<vmem_shared>>
      %dma_start3A_125 = tpu.memref_slice %arg6[%dma_start3A_119, %select_n3A_107, %multiple_of3A_114] : memref<16x16x256xi32, #tpu.memory_space<vmem>> -> memref<1x1x8xi32, #tpu.memory_space<vmem>>
      %dma_start3A_126 = tpu.memref_squeeze %dma_start3A_125 : memref<1x1x8xi32, #tpu.memory_space<vmem>> -> memref<8xi32, #tpu.memory_space<vmem>>
      %dma_start3A_127 = arith.constant 0 : i32
      %dma_start3A_128 = tpu.memref_slice %arg8[%select_n3A_118, %dma_start3A_127] : memref<9x8xi32, #tpu.memory_space<vmem_shared>> -> memref<1x8xi32, #tpu.memory_space<vmem_shared>>
      %dma_start3A_129 = tpu.memref_squeeze %dma_start3A_128 : memref<1x8xi32, #tpu.memory_space<vmem_shared>> -> memref<8xi32, #tpu.memory_space<vmem_shared>>
      tpu.enqueue_dma source(%dma_start3A_129 : memref<8xi32, #tpu.memory_space<vmem_shared>>) target(%dma_start3A_126 : memref<8xi32, #tpu.memory_space<vmem>>) target_semaphore(%arg9 : memref<!tpu.dma_semaphore, #tpu.memory_space<semaphore_mem>>)
      %slice3A_130 = vector.extract_strided_slice %get3A_18 {offsets = [4], sizes = [1], strides = [1]} : vector<16xi32> to vector<1xi32>
      %squeeze3A_131 = vector.extract %slice3A_130[0] : i32 from vector<1xi32>
      %ge3A_132 = arith.constant 0 : i32
      %ge3A_133 = arith.cmpi sge, %squeeze3A_131, %ge3A_132 : i32
      %shift_right_logical3A_134 = arith.constant 8 : i32
      %shift_right_logical3A_135 = arith.shrui %squeeze3A_131, %shift_right_logical3A_134 : i32
      %jit3A_136 = arith.constant 0 : i32
      %select_n3A_137 = arith.select %ge3A_133, %shift_right_logical3A_135, %jit3A_136 : i32
      %and3A_138 = arith.constant 255 : i32
      %and3A_139 = arith.andi %squeeze3A_131, %and3A_138 : i32
      %and3A_140 = arith.constant 248 : i32
      %and3A_141 = arith.andi %and3A_139, %and3A_140 : i32
      %jit3A_142 = arith.constant 0 : i32
      %select_n3A_143 = arith.select %ge3A_133, %and3A_141, %jit3A_142 : i32
      %multiple_of3A_144 = tpu.assume_multiple %select_n3A_143, 8 : i32
      %and3A_145 = arith.constant 7 : i32
      %and3A_146 = arith.andi %and3A_139, %and3A_145 : i32
      %jit3A_147 = arith.constant 8 : i32
      %select_n3A_148 = arith.select %ge3A_133, %and3A_146, %jit3A_147 : i32
      %dma_start3A_149 = arith.constant 4 : i32
      %dma_start3A_150 = tpu.memref_slice %arg6[%dma_start3A_149, %select_n3A_137, %multiple_of3A_144] : memref<16x16x256xi32, #tpu.memory_space<vmem>> -> memref<1x1x8xi32, #tpu.memory_space<vmem>>
      %dma_start3A_151 = tpu.memref_squeeze %dma_start3A_150 : memref<1x1x8xi32, #tpu.memory_space<vmem>> -> memref<8xi32, #tpu.memory_space<vmem>>
      %dma_start3A_152 = arith.constant 0 : i32
      %dma_start3A_153 = tpu.memref_slice %arg8[%select_n3A_148, %dma_start3A_152] : memref<9x8xi32, #tpu.memory_space<vmem_shared>> -> memref<1x8xi32, #tpu.memory_space<vmem_shared>>
      %dma_start3A_154 = tpu.memref_squeeze %dma_start3A_153 : memref<1x8xi32, #tpu.memory_space<vmem_shared>> -> memref<8xi32, #tpu.memory_space<vmem_shared>>
      %dma_start3A_155 = tpu.memref_slice %arg6[%dma_start3A_149, %select_n3A_137, %multiple_of3A_144] : memref<16x16x256xi32, #tpu.memory_space<vmem>> -> memref<1x1x8xi32, #tpu.memory_space<vmem>>
      %dma_start3A_156 = tpu.memref_squeeze %dma_start3A_155 : memref<1x1x8xi32, #tpu.memory_space<vmem>> -> memref<8xi32, #tpu.memory_space<vmem>>
      %dma_start3A_157 = arith.constant 0 : i32
      %dma_start3A_158 = tpu.memref_slice %arg8[%select_n3A_148, %dma_start3A_157] : memref<9x8xi32, #tpu.memory_space<vmem_shared>> -> memref<1x8xi32, #tpu.memory_space<vmem_shared>>
      %dma_start3A_159 = tpu.memref_squeeze %dma_start3A_158 : memref<1x8xi32, #tpu.memory_space<vmem_shared>> -> memref<8xi32, #tpu.memory_space<vmem_shared>>
      tpu.enqueue_dma source(%dma_start3A_159 : memref<8xi32, #tpu.memory_space<vmem_shared>>) target(%dma_start3A_156 : memref<8xi32, #tpu.memory_space<vmem>>) target_semaphore(%arg9 : memref<!tpu.dma_semaphore, #tpu.memory_space<semaphore_mem>>)
      %slice3A_160 = vector.extract_strided_slice %get3A_18 {offsets = [5], sizes = [1], strides = [1]} : vector<16xi32> to vector<1xi32>
      %squeeze3A_161 = vector.extract %slice3A_160[0] : i32 from vector<1xi32>
      %ge3A_162 = arith.constant 0 : i32
      %ge3A_163 = arith.cmpi sge, %squeeze3A_161, %ge3A_162 : i32
      %shift_right_logical3A_164 = arith.constant 8 : i32
      %shift_right_logical3A_165 = arith.shrui %squeeze3A_161, %shift_right_logical3A_164 : i32
      %jit3A_166 = arith.constant 0 : i32
      %select_n3A_167 = arith.select %ge3A_163, %shift_right_logical3A_165, %jit3A_166 : i32
      %and3A_168 = arith.constant 255 : i32
      %and3A_169 = arith.andi %squeeze3A_161, %and3A_168 : i32
      %and3A_170 = arith.constant 248 : i32
      %and3A_171 = arith.andi %and3A_169, %and3A_170 : i32
      %jit3A_172 = arith.constant 0 : i32
      %select_n3A_173 = arith.select %ge3A_163, %and3A_171, %jit3A_172 : i32
      %multiple_of3A_174 = tpu.assume_multiple %select_n3A_173, 8 : i32
      %and3A_175 = arith.constant 7 : i32
      %and3A_176 = arith.andi %and3A_169, %and3A_175 : i32
      %jit3A_177 = arith.constant 8 : i32
      %select_n3A_178 = arith.select %ge3A_163, %and3A_176, %jit3A_177 : i32
      %dma_start3A_179 = arith.constant 5 : i32
      %dma_start3A_180 = tpu.memref_slice %arg6[%dma_start3A_179, %select_n3A_167, %multiple_of3A_174] : memref<16x16x256xi32, #tpu.memory_space<vmem>> -> memref<1x1x8xi32, #tpu.memory_space<vmem>>
      %dma_start3A_181 = tpu.memref_squeeze %dma_start3A_180 : memref<1x1x8xi32, #tpu.memory_space<vmem>> -> memref<8xi32, #tpu.memory_space<vmem>>
      %dma_start3A_182 = arith.constant 0 : i32
      %dma_start3A_183 = tpu.memref_slice %arg8[%select_n3A_178, %dma_start3A_182] : memref<9x8xi32, #tpu.memory_space<vmem_shared>> -> memref<1x8xi32, #tpu.memory_space<vmem_shared>>
      %dma_start3A_184 = tpu.memref_squeeze %dma_start3A_183 : memref<1x8xi32, #tpu.memory_space<vmem_shared>> -> memref<8xi32, #tpu.memory_space<vmem_shared>>
      %dma_start3A_185 = tpu.memref_slice %arg6[%dma_start3A_179, %select_n3A_167, %multiple_of3A_174] : memref<16x16x256xi32, #tpu.memory_space<vmem>> -> memref<1x1x8xi32, #tpu.memory_space<vmem>>
      %dma_start3A_186 = tpu.memref_squeeze %dma_start3A_185 : memref<1x1x8xi32, #tpu.memory_space<vmem>> -> memref<8xi32, #tpu.memory_space<vmem>>
      %dma_start3A_187 = arith.constant 0 : i32
      %dma_start3A_188 = tpu.memref_slice %arg8[%select_n3A_178, %dma_start3A_187] : memref<9x8xi32, #tpu.memory_space<vmem_shared>> -> memref<1x8xi32, #tpu.memory_space<vmem_shared>>
      %dma_start3A_189 = tpu.memref_squeeze %dma_start3A_188 : memref<1x8xi32, #tpu.memory_space<vmem_shared>> -> memref<8xi32, #tpu.memory_space<vmem_shared>>
      tpu.enqueue_dma source(%dma_start3A_189 : memref<8xi32, #tpu.memory_space<vmem_shared>>) target(%dma_start3A_186 : memref<8xi32, #tpu.memory_space<vmem>>) target_semaphore(%arg9 : memref<!tpu.dma_semaphore, #tpu.memory_space<semaphore_mem>>)
      %slice3A_190 = vector.extract_strided_slice %get3A_18 {offsets = [6], sizes = [1], strides = [1]} : vector<16xi32> to vector<1xi32>
      %squeeze3A_191 = vector.extract %slice3A_190[0] : i32 from vector<1xi32>
      %ge3A_192 = arith.constant 0 : i32
      %ge3A_193 = arith.cmpi sge, %squeeze3A_191, %ge3A_192 : i32
      %shift_right_logical3A_194 = arith.constant 8 : i32
      %shift_right_logical3A_195 = arith.shrui %squeeze3A_191, %shift_right_logical3A_194 : i32
      %jit3A_196 = arith.constant 0 : i32
      %select_n3A_197 = arith.select %ge3A_193, %shift_right_logical3A_195, %jit3A_196 : i32
      %and3A_198 = arith.constant 255 : i32
      %and3A_199 = arith.andi %squeeze3A_191, %and3A_198 : i32
      %and3A_200 = arith.constant 248 : i32
      %and3A_201 = arith.andi %and3A_199, %and3A_200 : i32
      %jit3A_202 = arith.constant 0 : i32
      %select_n3A_203 = arith.select %ge3A_193, %and3A_201, %jit3A_202 : i32
      %multiple_of3A_204 = tpu.assume_multiple %select_n3A_203, 8 : i32
      %and3A_205 = arith.constant 7 : i32
      %and3A_206 = arith.andi %and3A_199, %and3A_205 : i32
      %jit3A_207 = arith.constant 8 : i32
      %select_n3A_208 = arith.select %ge3A_193, %and3A_206, %jit3A_207 : i32
      %dma_start3A_209 = arith.constant 6 : i32
      %dma_start3A_210 = tpu.memref_slice %arg6[%dma_start3A_209, %select_n3A_197, %multiple_of3A_204] : memref<16x16x256xi32, #tpu.memory_space<vmem>> -> memref<1x1x8xi32, #tpu.memory_space<vmem>>
      %dma_start3A_211 = tpu.memref_squeeze %dma_start3A_210 : memref<1x1x8xi32, #tpu.memory_space<vmem>> -> memref<8xi32, #tpu.memory_space<vmem>>
      %dma_start3A_212 = arith.constant 0 : i32
      %dma_start3A_213 = tpu.memref_slice %arg8[%select_n3A_208, %dma_start3A_212] : memref<9x8xi32, #tpu.memory_space<vmem_shared>> -> memref<1x8xi32, #tpu.memory_space<vmem_shared>>
      %dma_start3A_214 = tpu.memref_squeeze %dma_start3A_213 : memref<1x8xi32, #tpu.memory_space<vmem_shared>> -> memref<8xi32, #tpu.memory_space<vmem_shared>>
      %dma_start3A_215 = tpu.memref_slice %arg6[%dma_start3A_209, %select_n3A_197, %multiple_of3A_204] : memref<16x16x256xi32, #tpu.memory_space<vmem>> -> memref<1x1x8xi32, #tpu.memory_space<vmem>>
      %dma_start3A_216 = tpu.memref_squeeze %dma_start3A_215 : memref<1x1x8xi32, #tpu.memory_space<vmem>> -> memref<8xi32, #tpu.memory_space<vmem>>
      %dma_start3A_217 = arith.constant 0 : i32
      %dma_start3A_218 = tpu.memref_slice %arg8[%select_n3A_208, %dma_start3A_217] : memref<9x8xi32, #tpu.memory_space<vmem_shared>> -> memref<1x8xi32, #tpu.memory_space<vmem_shared>>
      %dma_start3A_219 = tpu.memref_squeeze %dma_start3A_218 : memref<1x8xi32, #tpu.memory_space<vmem_shared>> -> memref<8xi32, #tpu.memory_space<vmem_shared>>
      tpu.enqueue_dma source(%dma_start3A_219 : memref<8xi32, #tpu.memory_space<vmem_shared>>) target(%dma_start3A_216 : memref<8xi32, #tpu.memory_space<vmem>>) target_semaphore(%arg9 : memref<!tpu.dma_semaphore, #tpu.memory_space<semaphore_mem>>)
      %slice3A_220 = vector.extract_strided_slice %get3A_18 {offsets = [7], sizes = [1], strides = [1]} : vector<16xi32> to vector<1xi32>
      %squeeze3A_221 = vector.extract %slice3A_220[0] : i32 from vector<1xi32>
      %ge3A_222 = arith.constant 0 : i32
      %ge3A_223 = arith.cmpi sge, %squeeze3A_221, %ge3A_222 : i32
      %shift_right_logical3A_224 = arith.constant 8 : i32
      %shift_right_logical3A_225 = arith.shrui %squeeze3A_221, %shift_right_logical3A_224 : i32
      %jit3A_226 = arith.constant 0 : i32
      %select_n3A_227 = arith.select %ge3A_223, %shift_right_logical3A_225, %jit3A_226 : i32
      %and3A_228 = arith.constant 255 : i32
      %and3A_229 = arith.andi %squeeze3A_221, %and3A_228 : i32
      %and3A_230 = arith.constant 248 : i32
      %and3A_231 = arith.andi %and3A_229, %and3A_230 : i32
      %jit3A_232 = arith.constant 0 : i32
      %select_n3A_233 = arith.select %ge3A_223, %and3A_231, %jit3A_232 : i32
      %multiple_of3A_234 = tpu.assume_multiple %select_n3A_233, 8 : i32
      %and3A_235 = arith.constant 7 : i32
      %and3A_236 = arith.andi %and3A_229, %and3A_235 : i32
      %jit3A_237 = arith.constant 8 : i32
      %select_n3A_238 = arith.select %ge3A_223, %and3A_236, %jit3A_237 : i32
      %dma_start3A_239 = arith.constant 7 : i32
      %dma_start3A_240 = tpu.memref_slice %arg6[%dma_start3A_239, %select_n3A_227, %multiple_of3A_234] : memref<16x16x256xi32, #tpu.memory_space<vmem>> -> memref<1x1x8xi32, #tpu.memory_space<vmem>>
      %dma_start3A_241 = tpu.memref_squeeze %dma_start3A_240 : memref<1x1x8xi32, #tpu.memory_space<vmem>> -> memref<8xi32, #tpu.memory_space<vmem>>
      %dma_start3A_242 = arith.constant 0 : i32
      %dma_start3A_243 = tpu.memref_slice %arg8[%select_n3A_238, %dma_start3A_242] : memref<9x8xi32, #tpu.memory_space<vmem_shared>> -> memref<1x8xi32, #tpu.memory_space<vmem_shared>>
      %dma_start3A_244 = tpu.memref_squeeze %dma_start3A_243 : memref<1x8xi32, #tpu.memory_space<vmem_shared>> -> memref<8xi32, #tpu.memory_space<vmem_shared>>
      %dma_start3A_245 = tpu.memref_slice %arg6[%dma_start3A_239, %select_n3A_227, %multiple_of3A_234] : memref<16x16x256xi32, #tpu.memory_space<vmem>> -> memref<1x1x8xi32, #tpu.memory_space<vmem>>
      %dma_start3A_246 = tpu.memref_squeeze %dma_start3A_245 : memref<1x1x8xi32, #tpu.memory_space<vmem>> -> memref<8xi32, #tpu.memory_space<vmem>>
      %dma_start3A_247 = arith.constant 0 : i32
      %dma_start3A_248 = tpu.memref_slice %arg8[%select_n3A_238, %dma_start3A_247] : memref<9x8xi32, #tpu.memory_space<vmem_shared>> -> memref<1x8xi32, #tpu.memory_space<vmem_shared>>
      %dma_start3A_249 = tpu.memref_squeeze %dma_start3A_248 : memref<1x8xi32, #tpu.memory_space<vmem_shared>> -> memref<8xi32, #tpu.memory_space<vmem_shared>>
      tpu.enqueue_dma source(%dma_start3A_249 : memref<8xi32, #tpu.memory_space<vmem_shared>>) target(%dma_start3A_246 : memref<8xi32, #tpu.memory_space<vmem>>) target_semaphore(%arg9 : memref<!tpu.dma_semaphore, #tpu.memory_space<semaphore_mem>>)
      %slice3A_250 = vector.extract_strided_slice %get3A_18 {offsets = [8], sizes = [1], strides = [1]} : vector<16xi32> to vector<1xi32>
      %squeeze3A_251 = vector.extract %slice3A_250[0] : i32 from vector<1xi32>
      %ge3A_252 = arith.constant 0 : i32
      %ge3A_253 = arith.cmpi sge, %squeeze3A_251, %ge3A_252 : i32
      %shift_right_logical3A_254 = arith.constant 8 : i32
      %shift_right_logical3A_255 = arith.shrui %squeeze3A_251, %shift_right_logical3A_254 : i32
      %jit3A_256 = arith.constant 0 : i32
      %select_n3A_257 = arith.select %ge3A_253, %shift_right_logical3A_255, %jit3A_256 : i32
      %and3A_258 = arith.constant 255 : i32
      %and3A_259 = arith.andi %squeeze3A_251, %and3A_258 : i32
      %and3A_260 = arith.constant 248 : i32
      %and3A_261 = arith.andi %and3A_259, %and3A_260 : i32
      %jit3A_262 = arith.constant 0 : i32
      %select_n3A_263 = arith.select %ge3A_253, %and3A_261, %jit3A_262 : i32
      %multiple_of3A_264 = tpu.assume_multiple %select_n3A_263, 8 : i32
      %and3A_265 = arith.constant 7 : i32
      %and3A_266 = arith.andi %and3A_259, %and3A_265 : i32
      %jit3A_267 = arith.constant 8 : i32
      %select_n3A_268 = arith.select %ge3A_253, %and3A_266, %jit3A_267 : i32
      %dma_start3A_269 = arith.constant 8 : i32
      %dma_start3A_270 = tpu.memref_slice %arg6[%dma_start3A_269, %select_n3A_257, %multiple_of3A_264] : memref<16x16x256xi32, #tpu.memory_space<vmem>> -> memref<1x1x8xi32, #tpu.memory_space<vmem>>
      %dma_start3A_271 = tpu.memref_squeeze %dma_start3A_270 : memref<1x1x8xi32, #tpu.memory_space<vmem>> -> memref<8xi32, #tpu.memory_space<vmem>>
      %dma_start3A_272 = arith.constant 0 : i32
      %dma_start3A_273 = tpu.memref_slice %arg8[%select_n3A_268, %dma_start3A_272] : memref<9x8xi32, #tpu.memory_space<vmem_shared>> -> memref<1x8xi32, #tpu.memory_space<vmem_shared>>
      %dma_start3A_274 = tpu.memref_squeeze %dma_start3A_273 : memref<1x8xi32, #tpu.memory_space<vmem_shared>> -> memref<8xi32, #tpu.memory_space<vmem_shared>>
      %dma_start3A_275 = tpu.memref_slice %arg6[%dma_start3A_269, %select_n3A_257, %multiple_of3A_264] : memref<16x16x256xi32, #tpu.memory_space<vmem>> -> memref<1x1x8xi32, #tpu.memory_space<vmem>>
      %dma_start3A_276 = tpu.memref_squeeze %dma_start3A_275 : memref<1x1x8xi32, #tpu.memory_space<vmem>> -> memref<8xi32, #tpu.memory_space<vmem>>
      %dma_start3A_277 = arith.constant 0 : i32
      %dma_start3A_278 = tpu.memref_slice %arg8[%select_n3A_268, %dma_start3A_277] : memref<9x8xi32, #tpu.memory_space<vmem_shared>> -> memref<1x8xi32, #tpu.memory_space<vmem_shared>>
      %dma_start3A_279 = tpu.memref_squeeze %dma_start3A_278 : memref<1x8xi32, #tpu.memory_space<vmem_shared>> -> memref<8xi32, #tpu.memory_space<vmem_shared>>
      tpu.enqueue_dma source(%dma_start3A_279 : memref<8xi32, #tpu.memory_space<vmem_shared>>) target(%dma_start3A_276 : memref<8xi32, #tpu.memory_space<vmem>>) target_semaphore(%arg9 : memref<!tpu.dma_semaphore, #tpu.memory_space<semaphore_mem>>)
      %slice3A_280 = vector.extract_strided_slice %get3A_18 {offsets = [9], sizes = [1], strides = [1]} : vector<16xi32> to vector<1xi32>
      %squeeze3A_281 = vector.extract %slice3A_280[0] : i32 from vector<1xi32>
      %ge3A_282 = arith.constant 0 : i32
      %ge3A_283 = arith.cmpi sge, %squeeze3A_281, %ge3A_282 : i32
      %shift_right_logical3A_284 = arith.constant 8 : i32
      %shift_right_logical3A_285 = arith.shrui %squeeze3A_281, %shift_right_logical3A_284 : i32
      %jit3A_286 = arith.constant 0 : i32
      %select_n3A_287 = arith.select %ge3A_283, %shift_right_logical3A_285, %jit3A_286 : i32
      %and3A_288 = arith.constant 255 : i32
      %and3A_289 = arith.andi %squeeze3A_281, %and3A_288 : i32
      %and3A_290 = arith.constant 248 : i32
      %and3A_291 = arith.andi %and3A_289, %and3A_290 : i32
      %jit3A_292 = arith.constant 0 : i32
      %select_n3A_293 = arith.select %ge3A_283, %and3A_291, %jit3A_292 : i32
      %multiple_of3A_294 = tpu.assume_multiple %select_n3A_293, 8 : i32
      %and3A_295 = arith.constant 7 : i32
      %and3A_296 = arith.andi %and3A_289, %and3A_295 : i32
      %jit3A_297 = arith.constant 8 : i32
      %select_n3A_298 = arith.select %ge3A_283, %and3A_296, %jit3A_297 : i32
      %dma_start3A_299 = arith.constant 9 : i32
      %dma_start3A_300 = tpu.memref_slice %arg6[%dma_start3A_299, %select_n3A_287, %multiple_of3A_294] : memref<16x16x256xi32, #tpu.memory_space<vmem>> -> memref<1x1x8xi32, #tpu.memory_space<vmem>>
      %dma_start3A_301 = tpu.memref_squeeze %dma_start3A_300 : memref<1x1x8xi32, #tpu.memory_space<vmem>> -> memref<8xi32, #tpu.memory_space<vmem>>
      %dma_start3A_302 = arith.constant 0 : i32
      %dma_start3A_303 = tpu.memref_slice %arg8[%select_n3A_298, %dma_start3A_302] : memref<9x8xi32, #tpu.memory_space<vmem_shared>> -> memref<1x8xi32, #tpu.memory_space<vmem_shared>>
      %dma_start3A_304 = tpu.memref_squeeze %dma_start3A_303 : memref<1x8xi32, #tpu.memory_space<vmem_shared>> -> memref<8xi32, #tpu.memory_space<vmem_shared>>
      %dma_start3A_305 = tpu.memref_slice %arg6[%dma_start3A_299, %select_n3A_287, %multiple_of3A_294] : memref<16x16x256xi32, #tpu.memory_space<vmem>> -> memref<1x1x8xi32, #tpu.memory_space<vmem>>
      %dma_start3A_306 = tpu.memref_squeeze %dma_start3A_305 : memref<1x1x8xi32, #tpu.memory_space<vmem>> -> memref<8xi32, #tpu.memory_space<vmem>>
      %dma_start3A_307 = arith.constant 0 : i32
      %dma_start3A_308 = tpu.memref_slice %arg8[%select_n3A_298, %dma_start3A_307] : memref<9x8xi32, #tpu.memory_space<vmem_shared>> -> memref<1x8xi32, #tpu.memory_space<vmem_shared>>
      %dma_start3A_309 = tpu.memref_squeeze %dma_start3A_308 : memref<1x8xi32, #tpu.memory_space<vmem_shared>> -> memref<8xi32, #tpu.memory_space<vmem_shared>>
      tpu.enqueue_dma source(%dma_start3A_309 : memref<8xi32, #tpu.memory_space<vmem_shared>>) target(%dma_start3A_306 : memref<8xi32, #tpu.memory_space<vmem>>) target_semaphore(%arg9 : memref<!tpu.dma_semaphore, #tpu.memory_space<semaphore_mem>>)
      %slice3A_310 = vector.extract_strided_slice %get3A_18 {offsets = [10], sizes = [1], strides = [1]} : vector<16xi32> to vector<1xi32>
      %squeeze3A_311 = vector.extract %slice3A_310[0] : i32 from vector<1xi32>
      %ge3A_312 = arith.constant 0 : i32
      %ge3A_313 = arith.cmpi sge, %squeeze3A_311, %ge3A_312 : i32
      %shift_right_logical3A_314 = arith.constant 8 : i32
      %shift_right_logical3A_315 = arith.shrui %squeeze3A_311, %shift_right_logical3A_314 : i32
      %jit3A_316 = arith.constant 0 : i32
      %select_n3A_317 = arith.select %ge3A_313, %shift_right_logical3A_315, %jit3A_316 : i32
      %and3A_318 = arith.constant 255 : i32
      %and3A_319 = arith.andi %squeeze3A_311, %and3A_318 : i32
      %and3A_320 = arith.constant 248 : i32
      %and3A_321 = arith.andi %and3A_319, %and3A_320 : i32
      %jit3A_322 = arith.constant 0 : i32
      %select_n3A_323 = arith.select %ge3A_313, %and3A_321, %jit3A_322 : i32
      %multiple_of3A_324 = tpu.assume_multiple %select_n3A_323, 8 : i32
      %and3A_325 = arith.constant 7 : i32
      %and3A_326 = arith.andi %and3A_319, %and3A_325 : i32
      %jit3A_327 = arith.constant 8 : i32
      %select_n3A_328 = arith.select %ge3A_313, %and3A_326, %jit3A_327 : i32
      %dma_start3A_329 = arith.constant 10 : i32
      %dma_start3A_330 = tpu.memref_slice %arg6[%dma_start3A_329, %select_n3A_317, %multiple_of3A_324] : memref<16x16x256xi32, #tpu.memory_space<vmem>> -> memref<1x1x8xi32, #tpu.memory_space<vmem>>
      %dma_start3A_331 = tpu.memref_squeeze %dma_start3A_330 : memref<1x1x8xi32, #tpu.memory_space<vmem>> -> memref<8xi32, #tpu.memory_space<vmem>>
      %dma_start3A_332 = arith.constant 0 : i32
      %dma_start3A_333 = tpu.memref_slice %arg8[%select_n3A_328, %dma_start3A_332] : memref<9x8xi32, #tpu.memory_space<vmem_shared>> -> memref<1x8xi32, #tpu.memory_space<vmem_shared>>
      %dma_start3A_334 = tpu.memref_squeeze %dma_start3A_333 : memref<1x8xi32, #tpu.memory_space<vmem_shared>> -> memref<8xi32, #tpu.memory_space<vmem_shared>>
      %dma_start3A_335 = tpu.memref_slice %arg6[%dma_start3A_329, %select_n3A_317, %multiple_of3A_324] : memref<16x16x256xi32, #tpu.memory_space<vmem>> -> memref<1x1x8xi32, #tpu.memory_space<vmem>>
      %dma_start3A_336 = tpu.memref_squeeze %dma_start3A_335 : memref<1x1x8xi32, #tpu.memory_space<vmem>> -> memref<8xi32, #tpu.memory_space<vmem>>
      %dma_start3A_337 = arith.constant 0 : i32
      %dma_start3A_338 = tpu.memref_slice %arg8[%select_n3A_328, %dma_start3A_337] : memref<9x8xi32, #tpu.memory_space<vmem_shared>> -> memref<1x8xi32, #tpu.memory_space<vmem_shared>>
      %dma_start3A_339 = tpu.memref_squeeze %dma_start3A_338 : memref<1x8xi32, #tpu.memory_space<vmem_shared>> -> memref<8xi32, #tpu.memory_space<vmem_shared>>
      tpu.enqueue_dma source(%dma_start3A_339 : memref<8xi32, #tpu.memory_space<vmem_shared>>) target(%dma_start3A_336 : memref<8xi32, #tpu.memory_space<vmem>>) target_semaphore(%arg9 : memref<!tpu.dma_semaphore, #tpu.memory_space<semaphore_mem>>)
      %slice3A_340 = vector.extract_strided_slice %get3A_18 {offsets = [11], sizes = [1], strides = [1]} : vector<16xi32> to vector<1xi32>
      %squeeze3A_341 = vector.extract %slice3A_340[0] : i32 from vector<1xi32>
      %ge3A_342 = arith.constant 0 : i32
      %ge3A_343 = arith.cmpi sge, %squeeze3A_341, %ge3A_342 : i32
      %shift_right_logical3A_344 = arith.constant 8 : i32
      %shift_right_logical3A_345 = arith.shrui %squeeze3A_341, %shift_right_logical3A_344 : i32
      %jit3A_346 = arith.constant 0 : i32
      %select_n3A_347 = arith.select %ge3A_343, %shift_right_logical3A_345, %jit3A_346 : i32
      %and3A_348 = arith.constant 255 : i32
      %and3A_349 = arith.andi %squeeze3A_341, %and3A_348 : i32
      %and3A_350 = arith.constant 248 : i32
      %and3A_351 = arith.andi %and3A_349, %and3A_350 : i32
      %jit3A_352 = arith.constant 0 : i32
      %select_n3A_353 = arith.select %ge3A_343, %and3A_351, %jit3A_352 : i32
      %multiple_of3A_354 = tpu.assume_multiple %select_n3A_353, 8 : i32
      %and3A_355 = arith.constant 7 : i32
      %and3A_356 = arith.andi %and3A_349, %and3A_355 : i32
      %jit3A_357 = arith.constant 8 : i32
      %select_n3A_358 = arith.select %ge3A_343, %and3A_356, %jit3A_357 : i32
      %dma_start3A_359 = arith.constant 11 : i32
      %dma_start3A_360 = tpu.memref_slice %arg6[%dma_start3A_359, %select_n3A_347, %multiple_of3A_354] : memref<16x16x256xi32, #tpu.memory_space<vmem>> -> memref<1x1x8xi32, #tpu.memory_space<vmem>>
      %dma_start3A_361 = tpu.memref_squeeze %dma_start3A_360 : memref<1x1x8xi32, #tpu.memory_space<vmem>> -> memref<8xi32, #tpu.memory_space<vmem>>
      %dma_start3A_362 = arith.constant 0 : i32
      %dma_start3A_363 = tpu.memref_slice %arg8[%select_n3A_358, %dma_start3A_362] : memref<9x8xi32, #tpu.memory_space<vmem_shared>> -> memref<1x8xi32, #tpu.memory_space<vmem_shared>>
      %dma_start3A_364 = tpu.memref_squeeze %dma_start3A_363 : memref<1x8xi32, #tpu.memory_space<vmem_shared>> -> memref<8xi32, #tpu.memory_space<vmem_shared>>
      %dma_start3A_365 = tpu.memref_slice %arg6[%dma_start3A_359, %select_n3A_347, %multiple_of3A_354] : memref<16x16x256xi32, #tpu.memory_space<vmem>> -> memref<1x1x8xi32, #tpu.memory_space<vmem>>
      %dma_start3A_366 = tpu.memref_squeeze %dma_start3A_365 : memref<1x1x8xi32, #tpu.memory_space<vmem>> -> memref<8xi32, #tpu.memory_space<vmem>>
      %dma_start3A_367 = arith.constant 0 : i32
      %dma_start3A_368 = tpu.memref_slice %arg8[%select_n3A_358, %dma_start3A_367] : memref<9x8xi32, #tpu.memory_space<vmem_shared>> -> memref<1x8xi32, #tpu.memory_space<vmem_shared>>
      %dma_start3A_369 = tpu.memref_squeeze %dma_start3A_368 : memref<1x8xi32, #tpu.memory_space<vmem_shared>> -> memref<8xi32, #tpu.memory_space<vmem_shared>>
      tpu.enqueue_dma source(%dma_start3A_369 : memref<8xi32, #tpu.memory_space<vmem_shared>>) target(%dma_start3A_366 : memref<8xi32, #tpu.memory_space<vmem>>) target_semaphore(%arg9 : memref<!tpu.dma_semaphore, #tpu.memory_space<semaphore_mem>>)
      %slice3A_370 = vector.extract_strided_slice %get3A_18 {offsets = [12], sizes = [1], strides = [1]} : vector<16xi32> to vector<1xi32>
      %squeeze3A_371 = vector.extract %slice3A_370[0] : i32 from vector<1xi32>
      %ge3A_372 = arith.constant 0 : i32
      %ge3A_373 = arith.cmpi sge, %squeeze3A_371, %ge3A_372 : i32
      %shift_right_logical3A_374 = arith.constant 8 : i32
      %shift_right_logical3A_375 = arith.shrui %squeeze3A_371, %shift_right_logical3A_374 : i32
      %jit3A_376 = arith.constant 0 : i32
      %select_n3A_377 = arith.select %ge3A_373, %shift_right_logical3A_375, %jit3A_376 : i32
      %and3A_378 = arith.constant 255 : i32
      %and3A_379 = arith.andi %squeeze3A_371, %and3A_378 : i32
      %and3A_380 = arith.constant 248 : i32
      %and3A_381 = arith.andi %and3A_379, %and3A_380 : i32
      %jit3A_382 = arith.constant 0 : i32
      %select_n3A_383 = arith.select %ge3A_373, %and3A_381, %jit3A_382 : i32
      %multiple_of3A_384 = tpu.assume_multiple %select_n3A_383, 8 : i32
      %and3A_385 = arith.constant 7 : i32
      %and3A_386 = arith.andi %and3A_379, %and3A_385 : i32
      %jit3A_387 = arith.constant 8 : i32
      %select_n3A_388 = arith.select %ge3A_373, %and3A_386, %jit3A_387 : i32
      %dma_start3A_389 = arith.constant 12 : i32
      %dma_start3A_390 = tpu.memref_slice %arg6[%dma_start3A_389, %select_n3A_377, %multiple_of3A_384] : memref<16x16x256xi32, #tpu.memory_space<vmem>> -> memref<1x1x8xi32, #tpu.memory_space<vmem>>
      %dma_start3A_391 = tpu.memref_squeeze %dma_start3A_390 : memref<1x1x8xi32, #tpu.memory_space<vmem>> -> memref<8xi32, #tpu.memory_space<vmem>>
      %dma_start3A_392 = arith.constant 0 : i32
      %dma_start3A_393 = tpu.memref_slice %arg8[%select_n3A_388, %dma_start3A_392] : memref<9x8xi32, #tpu.memory_space<vmem_shared>> -> memref<1x8xi32, #tpu.memory_space<vmem_shared>>
      %dma_start3A_394 = tpu.memref_squeeze %dma_start3A_393 : memref<1x8xi32, #tpu.memory_space<vmem_shared>> -> memref<8xi32, #tpu.memory_space<vmem_shared>>
      %dma_start3A_395 = tpu.memref_slice %arg6[%dma_start3A_389, %select_n3A_377, %multiple_of3A_384] : memref<16x16x256xi32, #tpu.memory_space<vmem>> -> memref<1x1x8xi32, #tpu.memory_space<vmem>>
      %dma_start3A_396 = tpu.memref_squeeze %dma_start3A_395 : memref<1x1x8xi32, #tpu.memory_space<vmem>> -> memref<8xi32, #tpu.memory_space<vmem>>
      %dma_start3A_397 = arith.constant 0 : i32
      %dma_start3A_398 = tpu.memref_slice %arg8[%select_n3A_388, %dma_start3A_397] : memref<9x8xi32, #tpu.memory_space<vmem_shared>> -> memref<1x8xi32, #tpu.memory_space<vmem_shared>>
      %dma_start3A_399 = tpu.memref_squeeze %dma_start3A_398 : memref<1x8xi32, #tpu.memory_space<vmem_shared>> -> memref<8xi32, #tpu.memory_space<vmem_shared>>
      tpu.enqueue_dma source(%dma_start3A_399 : memref<8xi32, #tpu.memory_space<vmem_shared>>) target(%dma_start3A_396 : memref<8xi32, #tpu.memory_space<vmem>>) target_semaphore(%arg9 : memref<!tpu.dma_semaphore, #tpu.memory_space<semaphore_mem>>)
      %slice3A_400 = vector.extract_strided_slice %get3A_18 {offsets = [13], sizes = [1], strides = [1]} : vector<16xi32> to vector<1xi32>
      %squeeze3A_401 = vector.extract %slice3A_400[0] : i32 from vector<1xi32>
      %ge3A_402 = arith.constant 0 : i32
      %ge3A_403 = arith.cmpi sge, %squeeze3A_401, %ge3A_402 : i32
      %shift_right_logical3A_404 = arith.constant 8 : i32
      %shift_right_logical3A_405 = arith.shrui %squeeze3A_401, %shift_right_logical3A_404 : i32
      %jit3A_406 = arith.constant 0 : i32
      %select_n3A_407 = arith.select %ge3A_403, %shift_right_logical3A_405, %jit3A_406 : i32
      %and3A_408 = arith.constant 255 : i32
      %and3A_409 = arith.andi %squeeze3A_401, %and3A_408 : i32
      %and3A_410 = arith.constant 248 : i32
      %and3A_411 = arith.andi %and3A_409, %and3A_410 : i32
      %jit3A_412 = arith.constant 0 : i32
      %select_n3A_413 = arith.select %ge3A_403, %and3A_411, %jit3A_412 : i32
      %multiple_of3A_414 = tpu.assume_multiple %select_n3A_413, 8 : i32
      %and3A_415 = arith.constant 7 : i32
      %and3A_416 = arith.andi %and3A_409, %and3A_415 : i32
      %jit3A_417 = arith.constant 8 : i32
      %select_n3A_418 = arith.select %ge3A_403, %and3A_416, %jit3A_417 : i32
      %dma_start3A_419 = arith.constant 13 : i32
      %dma_start3A_420 = tpu.memref_slice %arg6[%dma_start3A_419, %select_n3A_407, %multiple_of3A_414] : memref<16x16x256xi32, #tpu.memory_space<vmem>> -> memref<1x1x8xi32, #tpu.memory_space<vmem>>
      %dma_start3A_421 = tpu.memref_squeeze %dma_start3A_420 : memref<1x1x8xi32, #tpu.memory_space<vmem>> -> memref<8xi32, #tpu.memory_space<vmem>>
      %dma_start3A_422 = arith.constant 0 : i32
      %dma_start3A_423 = tpu.memref_slice %arg8[%select_n3A_418, %dma_start3A_422] : memref<9x8xi32, #tpu.memory_space<vmem_shared>> -> memref<1x8xi32, #tpu.memory_space<vmem_shared>>
      %dma_start3A_424 = tpu.memref_squeeze %dma_start3A_423 : memref<1x8xi32, #tpu.memory_space<vmem_shared>> -> memref<8xi32, #tpu.memory_space<vmem_shared>>
      %dma_start3A_425 = tpu.memref_slice %arg6[%dma_start3A_419, %select_n3A_407, %multiple_of3A_414] : memref<16x16x256xi32, #tpu.memory_space<vmem>> -> memref<1x1x8xi32, #tpu.memory_space<vmem>>
      %dma_start3A_426 = tpu.memref_squeeze %dma_start3A_425 : memref<1x1x8xi32, #tpu.memory_space<vmem>> -> memref<8xi32, #tpu.memory_space<vmem>>
      %dma_start3A_427 = arith.constant 0 : i32
      %dma_start3A_428 = tpu.memref_slice %arg8[%select_n3A_418, %dma_start3A_427] : memref<9x8xi32, #tpu.memory_space<vmem_shared>> -> memref<1x8xi32, #tpu.memory_space<vmem_shared>>
      %dma_start3A_429 = tpu.memref_squeeze %dma_start3A_428 : memref<1x8xi32, #tpu.memory_space<vmem_shared>> -> memref<8xi32, #tpu.memory_space<vmem_shared>>
      tpu.enqueue_dma source(%dma_start3A_429 : memref<8xi32, #tpu.memory_space<vmem_shared>>) target(%dma_start3A_426 : memref<8xi32, #tpu.memory_space<vmem>>) target_semaphore(%arg9 : memref<!tpu.dma_semaphore, #tpu.memory_space<semaphore_mem>>)
      %slice3A_430 = vector.extract_strided_slice %get3A_18 {offsets = [14], sizes = [1], strides = [1]} : vector<16xi32> to vector<1xi32>
      %squeeze3A_431 = vector.extract %slice3A_430[0] : i32 from vector<1xi32>
      %ge3A_432 = arith.constant 0 : i32
      %ge3A_433 = arith.cmpi sge, %squeeze3A_431, %ge3A_432 : i32
      %shift_right_logical3A_434 = arith.constant 8 : i32
      %shift_right_logical3A_435 = arith.shrui %squeeze3A_431, %shift_right_logical3A_434 : i32
      %jit3A_436 = arith.constant 0 : i32
      %select_n3A_437 = arith.select %ge3A_433, %shift_right_logical3A_435, %jit3A_436 : i32
      %and3A_438 = arith.constant 255 : i32
      %and3A_439 = arith.andi %squeeze3A_431, %and3A_438 : i32
      %and3A_440 = arith.constant 248 : i32
      %and3A_441 = arith.andi %and3A_439, %and3A_440 : i32
      %jit3A_442 = arith.constant 0 : i32
      %select_n3A_443 = arith.select %ge3A_433, %and3A_441, %jit3A_442 : i32
      %multiple_of3A_444 = tpu.assume_multiple %select_n3A_443, 8 : i32
      %and3A_445 = arith.constant 7 : i32
      %and3A_446 = arith.andi %and3A_439, %and3A_445 : i32
      %jit3A_447 = arith.constant 8 : i32
      %select_n3A_448 = arith.select %ge3A_433, %and3A_446, %jit3A_447 : i32
      %dma_start3A_449 = arith.constant 14 : i32
      %dma_start3A_450 = tpu.memref_slice %arg6[%dma_start3A_449, %select_n3A_437, %multiple_of3A_444] : memref<16x16x256xi32, #tpu.memory_space<vmem>> -> memref<1x1x8xi32, #tpu.memory_space<vmem>>
      %dma_start3A_451 = tpu.memref_squeeze %dma_start3A_450 : memref<1x1x8xi32, #tpu.memory_space<vmem>> -> memref<8xi32, #tpu.memory_space<vmem>>
      %dma_start3A_452 = arith.constant 0 : i32
      %dma_start3A_453 = tpu.memref_slice %arg8[%select_n3A_448, %dma_start3A_452] : memref<9x8xi32, #tpu.memory_space<vmem_shared>> -> memref<1x8xi32, #tpu.memory_space<vmem_shared>>
      %dma_start3A_454 = tpu.memref_squeeze %dma_start3A_453 : memref<1x8xi32, #tpu.memory_space<vmem_shared>> -> memref<8xi32, #tpu.memory_space<vmem_shared>>
      %dma_start3A_455 = tpu.memref_slice %arg6[%dma_start3A_449, %select_n3A_437, %multiple_of3A_444] : memref<16x16x256xi32, #tpu.memory_space<vmem>> -> memref<1x1x8xi32, #tpu.memory_space<vmem>>
      %dma_start3A_456 = tpu.memref_squeeze %dma_start3A_455 : memref<1x1x8xi32, #tpu.memory_space<vmem>> -> memref<8xi32, #tpu.memory_space<vmem>>
      %dma_start3A_457 = arith.constant 0 : i32
      %dma_start3A_458 = tpu.memref_slice %arg8[%select_n3A_448, %dma_start3A_457] : memref<9x8xi32, #tpu.memory_space<vmem_shared>> -> memref<1x8xi32, #tpu.memory_space<vmem_shared>>
      %dma_start3A_459 = tpu.memref_squeeze %dma_start3A_458 : memref<1x8xi32, #tpu.memory_space<vmem_shared>> -> memref<8xi32, #tpu.memory_space<vmem_shared>>
      tpu.enqueue_dma source(%dma_start3A_459 : memref<8xi32, #tpu.memory_space<vmem_shared>>) target(%dma_start3A_456 : memref<8xi32, #tpu.memory_space<vmem>>) target_semaphore(%arg9 : memref<!tpu.dma_semaphore, #tpu.memory_space<semaphore_mem>>)
      %slice3A_460 = vector.extract_strided_slice %get3A_18 {offsets = [15], sizes = [1], strides = [1]} : vector<16xi32> to vector<1xi32>
      %squeeze3A_461 = vector.extract %slice3A_460[0] : i32 from vector<1xi32>
      %ge3A_462 = arith.constant 0 : i32
      %ge3A_463 = arith.cmpi sge, %squeeze3A_461, %ge3A_462 : i32
      %shift_right_logical3A_464 = arith.constant 8 : i32
      %shift_right_logical3A_465 = arith.shrui %squeeze3A_461, %shift_right_logical3A_464 : i32
      %jit3A_466 = arith.constant 0 : i32
      %select_n3A_467 = arith.select %ge3A_463, %shift_right_logical3A_465, %jit3A_466 : i32
      %and3A_468 = arith.constant 255 : i32
      %and3A_469 = arith.andi %squeeze3A_461, %and3A_468 : i32
      %and3A_470 = arith.constant 248 : i32
      %and3A_471 = arith.andi %and3A_469, %and3A_470 : i32
      %jit3A_472 = arith.constant 0 : i32
      %select_n3A_473 = arith.select %ge3A_463, %and3A_471, %jit3A_472 : i32
      %multiple_of3A_474 = tpu.assume_multiple %select_n3A_473, 8 : i32
      %and3A_475 = arith.constant 7 : i32
      %and3A_476 = arith.andi %and3A_469, %and3A_475 : i32
      %jit3A_477 = arith.constant 8 : i32
      %select_n3A_478 = arith.select %ge3A_463, %and3A_476, %jit3A_477 : i32
      %dma_start3A_479 = arith.constant 15 : i32
      %dma_start3A_480 = tpu.memref_slice %arg6[%dma_start3A_479, %select_n3A_467, %multiple_of3A_474] : memref<16x16x256xi32, #tpu.memory_space<vmem>> -> memref<1x1x8xi32, #tpu.memory_space<vmem>>
      %dma_start3A_481 = tpu.memref_squeeze %dma_start3A_480 : memref<1x1x8xi32, #tpu.memory_space<vmem>> -> memref<8xi32, #tpu.memory_space<vmem>>
      %dma_start3A_482 = arith.constant 0 : i32
      %dma_start3A_483 = tpu.memref_slice %arg8[%select_n3A_478, %dma_start3A_482] : memref<9x8xi32, #tpu.memory_space<vmem_shared>> -> memref<1x8xi32, #tpu.memory_space<vmem_shared>>
      %dma_start3A_484 = tpu.memref_squeeze %dma_start3A_483 : memref<1x8xi32, #tpu.memory_space<vmem_shared>> -> memref<8xi32, #tpu.memory_space<vmem_shared>>
      %dma_start3A_485 = tpu.memref_slice %arg6[%dma_start3A_479, %select_n3A_467, %multiple_of3A_474] : memref<16x16x256xi32, #tpu.memory_space<vmem>> -> memref<1x1x8xi32, #tpu.memory_space<vmem>>
      %dma_start3A_486 = tpu.memref_squeeze %dma_start3A_485 : memref<1x1x8xi32, #tpu.memory_space<vmem>> -> memref<8xi32, #tpu.memory_space<vmem>>
      %dma_start3A_487 = arith.constant 0 : i32
      %dma_start3A_488 = tpu.memref_slice %arg8[%select_n3A_478, %dma_start3A_487] : memref<9x8xi32, #tpu.memory_space<vmem_shared>> -> memref<1x8xi32, #tpu.memory_space<vmem_shared>>
      %dma_start3A_489 = tpu.memref_squeeze %dma_start3A_488 : memref<1x8xi32, #tpu.memory_space<vmem_shared>> -> memref<8xi32, #tpu.memory_space<vmem_shared>>
      tpu.enqueue_dma source(%dma_start3A_489 : memref<8xi32, #tpu.memory_space<vmem_shared>>) target(%dma_start3A_486 : memref<8xi32, #tpu.memory_space<vmem>>) target_semaphore(%arg9 : memref<!tpu.dma_semaphore, #tpu.memory_space<semaphore_mem>>)
      %dma_wait3A = arith.constant 0 : i32
      %dma_wait3A_490 = tpu.memref_slice %arg6[%dma_wait3A, %select_n3A, %multiple_of3A] : memref<16x16x256xi32, #tpu.memory_space<vmem>> -> memref<1x1x8xi32, #tpu.memory_space<vmem>>
      %dma_wait3A_491 = tpu.memref_squeeze %dma_wait3A_490 : memref<1x1x8xi32, #tpu.memory_space<vmem>> -> memref<8xi32, #tpu.memory_space<vmem>>
      %dma_wait3A_492 = arith.constant 0 : i32
      %dma_wait3A_493 = tpu.memref_slice %arg8[%select_n3A_29, %dma_wait3A_492] : memref<9x8xi32, #tpu.memory_space<vmem_shared>> -> memref<1x8xi32, #tpu.memory_space<vmem_shared>>
      %dma_wait3A_494 = tpu.memref_squeeze %dma_wait3A_493 : memref<1x8xi32, #tpu.memory_space<vmem_shared>> -> memref<8xi32, #tpu.memory_space<vmem_shared>>
      %dma_wait3A_495 = tpu.memref_slice %arg6[%dma_wait3A, %select_n3A, %multiple_of3A] : memref<16x16x256xi32, #tpu.memory_space<vmem>> -> memref<1x1x8xi32, #tpu.memory_space<vmem>>
      %dma_wait3A_496 = tpu.memref_squeeze %dma_wait3A_495 : memref<1x1x8xi32, #tpu.memory_space<vmem>> -> memref<8xi32, #tpu.memory_space<vmem>>
      %dma_wait3A_497 = arith.constant 0 : i32
      %dma_wait3A_498 = tpu.memref_slice %arg8[%select_n3A_29, %dma_wait3A_497] : memref<9x8xi32, #tpu.memory_space<vmem_shared>> -> memref<1x8xi32, #tpu.memory_space<vmem_shared>>
      %dma_wait3A_499 = tpu.memref_squeeze %dma_wait3A_498 : memref<1x8xi32, #tpu.memory_space<vmem_shared>> -> memref<8xi32, #tpu.memory_space<vmem_shared>>
      tpu.wait_dma2 semaphore(%arg9 : memref<!tpu.dma_semaphore, #tpu.memory_space<semaphore_mem>>) src(%dma_wait3A_499 : memref<8xi32, #tpu.memory_space<vmem_shared>>) dst(%dma_wait3A_496 : memref<8xi32, #tpu.memory_space<vmem>>)
      %dma_wait3A_500 = arith.constant 1 : i32
      %dma_wait3A_501 = tpu.memref_slice %arg6[%dma_wait3A_500, %select_n3A_47, %multiple_of3A_54] : memref<16x16x256xi32, #tpu.memory_space<vmem>> -> memref<1x1x8xi32, #tpu.memory_space<vmem>>
      %dma_wait3A_502 = tpu.memref_squeeze %dma_wait3A_501 : memref<1x1x8xi32, #tpu.memory_space<vmem>> -> memref<8xi32, #tpu.memory_space<vmem>>
      %dma_wait3A_503 = arith.constant 0 : i32
      %dma_wait3A_504 = tpu.memref_slice %arg8[%select_n3A_58, %dma_wait3A_503] : memref<9x8xi32, #tpu.memory_space<vmem_shared>> -> memref<1x8xi32, #tpu.memory_space<vmem_shared>>
      %dma_wait3A_505 = tpu.memref_squeeze %dma_wait3A_504 : memref<1x8xi32, #tpu.memory_space<vmem_shared>> -> memref<8xi32, #tpu.memory_space<vmem_shared>>
      %dma_wait3A_506 = tpu.memref_slice %arg6[%dma_wait3A_500, %select_n3A_47, %multiple_of3A_54] : memref<16x16x256xi32, #tpu.memory_space<vmem>> -> memref<1x1x8xi32, #tpu.memory_space<vmem>>
      %dma_wait3A_507 = tpu.memref_squeeze %dma_wait3A_506 : memref<1x1x8xi32, #tpu.memory_space<vmem>> -> memref<8xi32, #tpu.memory_space<vmem>>
      %dma_wait3A_508 = arith.constant 0 : i32
      %dma_wait3A_509 = tpu.memref_slice %arg8[%select_n3A_58, %dma_wait3A_508] : memref<9x8xi32, #tpu.memory_space<vmem_shared>> -> memref<1x8xi32, #tpu.memory_space<vmem_shared>>
      %dma_wait3A_510 = tpu.memref_squeeze %dma_wait3A_509 : memref<1x8xi32, #tpu.memory_space<vmem_shared>> -> memref<8xi32, #tpu.memory_space<vmem_shared>>
      tpu.wait_dma2 semaphore(%arg9 : memref<!tpu.dma_semaphore, #tpu.memory_space<semaphore_mem>>) src(%dma_wait3A_510 : memref<8xi32, #tpu.memory_space<vmem_shared>>) dst(%dma_wait3A_507 : memref<8xi32, #tpu.memory_space<vmem>>)
      %dma_wait3A_511 = arith.constant 2 : i32
      %dma_wait3A_512 = tpu.memref_slice %arg6[%dma_wait3A_511, %select_n3A_77, %multiple_of3A_84] : memref<16x16x256xi32, #tpu.memory_space<vmem>> -> memref<1x1x8xi32, #tpu.memory_space<vmem>>
      %dma_wait3A_513 = tpu.memref_squeeze %dma_wait3A_512 : memref<1x1x8xi32, #tpu.memory_space<vmem>> -> memref<8xi32, #tpu.memory_space<vmem>>
      %dma_wait3A_514 = arith.constant 0 : i32
      %dma_wait3A_515 = tpu.memref_slice %arg8[%select_n3A_88, %dma_wait3A_514] : memref<9x8xi32, #tpu.memory_space<vmem_shared>> -> memref<1x8xi32, #tpu.memory_space<vmem_shared>>
      %dma_wait3A_516 = tpu.memref_squeeze %dma_wait3A_515 : memref<1x8xi32, #tpu.memory_space<vmem_shared>> -> memref<8xi32, #tpu.memory_space<vmem_shared>>
      %dma_wait3A_517 = tpu.memref_slice %arg6[%dma_wait3A_511, %select_n3A_77, %multiple_of3A_84] : memref<16x16x256xi32, #tpu.memory_space<vmem>> -> memref<1x1x8xi32, #tpu.memory_space<vmem>>
      %dma_wait3A_518 = tpu.memref_squeeze %dma_wait3A_517 : memref<1x1x8xi32, #tpu.memory_space<vmem>> -> memref<8xi32, #tpu.memory_space<vmem>>
      %dma_wait3A_519 = arith.constant 0 : i32
      %dma_wait3A_520 = tpu.memref_slice %arg8[%select_n3A_88, %dma_wait3A_519] : memref<9x8xi32, #tpu.memory_space<vmem_shared>> -> memref<1x8xi32, #tpu.memory_space<vmem_shared>>
      %dma_wait3A_521 = tpu.memref_squeeze %dma_wait3A_520 : memref<1x8xi32, #tpu.memory_space<vmem_shared>> -> memref<8xi32, #tpu.memory_space<vmem_shared>>
      tpu.wait_dma2 semaphore(%arg9 : memref<!tpu.dma_semaphore, #tpu.memory_space<semaphore_mem>>) src(%dma_wait3A_521 : memref<8xi32, #tpu.memory_space<vmem_shared>>) dst(%dma_wait3A_518 : memref<8xi32, #tpu.memory_space<vmem>>)
      %dma_wait3A_522 = arith.constant 3 : i32
      %dma_wait3A_523 = tpu.memref_slice %arg6[%dma_wait3A_522, %select_n3A_107, %multiple_of3A_114] : memref<16x16x256xi32, #tpu.memory_space<vmem>> -> memref<1x1x8xi32, #tpu.memory_space<vmem>>
      %dma_wait3A_524 = tpu.memref_squeeze %dma_wait3A_523 : memref<1x1x8xi32, #tpu.memory_space<vmem>> -> memref<8xi32, #tpu.memory_space<vmem>>
      %dma_wait3A_525 = arith.constant 0 : i32
      %dma_wait3A_526 = tpu.memref_slice %arg8[%select_n3A_118, %dma_wait3A_525] : memref<9x8xi32, #tpu.memory_space<vmem_shared>> -> memref<1x8xi32, #tpu.memory_space<vmem_shared>>
      %dma_wait3A_527 = tpu.memref_squeeze %dma_wait3A_526 : memref<1x8xi32, #tpu.memory_space<vmem_shared>> -> memref<8xi32, #tpu.memory_space<vmem_shared>>
      %dma_wait3A_528 = tpu.memref_slice %arg6[%dma_wait3A_522, %select_n3A_107, %multiple_of3A_114] : memref<16x16x256xi32, #tpu.memory_space<vmem>> -> memref<1x1x8xi32, #tpu.memory_space<vmem>>
      %dma_wait3A_529 = tpu.memref_squeeze %dma_wait3A_528 : memref<1x1x8xi32, #tpu.memory_space<vmem>> -> memref<8xi32, #tpu.memory_space<vmem>>
      %dma_wait3A_530 = arith.constant 0 : i32
      %dma_wait3A_531 = tpu.memref_slice %arg8[%select_n3A_118, %dma_wait3A_530] : memref<9x8xi32, #tpu.memory_space<vmem_shared>> -> memref<1x8xi32, #tpu.memory_space<vmem_shared>>
      %dma_wait3A_532 = tpu.memref_squeeze %dma_wait3A_531 : memref<1x8xi32, #tpu.memory_space<vmem_shared>> -> memref<8xi32, #tpu.memory_space<vmem_shared>>
      tpu.wait_dma2 semaphore(%arg9 : memref<!tpu.dma_semaphore, #tpu.memory_space<semaphore_mem>>) src(%dma_wait3A_532 : memref<8xi32, #tpu.memory_space<vmem_shared>>) dst(%dma_wait3A_529 : memref<8xi32, #tpu.memory_space<vmem>>)
      %dma_wait3A_533 = arith.constant 4 : i32
      %dma_wait3A_534 = tpu.memref_slice %arg6[%dma_wait3A_533, %select_n3A_137, %multiple_of3A_144] : memref<16x16x256xi32, #tpu.memory_space<vmem>> -> memref<1x1x8xi32, #tpu.memory_space<vmem>>
      %dma_wait3A_535 = tpu.memref_squeeze %dma_wait3A_534 : memref<1x1x8xi32, #tpu.memory_space<vmem>> -> memref<8xi32, #tpu.memory_space<vmem>>
      %dma_wait3A_536 = arith.constant 0 : i32
      %dma_wait3A_537 = tpu.memref_slice %arg8[%select_n3A_148, %dma_wait3A_536] : memref<9x8xi32, #tpu.memory_space<vmem_shared>> -> memref<1x8xi32, #tpu.memory_space<vmem_shared>>
      %dma_wait3A_538 = tpu.memref_squeeze %dma_wait3A_537 : memref<1x8xi32, #tpu.memory_space<vmem_shared>> -> memref<8xi32, #tpu.memory_space<vmem_shared>>
      %dma_wait3A_539 = tpu.memref_slice %arg6[%dma_wait3A_533, %select_n3A_137, %multiple_of3A_144] : memref<16x16x256xi32, #tpu.memory_space<vmem>> -> memref<1x1x8xi32, #tpu.memory_space<vmem>>
      %dma_wait3A_540 = tpu.memref_squeeze %dma_wait3A_539 : memref<1x1x8xi32, #tpu.memory_space<vmem>> -> memref<8xi32, #tpu.memory_space<vmem>>
      %dma_wait3A_541 = arith.constant 0 : i32
      %dma_wait3A_542 = tpu.memref_slice %arg8[%select_n3A_148, %dma_wait3A_541] : memref<9x8xi32, #tpu.memory_space<vmem_shared>> -> memref<1x8xi32, #tpu.memory_space<vmem_shared>>
      %dma_wait3A_543 = tpu.memref_squeeze %dma_wait3A_542 : memref<1x8xi32, #tpu.memory_space<vmem_shared>> -> memref<8xi32, #tpu.memory_space<vmem_shared>>
      tpu.wait_dma2 semaphore(%arg9 : memref<!tpu.dma_semaphore, #tpu.memory_space<semaphore_mem>>) src(%dma_wait3A_543 : memref<8xi32, #tpu.memory_space<vmem_shared>>) dst(%dma_wait3A_540 : memref<8xi32, #tpu.memory_space<vmem>>)
      %dma_wait3A_544 = arith.constant 5 : i32
      %dma_wait3A_545 = tpu.memref_slice %arg6[%dma_wait3A_544, %select_n3A_167, %multiple_of3A_174] : memref<16x16x256xi32, #tpu.memory_space<vmem>> -> memref<1x1x8xi32, #tpu.memory_space<vmem>>
      %dma_wait3A_546 = tpu.memref_squeeze %dma_wait3A_545 : memref<1x1x8xi32, #tpu.memory_space<vmem>> -> memref<8xi32, #tpu.memory_space<vmem>>
      %dma_wait3A_547 = arith.constant 0 : i32
      %dma_wait3A_548 = tpu.memref_slice %arg8[%select_n3A_178, %dma_wait3A_547] : memref<9x8xi32, #tpu.memory_space<vmem_shared>> -> memref<1x8xi32, #tpu.memory_space<vmem_shared>>
      %dma_wait3A_549 = tpu.memref_squeeze %dma_wait3A_548 : memref<1x8xi32, #tpu.memory_space<vmem_shared>> -> memref<8xi32, #tpu.memory_space<vmem_shared>>
      %dma_wait3A_550 = tpu.memref_slice %arg6[%dma_wait3A_544, %select_n3A_167, %multiple_of3A_174] : memref<16x16x256xi32, #tpu.memory_space<vmem>> -> memref<1x1x8xi32, #tpu.memory_space<vmem>>
      %dma_wait3A_551 = tpu.memref_squeeze %dma_wait3A_550 : memref<1x1x8xi32, #tpu.memory_space<vmem>> -> memref<8xi32, #tpu.memory_space<vmem>>
      %dma_wait3A_552 = arith.constant 0 : i32
      %dma_wait3A_553 = tpu.memref_slice %arg8[%select_n3A_178, %dma_wait3A_552] : memref<9x8xi32, #tpu.memory_space<vmem_shared>> -> memref<1x8xi32, #tpu.memory_space<vmem_shared>>
      %dma_wait3A_554 = tpu.memref_squeeze %dma_wait3A_553 : memref<1x8xi32, #tpu.memory_space<vmem_shared>> -> memref<8xi32, #tpu.memory_space<vmem_shared>>
      tpu.wait_dma2 semaphore(%arg9 : memref<!tpu.dma_semaphore, #tpu.memory_space<semaphore_mem>>) src(%dma_wait3A_554 : memref<8xi32, #tpu.memory_space<vmem_shared>>) dst(%dma_wait3A_551 : memref<8xi32, #tpu.memory_space<vmem>>)
      %dma_wait3A_555 = arith.constant 6 : i32
      %dma_wait3A_556 = tpu.memref_slice %arg6[%dma_wait3A_555, %select_n3A_197, %multiple_of3A_204] : memref<16x16x256xi32, #tpu.memory_space<vmem>> -> memref<1x1x8xi32, #tpu.memory_space<vmem>>
      %dma_wait3A_557 = tpu.memref_squeeze %dma_wait3A_556 : memref<1x1x8xi32, #tpu.memory_space<vmem>> -> memref<8xi32, #tpu.memory_space<vmem>>
      %dma_wait3A_558 = arith.constant 0 : i32
      %dma_wait3A_559 = tpu.memref_slice %arg8[%select_n3A_208, %dma_wait3A_558] : memref<9x8xi32, #tpu.memory_space<vmem_shared>> -> memref<1x8xi32, #tpu.memory_space<vmem_shared>>
      %dma_wait3A_560 = tpu.memref_squeeze %dma_wait3A_559 : memref<1x8xi32, #tpu.memory_space<vmem_shared>> -> memref<8xi32, #tpu.memory_space<vmem_shared>>
      %dma_wait3A_561 = tpu.memref_slice %arg6[%dma_wait3A_555, %select_n3A_197, %multiple_of3A_204] : memref<16x16x256xi32, #tpu.memory_space<vmem>> -> memref<1x1x8xi32, #tpu.memory_space<vmem>>
      %dma_wait3A_562 = tpu.memref_squeeze %dma_wait3A_561 : memref<1x1x8xi32, #tpu.memory_space<vmem>> -> memref<8xi32, #tpu.memory_space<vmem>>
      %dma_wait3A_563 = arith.constant 0 : i32
      %dma_wait3A_564 = tpu.memref_slice %arg8[%select_n3A_208, %dma_wait3A_563] : memref<9x8xi32, #tpu.memory_space<vmem_shared>> -> memref<1x8xi32, #tpu.memory_space<vmem_shared>>
      %dma_wait3A_565 = tpu.memref_squeeze %dma_wait3A_564 : memref<1x8xi32, #tpu.memory_space<vmem_shared>> -> memref<8xi32, #tpu.memory_space<vmem_shared>>
      tpu.wait_dma2 semaphore(%arg9 : memref<!tpu.dma_semaphore, #tpu.memory_space<semaphore_mem>>) src(%dma_wait3A_565 : memref<8xi32, #tpu.memory_space<vmem_shared>>) dst(%dma_wait3A_562 : memref<8xi32, #tpu.memory_space<vmem>>)
      %dma_wait3A_566 = arith.constant 7 : i32
      %dma_wait3A_567 = tpu.memref_slice %arg6[%dma_wait3A_566, %select_n3A_227, %multiple_of3A_234] : memref<16x16x256xi32, #tpu.memory_space<vmem>> -> memref<1x1x8xi32, #tpu.memory_space<vmem>>
      %dma_wait3A_568 = tpu.memref_squeeze %dma_wait3A_567 : memref<1x1x8xi32, #tpu.memory_space<vmem>> -> memref<8xi32, #tpu.memory_space<vmem>>
      %dma_wait3A_569 = arith.constant 0 : i32
      %dma_wait3A_570 = tpu.memref_slice %arg8[%select_n3A_238, %dma_wait3A_569] : memref<9x8xi32, #tpu.memory_space<vmem_shared>> -> memref<1x8xi32, #tpu.memory_space<vmem_shared>>
      %dma_wait3A_571 = tpu.memref_squeeze %dma_wait3A_570 : memref<1x8xi32, #tpu.memory_space<vmem_shared>> -> memref<8xi32, #tpu.memory_space<vmem_shared>>
      %dma_wait3A_572 = tpu.memref_slice %arg6[%dma_wait3A_566, %select_n3A_227, %multiple_of3A_234] : memref<16x16x256xi32, #tpu.memory_space<vmem>> -> memref<1x1x8xi32, #tpu.memory_space<vmem>>
      %dma_wait3A_573 = tpu.memref_squeeze %dma_wait3A_572 : memref<1x1x8xi32, #tpu.memory_space<vmem>> -> memref<8xi32, #tpu.memory_space<vmem>>
      %dma_wait3A_574 = arith.constant 0 : i32
      %dma_wait3A_575 = tpu.memref_slice %arg8[%select_n3A_238, %dma_wait3A_574] : memref<9x8xi32, #tpu.memory_space<vmem_shared>> -> memref<1x8xi32, #tpu.memory_space<vmem_shared>>
      %dma_wait3A_576 = tpu.memref_squeeze %dma_wait3A_575 : memref<1x8xi32, #tpu.memory_space<vmem_shared>> -> memref<8xi32, #tpu.memory_space<vmem_shared>>
      tpu.wait_dma2 semaphore(%arg9 : memref<!tpu.dma_semaphore, #tpu.memory_space<semaphore_mem>>) src(%dma_wait3A_576 : memref<8xi32, #tpu.memory_space<vmem_shared>>) dst(%dma_wait3A_573 : memref<8xi32, #tpu.memory_space<vmem>>)
      %dma_wait3A_577 = arith.constant 8 : i32
      %dma_wait3A_578 = tpu.memref_slice %arg6[%dma_wait3A_577, %select_n3A_257, %multiple_of3A_264] : memref<16x16x256xi32, #tpu.memory_space<vmem>> -> memref<1x1x8xi32, #tpu.memory_space<vmem>>
      %dma_wait3A_579 = tpu.memref_squeeze %dma_wait3A_578 : memref<1x1x8xi32, #tpu.memory_space<vmem>> -> memref<8xi32, #tpu.memory_space<vmem>>
      %dma_wait3A_580 = arith.constant 0 : i32
      %dma_wait3A_581 = tpu.memref_slice %arg8[%select_n3A_268, %dma_wait3A_580] : memref<9x8xi32, #tpu.memory_space<vmem_shared>> -> memref<1x8xi32, #tpu.memory_space<vmem_shared>>
      %dma_wait3A_582 = tpu.memref_squeeze %dma_wait3A_581 : memref<1x8xi32, #tpu.memory_space<vmem_shared>> -> memref<8xi32, #tpu.memory_space<vmem_shared>>
      %dma_wait3A_583 = tpu.memref_slice %arg6[%dma_wait3A_577, %select_n3A_257, %multiple_of3A_264] : memref<16x16x256xi32, #tpu.memory_space<vmem>> -> memref<1x1x8xi32, #tpu.memory_space<vmem>>
      %dma_wait3A_584 = tpu.memref_squeeze %dma_wait3A_583 : memref<1x1x8xi32, #tpu.memory_space<vmem>> -> memref<8xi32, #tpu.memory_space<vmem>>
      %dma_wait3A_585 = arith.constant 0 : i32
      %dma_wait3A_586 = tpu.memref_slice %arg8[%select_n3A_268, %dma_wait3A_585] : memref<9x8xi32, #tpu.memory_space<vmem_shared>> -> memref<1x8xi32, #tpu.memory_space<vmem_shared>>
      %dma_wait3A_587 = tpu.memref_squeeze %dma_wait3A_586 : memref<1x8xi32, #tpu.memory_space<vmem_shared>> -> memref<8xi32, #tpu.memory_space<vmem_shared>>
      tpu.wait_dma2 semaphore(%arg9 : memref<!tpu.dma_semaphore, #tpu.memory_space<semaphore_mem>>) src(%dma_wait3A_587 : memref<8xi32, #tpu.memory_space<vmem_shared>>) dst(%dma_wait3A_584 : memref<8xi32, #tpu.memory_space<vmem>>)
      %dma_wait3A_588 = arith.constant 9 : i32
      %dma_wait3A_589 = tpu.memref_slice %arg6[%dma_wait3A_588, %select_n3A_287, %multiple_of3A_294] : memref<16x16x256xi32, #tpu.memory_space<vmem>> -> memref<1x1x8xi32, #tpu.memory_space<vmem>>
      %dma_wait3A_590 = tpu.memref_squeeze %dma_wait3A_589 : memref<1x1x8xi32, #tpu.memory_space<vmem>> -> memref<8xi32, #tpu.memory_space<vmem>>
      %dma_wait3A_591 = arith.constant 0 : i32
      %dma_wait3A_592 = tpu.memref_slice %arg8[%select_n3A_298, %dma_wait3A_591] : memref<9x8xi32, #tpu.memory_space<vmem_shared>> -> memref<1x8xi32, #tpu.memory_space<vmem_shared>>
      %dma_wait3A_593 = tpu.memref_squeeze %dma_wait3A_592 : memref<1x8xi32, #tpu.memory_space<vmem_shared>> -> memref<8xi32, #tpu.memory_space<vmem_shared>>
      %dma_wait3A_594 = tpu.memref_slice %arg6[%dma_wait3A_588, %select_n3A_287, %multiple_of3A_294] : memref<16x16x256xi32, #tpu.memory_space<vmem>> -> memref<1x1x8xi32, #tpu.memory_space<vmem>>
      %dma_wait3A_595 = tpu.memref_squeeze %dma_wait3A_594 : memref<1x1x8xi32, #tpu.memory_space<vmem>> -> memref<8xi32, #tpu.memory_space<vmem>>
      %dma_wait3A_596 = arith.constant 0 : i32
      %dma_wait3A_597 = tpu.memref_slice %arg8[%select_n3A_298, %dma_wait3A_596] : memref<9x8xi32, #tpu.memory_space<vmem_shared>> -> memref<1x8xi32, #tpu.memory_space<vmem_shared>>
      %dma_wait3A_598 = tpu.memref_squeeze %dma_wait3A_597 : memref<1x8xi32, #tpu.memory_space<vmem_shared>> -> memref<8xi32, #tpu.memory_space<vmem_shared>>
      tpu.wait_dma2 semaphore(%arg9 : memref<!tpu.dma_semaphore, #tpu.memory_space<semaphore_mem>>) src(%dma_wait3A_598 : memref<8xi32, #tpu.memory_space<vmem_shared>>) dst(%dma_wait3A_595 : memref<8xi32, #tpu.memory_space<vmem>>)
      %dma_wait3A_599 = arith.constant 10 : i32
      %dma_wait3A_600 = tpu.memref_slice %arg6[%dma_wait3A_599, %select_n3A_317, %multiple_of3A_324] : memref<16x16x256xi32, #tpu.memory_space<vmem>> -> memref<1x1x8xi32, #tpu.memory_space<vmem>>
      %dma_wait3A_601 = tpu.memref_squeeze %dma_wait3A_600 : memref<1x1x8xi32, #tpu.memory_space<vmem>> -> memref<8xi32, #tpu.memory_space<vmem>>
      %dma_wait3A_602 = arith.constant 0 : i32
      %dma_wait3A_603 = tpu.memref_slice %arg8[%select_n3A_328, %dma_wait3A_602] : memref<9x8xi32, #tpu.memory_space<vmem_shared>> -> memref<1x8xi32, #tpu.memory_space<vmem_shared>>
      %dma_wait3A_604 = tpu.memref_squeeze %dma_wait3A_603 : memref<1x8xi32, #tpu.memory_space<vmem_shared>> -> memref<8xi32, #tpu.memory_space<vmem_shared>>
      %dma_wait3A_605 = tpu.memref_slice %arg6[%dma_wait3A_599, %select_n3A_317, %multiple_of3A_324] : memref<16x16x256xi32, #tpu.memory_space<vmem>> -> memref<1x1x8xi32, #tpu.memory_space<vmem>>
      %dma_wait3A_606 = tpu.memref_squeeze %dma_wait3A_605 : memref<1x1x8xi32, #tpu.memory_space<vmem>> -> memref<8xi32, #tpu.memory_space<vmem>>
      %dma_wait3A_607 = arith.constant 0 : i32
      %dma_wait3A_608 = tpu.memref_slice %arg8[%select_n3A_328, %dma_wait3A_607] : memref<9x8xi32, #tpu.memory_space<vmem_shared>> -> memref<1x8xi32, #tpu.memory_space<vmem_shared>>
      %dma_wait3A_609 = tpu.memref_squeeze %dma_wait3A_608 : memref<1x8xi32, #tpu.memory_space<vmem_shared>> -> memref<8xi32, #tpu.memory_space<vmem_shared>>
      tpu.wait_dma2 semaphore(%arg9 : memref<!tpu.dma_semaphore, #tpu.memory_space<semaphore_mem>>) src(%dma_wait3A_609 : memref<8xi32, #tpu.memory_space<vmem_shared>>) dst(%dma_wait3A_606 : memref<8xi32, #tpu.memory_space<vmem>>)
      %dma_wait3A_610 = arith.constant 11 : i32
      %dma_wait3A_611 = tpu.memref_slice %arg6[%dma_wait3A_610, %select_n3A_347, %multiple_of3A_354] : memref<16x16x256xi32, #tpu.memory_space<vmem>> -> memref<1x1x8xi32, #tpu.memory_space<vmem>>
      %dma_wait3A_612 = tpu.memref_squeeze %dma_wait3A_611 : memref<1x1x8xi32, #tpu.memory_space<vmem>> -> memref<8xi32, #tpu.memory_space<vmem>>
      %dma_wait3A_613 = arith.constant 0 : i32
      %dma_wait3A_614 = tpu.memref_slice %arg8[%select_n3A_358, %dma_wait3A_613] : memref<9x8xi32, #tpu.memory_space<vmem_shared>> -> memref<1x8xi32, #tpu.memory_space<vmem_shared>>
      %dma_wait3A_615 = tpu.memref_squeeze %dma_wait3A_614 : memref<1x8xi32, #tpu.memory_space<vmem_shared>> -> memref<8xi32, #tpu.memory_space<vmem_shared>>
      %dma_wait3A_616 = tpu.memref_slice %arg6[%dma_wait3A_610, %select_n3A_347, %multiple_of3A_354] : memref<16x16x256xi32, #tpu.memory_space<vmem>> -> memref<1x1x8xi32, #tpu.memory_space<vmem>>
      %dma_wait3A_617 = tpu.memref_squeeze %dma_wait3A_616 : memref<1x1x8xi32, #tpu.memory_space<vmem>> -> memref<8xi32, #tpu.memory_space<vmem>>
      %dma_wait3A_618 = arith.constant 0 : i32
      %dma_wait3A_619 = tpu.memref_slice %arg8[%select_n3A_358, %dma_wait3A_618] : memref<9x8xi32, #tpu.memory_space<vmem_shared>> -> memref<1x8xi32, #tpu.memory_space<vmem_shared>>
      %dma_wait3A_620 = tpu.memref_squeeze %dma_wait3A_619 : memref<1x8xi32, #tpu.memory_space<vmem_shared>> -> memref<8xi32, #tpu.memory_space<vmem_shared>>
      tpu.wait_dma2 semaphore(%arg9 : memref<!tpu.dma_semaphore, #tpu.memory_space<semaphore_mem>>) src(%dma_wait3A_620 : memref<8xi32, #tpu.memory_space<vmem_shared>>) dst(%dma_wait3A_617 : memref<8xi32, #tpu.memory_space<vmem>>)
      %dma_wait3A_621 = arith.constant 12 : i32
      %dma_wait3A_622 = tpu.memref_slice %arg6[%dma_wait3A_621, %select_n3A_377, %multiple_of3A_384] : memref<16x16x256xi32, #tpu.memory_space<vmem>> -> memref<1x1x8xi32, #tpu.memory_space<vmem>>
      %dma_wait3A_623 = tpu.memref_squeeze %dma_wait3A_622 : memref<1x1x8xi32, #tpu.memory_space<vmem>> -> memref<8xi32, #tpu.memory_space<vmem>>
      %dma_wait3A_624 = arith.constant 0 : i32
      %dma_wait3A_625 = tpu.memref_slice %arg8[%select_n3A_388, %dma_wait3A_624] : memref<9x8xi32, #tpu.memory_space<vmem_shared>> -> memref<1x8xi32, #tpu.memory_space<vmem_shared>>
      %dma_wait3A_626 = tpu.memref_squeeze %dma_wait3A_625 : memref<1x8xi32, #tpu.memory_space<vmem_shared>> -> memref<8xi32, #tpu.memory_space<vmem_shared>>
      %dma_wait3A_627 = tpu.memref_slice %arg6[%dma_wait3A_621, %select_n3A_377, %multiple_of3A_384] : memref<16x16x256xi32, #tpu.memory_space<vmem>> -> memref<1x1x8xi32, #tpu.memory_space<vmem>>
      %dma_wait3A_628 = tpu.memref_squeeze %dma_wait3A_627 : memref<1x1x8xi32, #tpu.memory_space<vmem>> -> memref<8xi32, #tpu.memory_space<vmem>>
      %dma_wait3A_629 = arith.constant 0 : i32
      %dma_wait3A_630 = tpu.memref_slice %arg8[%select_n3A_388, %dma_wait3A_629] : memref<9x8xi32, #tpu.memory_space<vmem_shared>> -> memref<1x8xi32, #tpu.memory_space<vmem_shared>>
      %dma_wait3A_631 = tpu.memref_squeeze %dma_wait3A_630 : memref<1x8xi32, #tpu.memory_space<vmem_shared>> -> memref<8xi32, #tpu.memory_space<vmem_shared>>
      tpu.wait_dma2 semaphore(%arg9 : memref<!tpu.dma_semaphore, #tpu.memory_space<semaphore_mem>>) src(%dma_wait3A_631 : memref<8xi32, #tpu.memory_space<vmem_shared>>) dst(%dma_wait3A_628 : memref<8xi32, #tpu.memory_space<vmem>>)
      %dma_wait3A_632 = arith.constant 13 : i32
      %dma_wait3A_633 = tpu.memref_slice %arg6[%dma_wait3A_632, %select_n3A_407, %multiple_of3A_414] : memref<16x16x256xi32, #tpu.memory_space<vmem>> -> memref<1x1x8xi32, #tpu.memory_space<vmem>>
      %dma_wait3A_634 = tpu.memref_squeeze %dma_wait3A_633 : memref<1x1x8xi32, #tpu.memory_space<vmem>> -> memref<8xi32, #tpu.memory_space<vmem>>
      %dma_wait3A_635 = arith.constant 0 : i32
      %dma_wait3A_636 = tpu.memref_slice %arg8[%select_n3A_418, %dma_wait3A_635] : memref<9x8xi32, #tpu.memory_space<vmem_shared>> -> memref<1x8xi32, #tpu.memory_space<vmem_shared>>
      %dma_wait3A_637 = tpu.memref_squeeze %dma_wait3A_636 : memref<1x8xi32, #tpu.memory_space<vmem_shared>> -> memref<8xi32, #tpu.memory_space<vmem_shared>>
      %dma_wait3A_638 = tpu.memref_slice %arg6[%dma_wait3A_632, %select_n3A_407, %multiple_of3A_414] : memref<16x16x256xi32, #tpu.memory_space<vmem>> -> memref<1x1x8xi32, #tpu.memory_space<vmem>>
      %dma_wait3A_639 = tpu.memref_squeeze %dma_wait3A_638 : memref<1x1x8xi32, #tpu.memory_space<vmem>> -> memref<8xi32, #tpu.memory_space<vmem>>
      %dma_wait3A_640 = arith.constant 0 : i32
      %dma_wait3A_641 = tpu.memref_slice %arg8[%select_n3A_418, %dma_wait3A_640] : memref<9x8xi32, #tpu.memory_space<vmem_shared>> -> memref<1x8xi32, #tpu.memory_space<vmem_shared>>
      %dma_wait3A_642 = tpu.memref_squeeze %dma_wait3A_641 : memref<1x8xi32, #tpu.memory_space<vmem_shared>> -> memref<8xi32, #tpu.memory_space<vmem_shared>>
      tpu.wait_dma2 semaphore(%arg9 : memref<!tpu.dma_semaphore, #tpu.memory_space<semaphore_mem>>) src(%dma_wait3A_642 : memref<8xi32, #tpu.memory_space<vmem_shared>>) dst(%dma_wait3A_639 : memref<8xi32, #tpu.memory_space<vmem>>)
      %dma_wait3A_643 = arith.constant 14 : i32
      %dma_wait3A_644 = tpu.memref_slice %arg6[%dma_wait3A_643, %select_n3A_437, %multiple_of3A_444] : memref<16x16x256xi32, #tpu.memory_space<vmem>> -> memref<1x1x8xi32, #tpu.memory_space<vmem>>
      %dma_wait3A_645 = tpu.memref_squeeze %dma_wait3A_644 : memref<1x1x8xi32, #tpu.memory_space<vmem>> -> memref<8xi32, #tpu.memory_space<vmem>>
      %dma_wait3A_646 = arith.constant 0 : i32
      %dma_wait3A_647 = tpu.memref_slice %arg8[%select_n3A_448, %dma_wait3A_646] : memref<9x8xi32, #tpu.memory_space<vmem_shared>> -> memref<1x8xi32, #tpu.memory_space<vmem_shared>>
      %dma_wait3A_648 = tpu.memref_squeeze %dma_wait3A_647 : memref<1x8xi32, #tpu.memory_space<vmem_shared>> -> memref<8xi32, #tpu.memory_space<vmem_shared>>
      %dma_wait3A_649 = tpu.memref_slice %arg6[%dma_wait3A_643, %select_n3A_437, %multiple_of3A_444] : memref<16x16x256xi32, #tpu.memory_space<vmem>> -> memref<1x1x8xi32, #tpu.memory_space<vmem>>
      %dma_wait3A_650 = tpu.memref_squeeze %dma_wait3A_649 : memref<1x1x8xi32, #tpu.memory_space<vmem>> -> memref<8xi32, #tpu.memory_space<vmem>>
      %dma_wait3A_651 = arith.constant 0 : i32
      %dma_wait3A_652 = tpu.memref_slice %arg8[%select_n3A_448, %dma_wait3A_651] : memref<9x8xi32, #tpu.memory_space<vmem_shared>> -> memref<1x8xi32, #tpu.memory_space<vmem_shared>>
      %dma_wait3A_653 = tpu.memref_squeeze %dma_wait3A_652 : memref<1x8xi32, #tpu.memory_space<vmem_shared>> -> memref<8xi32, #tpu.memory_space<vmem_shared>>
      tpu.wait_dma2 semaphore(%arg9 : memref<!tpu.dma_semaphore, #tpu.memory_space<semaphore_mem>>) src(%dma_wait3A_653 : memref<8xi32, #tpu.memory_space<vmem_shared>>) dst(%dma_wait3A_650 : memref<8xi32, #tpu.memory_space<vmem>>)
      %dma_wait3A_654 = arith.constant 15 : i32
      %dma_wait3A_655 = tpu.memref_slice %arg6[%dma_wait3A_654, %select_n3A_467, %multiple_of3A_474] : memref<16x16x256xi32, #tpu.memory_space<vmem>> -> memref<1x1x8xi32, #tpu.memory_space<vmem>>
      %dma_wait3A_656 = tpu.memref_squeeze %dma_wait3A_655 : memref<1x1x8xi32, #tpu.memory_space<vmem>> -> memref<8xi32, #tpu.memory_space<vmem>>
      %dma_wait3A_657 = arith.constant 0 : i32
      %dma_wait3A_658 = tpu.memref_slice %arg8[%select_n3A_478, %dma_wait3A_657] : memref<9x8xi32, #tpu.memory_space<vmem_shared>> -> memref<1x8xi32, #tpu.memory_space<vmem_shared>>
      %dma_wait3A_659 = tpu.memref_squeeze %dma_wait3A_658 : memref<1x8xi32, #tpu.memory_space<vmem_shared>> -> memref<8xi32, #tpu.memory_space<vmem_shared>>
      %dma_wait3A_660 = tpu.memref_slice %arg6[%dma_wait3A_654, %select_n3A_467, %multiple_of3A_474] : memref<16x16x256xi32, #tpu.memory_space<vmem>> -> memref<1x1x8xi32, #tpu.memory_space<vmem>>
      %dma_wait3A_661 = tpu.memref_squeeze %dma_wait3A_660 : memref<1x1x8xi32, #tpu.memory_space<vmem>> -> memref<8xi32, #tpu.memory_space<vmem>>
      %dma_wait3A_662 = arith.constant 0 : i32
      %dma_wait3A_663 = tpu.memref_slice %arg8[%select_n3A_478, %dma_wait3A_662] : memref<9x8xi32, #tpu.memory_space<vmem_shared>> -> memref<1x8xi32, #tpu.memory_space<vmem_shared>>
      %dma_wait3A_664 = tpu.memref_squeeze %dma_wait3A_663 : memref<1x8xi32, #tpu.memory_space<vmem_shared>> -> memref<8xi32, #tpu.memory_space<vmem_shared>>
      tpu.wait_dma2 semaphore(%arg9 : memref<!tpu.dma_semaphore, #tpu.memory_space<semaphore_mem>>) src(%dma_wait3A_664 : memref<8xi32, #tpu.memory_space<vmem_shared>>) dst(%dma_wait3A_661 : memref<8xi32, #tpu.memory_space<vmem>>)
      %mul3A_665 = arith.constant 16 : i32
      %mul3A_666 = arith.muli %scan3A_11, %mul3A_665 : i32
      %add3A_667 = arith.addi %mul3A_2, %mul3A_666 : i32
      "tpu.region"() ({
        %run_scoped3A = tpu.sem_alloc : memref<!tpu.dma_semaphore, #tpu.memory_space<semaphore_mem>>
        %dma_start3A_1300 = arith.constant 0 : i32
        %dma_start3A_1301 = arith.constant 0 : i32
        %dma_start3A_1302 = tpu.memref_slice %arg5[%add3A_667, %dma_start3A_1300, %dma_start3A_1301] : memref<4096x16x256xi32, #tpu.memory_space<hbm>> -> memref<16x16x256xi32, #tpu.memory_space<hbm>>
        %dma_start3A_1303 = arith.constant 0 : i32
        %dma_start3A_1304 = arith.constant 0 : i32
        %dma_start3A_1305 = tpu.memref_slice %arg5[%add3A_667, %dma_start3A_1303, %dma_start3A_1304] : memref<4096x16x256xi32, #tpu.memory_space<hbm>> -> memref<16x16x256xi32, #tpu.memory_space<hbm>>
        tpu.enqueue_dma source(%arg6 : memref<16x16x256xi32, #tpu.memory_space<vmem>>) target(%dma_start3A_1305 : memref<16x16x256xi32, #tpu.memory_space<hbm>>) target_semaphore(%run_scoped3A : memref<!tpu.dma_semaphore, #tpu.memory_space<semaphore_mem>>)
        %dma_wait3A_1306 = arith.constant 0 : i32
        %dma_wait3A_1307 = arith.constant 0 : i32
        %dma_wait3A_1308 = tpu.memref_slice %arg5[%add3A_667, %dma_wait3A_1306, %dma_wait3A_1307] : memref<4096x16x256xi32, #tpu.memory_space<hbm>> -> memref<16x16x256xi32, #tpu.memory_space<hbm>>
        %dma_wait3A_1309 = arith.constant 0 : i32
        %dma_wait3A_1310 = arith.constant 0 : i32
        %dma_wait3A_1311 = tpu.memref_slice %arg5[%add3A_667, %dma_wait3A_1309, %dma_wait3A_1310] : memref<4096x16x256xi32, #tpu.memory_space<hbm>> -> memref<16x16x256xi32, #tpu.memory_space<hbm>>
        tpu.wait_dma2 semaphore(%run_scoped3A : memref<!tpu.dma_semaphore, #tpu.memory_space<semaphore_mem>>) src(%arg6 : memref<16x16x256xi32, #tpu.memory_space<vmem>>) dst(%dma_wait3A_1311 : memref<16x16x256xi32, #tpu.memory_space<hbm>>)
        tpu.yield
      }) : () -> ()
      %mul3A_668 = arith.constant 16 : i32
      %mul3A_669 = arith.muli %scan3A_11, %mul3A_668 : i32
      %add3A_670 = arith.constant 0 : i32
      %add3A_671 = arith.addi %mul3A_669, %add3A_670 : i32
      %get3A_672 = arith.index_cast %add3A_671 : i32 to index
      %get3A_673 = tpu.vector_load %arg7[%get3A_672] {strides = array<i32>} : memref<128xi32, #tpu.memory_space<vmem>>, vector<16xi32>,
      %get3A_674 = vector.shape_cast %get3A_673 : vector<16xi32> to vector<16xi32>
      %slice3A_675 = vector.extract_strided_slice %get3A_674 {offsets = [0], sizes = [1], strides = [1]} : vector<16xi32> to vector<1xi32>
      %squeeze3A_676 = vector.extract %slice3A_675[0] : i32 from vector<1xi32>
      %ge3A_677 = arith.constant 0 : i32
      %ge3A_678 = arith.cmpi sge, %squeeze3A_676, %ge3A_677 : i32
      %shift_right_logical3A_679 = arith.constant 8 : i32
      %shift_right_logical3A_680 = arith.shrui %squeeze3A_676, %shift_right_logical3A_679 : i32
      %jit3A_681 = arith.constant 0 : i32
      %select_n3A_682 = arith.select %ge3A_678, %shift_right_logical3A_680, %jit3A_681 : i32
      %and3A_683 = arith.constant 255 : i32
      %and3A_684 = arith.andi %squeeze3A_676, %and3A_683 : i32
      %and3A_685 = arith.constant 248 : i32
      %and3A_686 = arith.andi %and3A_684, %and3A_685 : i32
      %jit3A_687 = arith.constant 0 : i32
      %select_n3A_688 = arith.select %ge3A_678, %and3A_686, %jit3A_687 : i32
      %multiple_of3A_689 = tpu.assume_multiple %select_n3A_688, 8 : i32
      %dma_start3A_690 = arith.constant 8 : i32
      %dma_start3A_691 = arith.constant 0 : i32
      %dma_start3A_692 = tpu.memref_slice %arg6[%dma_start3A_691, %select_n3A_682, %multiple_of3A_689] : memref<16x16x256xi32, #tpu.memory_space<vmem>> -> memref<1x1x8xi32, #tpu.memory_space<vmem>>
      %dma_start3A_693 = tpu.memref_squeeze %dma_start3A_692 : memref<1x1x8xi32, #tpu.memory_space<vmem>> -> memref<8xi32, #tpu.memory_space<vmem>>
      %dma_start3A_694 = arith.constant 0 : i32
      %dma_start3A_695 = tpu.memref_slice %arg8[%dma_start3A_690, %dma_start3A_694] : memref<9x8xi32, #tpu.memory_space<vmem_shared>> -> memref<1x8xi32, #tpu.memory_space<vmem_shared>>
      %dma_start3A_696 = tpu.memref_squeeze %dma_start3A_695 : memref<1x8xi32, #tpu.memory_space<vmem_shared>> -> memref<8xi32, #tpu.memory_space<vmem_shared>>
      %dma_start3A_697 = tpu.memref_slice %arg6[%dma_start3A_691, %select_n3A_682, %multiple_of3A_689] : memref<16x16x256xi32, #tpu.memory_space<vmem>> -> memref<1x1x8xi32, #tpu.memory_space<vmem>>
      %dma_start3A_698 = tpu.memref_squeeze %dma_start3A_697 : memref<1x1x8xi32, #tpu.memory_space<vmem>> -> memref<8xi32, #tpu.memory_space<vmem>>
      %dma_start3A_699 = arith.constant 0 : i32
      %dma_start3A_700 = tpu.memref_slice %arg8[%dma_start3A_690, %dma_start3A_699] : memref<9x8xi32, #tpu.memory_space<vmem_shared>> -> memref<1x8xi32, #tpu.memory_space<vmem_shared>>
      %dma_start3A_701 = tpu.memref_squeeze %dma_start3A_700 : memref<1x8xi32, #tpu.memory_space<vmem_shared>> -> memref<8xi32, #tpu.memory_space<vmem_shared>>
      tpu.enqueue_dma source(%dma_start3A_701 : memref<8xi32, #tpu.memory_space<vmem_shared>>) target(%dma_start3A_698 : memref<8xi32, #tpu.memory_space<vmem>>) target_semaphore(%arg9 : memref<!tpu.dma_semaphore, #tpu.memory_space<semaphore_mem>>)
      %slice3A_702 = vector.extract_strided_slice %get3A_674 {offsets = [1], sizes = [1], strides = [1]} : vector<16xi32> to vector<1xi32>
      %squeeze3A_703 = vector.extract %slice3A_702[0] : i32 from vector<1xi32>
      %ge3A_704 = arith.constant 0 : i32
      %ge3A_705 = arith.cmpi sge, %squeeze3A_703, %ge3A_704 : i32
      %shift_right_logical3A_706 = arith.constant 8 : i32
      %shift_right_logical3A_707 = arith.shrui %squeeze3A_703, %shift_right_logical3A_706 : i32
      %jit3A_708 = arith.constant 0 : i32
      %select_n3A_709 = arith.select %ge3A_705, %shift_right_logical3A_707, %jit3A_708 : i32
      %and3A_710 = arith.constant 255 : i32
      %and3A_711 = arith.andi %squeeze3A_703, %and3A_710 : i32
      %and3A_712 = arith.constant 248 : i32
      %and3A_713 = arith.andi %and3A_711, %and3A_712 : i32
      %jit3A_714 = arith.constant 0 : i32
      %select_n3A_715 = arith.select %ge3A_705, %and3A_713, %jit3A_714 : i32
      %multiple_of3A_716 = tpu.assume_multiple %select_n3A_715, 8 : i32
      %dma_start3A_717 = arith.constant 8 : i32
      %dma_start3A_718 = arith.constant 1 : i32
      %dma_start3A_719 = tpu.memref_slice %arg6[%dma_start3A_718, %select_n3A_709, %multiple_of3A_716] : memref<16x16x256xi32, #tpu.memory_space<vmem>> -> memref<1x1x8xi32, #tpu.memory_space<vmem>>
      %dma_start3A_720 = tpu.memref_squeeze %dma_start3A_719 : memref<1x1x8xi32, #tpu.memory_space<vmem>> -> memref<8xi32, #tpu.memory_space<vmem>>
      %dma_start3A_721 = arith.constant 0 : i32
      %dma_start3A_722 = tpu.memref_slice %arg8[%dma_start3A_717, %dma_start3A_721] : memref<9x8xi32, #tpu.memory_space<vmem_shared>> -> memref<1x8xi32, #tpu.memory_space<vmem_shared>>
      %dma_start3A_723 = tpu.memref_squeeze %dma_start3A_722 : memref<1x8xi32, #tpu.memory_space<vmem_shared>> -> memref<8xi32, #tpu.memory_space<vmem_shared>>
      %dma_start3A_724 = tpu.memref_slice %arg6[%dma_start3A_718, %select_n3A_709, %multiple_of3A_716] : memref<16x16x256xi32, #tpu.memory_space<vmem>> -> memref<1x1x8xi32, #tpu.memory_space<vmem>>
      %dma_start3A_725 = tpu.memref_squeeze %dma_start3A_724 : memref<1x1x8xi32, #tpu.memory_space<vmem>> -> memref<8xi32, #tpu.memory_space<vmem>>
      %dma_start3A_726 = arith.constant 0 : i32
      %dma_start3A_727 = tpu.memref_slice %arg8[%dma_start3A_717, %dma_start3A_726] : memref<9x8xi32, #tpu.memory_space<vmem_shared>> -> memref<1x8xi32, #tpu.memory_space<vmem_shared>>
      %dma_start3A_728 = tpu.memref_squeeze %dma_start3A_727 : memref<1x8xi32, #tpu.memory_space<vmem_shared>> -> memref<8xi32, #tpu.memory_space<vmem_shared>>
      tpu.enqueue_dma source(%dma_start3A_728 : memref<8xi32, #tpu.memory_space<vmem_shared>>) target(%dma_start3A_725 : memref<8xi32, #tpu.memory_space<vmem>>) target_semaphore(%arg9 : memref<!tpu.dma_semaphore, #tpu.memory_space<semaphore_mem>>)
      %slice3A_729 = vector.extract_strided_slice %get3A_674 {offsets = [2], sizes = [1], strides = [1]} : vector<16xi32> to vector<1xi32>
      %squeeze3A_730 = vector.extract %slice3A_729[0] : i32 from vector<1xi32>
      %ge3A_731 = arith.constant 0 : i32
      %ge3A_732 = arith.cmpi sge, %squeeze3A_730, %ge3A_731 : i32
      %shift_right_logical3A_733 = arith.constant 8 : i32
      %shift_right_logical3A_734 = arith.shrui %squeeze3A_730, %shift_right_logical3A_733 : i32
      %jit3A_735 = arith.constant 0 : i32
      %select_n3A_736 = arith.select %ge3A_732, %shift_right_logical3A_734, %jit3A_735 : i32
      %and3A_737 = arith.constant 255 : i32
      %and3A_738 = arith.andi %squeeze3A_730, %and3A_737 : i32
      %and3A_739 = arith.constant 248 : i32
      %and3A_740 = arith.andi %and3A_738, %and3A_739 : i32
      %jit3A_741 = arith.constant 0 : i32
      %select_n3A_742 = arith.select %ge3A_732, %and3A_740, %jit3A_741 : i32
      %multiple_of3A_743 = tpu.assume_multiple %select_n3A_742, 8 : i32
      %dma_start3A_744 = arith.constant 8 : i32
      %dma_start3A_745 = arith.constant 2 : i32
      %dma_start3A_746 = tpu.memref_slice %arg6[%dma_start3A_745, %select_n3A_736, %multiple_of3A_743] : memref<16x16x256xi32, #tpu.memory_space<vmem>> -> memref<1x1x8xi32, #tpu.memory_space<vmem>>
      %dma_start3A_747 = tpu.memref_squeeze %dma_start3A_746 : memref<1x1x8xi32, #tpu.memory_space<vmem>> -> memref<8xi32, #tpu.memory_space<vmem>>
      %dma_start3A_748 = arith.constant 0 : i32
      %dma_start3A_749 = tpu.memref_slice %arg8[%dma_start3A_744, %dma_start3A_748] : memref<9x8xi32, #tpu.memory_space<vmem_shared>> -> memref<1x8xi32, #tpu.memory_space<vmem_shared>>
      %dma_start3A_750 = tpu.memref_squeeze %dma_start3A_749 : memref<1x8xi32, #tpu.memory_space<vmem_shared>> -> memref<8xi32, #tpu.memory_space<vmem_shared>>
      %dma_start3A_751 = tpu.memref_slice %arg6[%dma_start3A_745, %select_n3A_736, %multiple_of3A_743] : memref<16x16x256xi32, #tpu.memory_space<vmem>> -> memref<1x1x8xi32, #tpu.memory_space<vmem>>
      %dma_start3A_752 = tpu.memref_squeeze %dma_start3A_751 : memref<1x1x8xi32, #tpu.memory_space<vmem>> -> memref<8xi32, #tpu.memory_space<vmem>>
      %dma_start3A_753 = arith.constant 0 : i32
      %dma_start3A_754 = tpu.memref_slice %arg8[%dma_start3A_744, %dma_start3A_753] : memref<9x8xi32, #tpu.memory_space<vmem_shared>> -> memref<1x8xi32, #tpu.memory_space<vmem_shared>>
      %dma_start3A_755 = tpu.memref_squeeze %dma_start3A_754 : memref<1x8xi32, #tpu.memory_space<vmem_shared>> -> memref<8xi32, #tpu.memory_space<vmem_shared>>
      tpu.enqueue_dma source(%dma_start3A_755 : memref<8xi32, #tpu.memory_space<vmem_shared>>) target(%dma_start3A_752 : memref<8xi32, #tpu.memory_space<vmem>>) target_semaphore(%arg9 : memref<!tpu.dma_semaphore, #tpu.memory_space<semaphore_mem>>)
      %slice3A_756 = vector.extract_strided_slice %get3A_674 {offsets = [3], sizes = [1], strides = [1]} : vector<16xi32> to vector<1xi32>
      %squeeze3A_757 = vector.extract %slice3A_756[0] : i32 from vector<1xi32>
      %ge3A_758 = arith.constant 0 : i32
      %ge3A_759 = arith.cmpi sge, %squeeze3A_757, %ge3A_758 : i32
      %shift_right_logical3A_760 = arith.constant 8 : i32
      %shift_right_logical3A_761 = arith.shrui %squeeze3A_757, %shift_right_logical3A_760 : i32
      %jit3A_762 = arith.constant 0 : i32
      %select_n3A_763 = arith.select %ge3A_759, %shift_right_logical3A_761, %jit3A_762 : i32
      %and3A_764 = arith.constant 255 : i32
      %and3A_765 = arith.andi %squeeze3A_757, %and3A_764 : i32
      %and3A_766 = arith.constant 248 : i32
      %and3A_767 = arith.andi %and3A_765, %and3A_766 : i32
      %jit3A_768 = arith.constant 0 : i32
      %select_n3A_769 = arith.select %ge3A_759, %and3A_767, %jit3A_768 : i32
      %multiple_of3A_770 = tpu.assume_multiple %select_n3A_769, 8 : i32
      %dma_start3A_771 = arith.constant 8 : i32
      %dma_start3A_772 = arith.constant 3 : i32
      %dma_start3A_773 = tpu.memref_slice %arg6[%dma_start3A_772, %select_n3A_763, %multiple_of3A_770] : memref<16x16x256xi32, #tpu.memory_space<vmem>> -> memref<1x1x8xi32, #tpu.memory_space<vmem>>
      %dma_start3A_774 = tpu.memref_squeeze %dma_start3A_773 : memref<1x1x8xi32, #tpu.memory_space<vmem>> -> memref<8xi32, #tpu.memory_space<vmem>>
      %dma_start3A_775 = arith.constant 0 : i32
      %dma_start3A_776 = tpu.memref_slice %arg8[%dma_start3A_771, %dma_start3A_775] : memref<9x8xi32, #tpu.memory_space<vmem_shared>> -> memref<1x8xi32, #tpu.memory_space<vmem_shared>>
      %dma_start3A_777 = tpu.memref_squeeze %dma_start3A_776 : memref<1x8xi32, #tpu.memory_space<vmem_shared>> -> memref<8xi32, #tpu.memory_space<vmem_shared>>
      %dma_start3A_778 = tpu.memref_slice %arg6[%dma_start3A_772, %select_n3A_763, %multiple_of3A_770] : memref<16x16x256xi32, #tpu.memory_space<vmem>> -> memref<1x1x8xi32, #tpu.memory_space<vmem>>
      %dma_start3A_779 = tpu.memref_squeeze %dma_start3A_778 : memref<1x1x8xi32, #tpu.memory_space<vmem>> -> memref<8xi32, #tpu.memory_space<vmem>>
      %dma_start3A_780 = arith.constant 0 : i32
      %dma_start3A_781 = tpu.memref_slice %arg8[%dma_start3A_771, %dma_start3A_780] : memref<9x8xi32, #tpu.memory_space<vmem_shared>> -> memref<1x8xi32, #tpu.memory_space<vmem_shared>>
      %dma_start3A_782 = tpu.memref_squeeze %dma_start3A_781 : memref<1x8xi32, #tpu.memory_space<vmem_shared>> -> memref<8xi32, #tpu.memory_space<vmem_shared>>
      tpu.enqueue_dma source(%dma_start3A_782 : memref<8xi32, #tpu.memory_space<vmem_shared>>) target(%dma_start3A_779 : memref<8xi32, #tpu.memory_space<vmem>>) target_semaphore(%arg9 : memref<!tpu.dma_semaphore, #tpu.memory_space<semaphore_mem>>)
      %slice3A_783 = vector.extract_strided_slice %get3A_674 {offsets = [4], sizes = [1], strides = [1]} : vector<16xi32> to vector<1xi32>
      %squeeze3A_784 = vector.extract %slice3A_783[0] : i32 from vector<1xi32>
      %ge3A_785 = arith.constant 0 : i32
      %ge3A_786 = arith.cmpi sge, %squeeze3A_784, %ge3A_785 : i32
      %shift_right_logical3A_787 = arith.constant 8 : i32
      %shift_right_logical3A_788 = arith.shrui %squeeze3A_784, %shift_right_logical3A_787 : i32
      %jit3A_789 = arith.constant 0 : i32
      %select_n3A_790 = arith.select %ge3A_786, %shift_right_logical3A_788, %jit3A_789 : i32
      %and3A_791 = arith.constant 255 : i32
      %and3A_792 = arith.andi %squeeze3A_784, %and3A_791 : i32
      %and3A_793 = arith.constant 248 : i32
      %and3A_794 = arith.andi %and3A_792, %and3A_793 : i32
      %jit3A_795 = arith.constant 0 : i32
      %select_n3A_796 = arith.select %ge3A_786, %and3A_794, %jit3A_795 : i32
      %multiple_of3A_797 = tpu.assume_multiple %select_n3A_796, 8 : i32
      %dma_start3A_798 = arith.constant 8 : i32
      %dma_start3A_799 = arith.constant 4 : i32
      %dma_start3A_800 = tpu.memref_slice %arg6[%dma_start3A_799, %select_n3A_790, %multiple_of3A_797] : memref<16x16x256xi32, #tpu.memory_space<vmem>> -> memref<1x1x8xi32, #tpu.memory_space<vmem>>
      %dma_start3A_801 = tpu.memref_squeeze %dma_start3A_800 : memref<1x1x8xi32, #tpu.memory_space<vmem>> -> memref<8xi32, #tpu.memory_space<vmem>>
      %dma_start3A_802 = arith.constant 0 : i32
      %dma_start3A_803 = tpu.memref_slice %arg8[%dma_start3A_798, %dma_start3A_802] : memref<9x8xi32, #tpu.memory_space<vmem_shared>> -> memref<1x8xi32, #tpu.memory_space<vmem_shared>>
      %dma_start3A_804 = tpu.memref_squeeze %dma_start3A_803 : memref<1x8xi32, #tpu.memory_space<vmem_shared>> -> memref<8xi32, #tpu.memory_space<vmem_shared>>
      %dma_start3A_805 = tpu.memref_slice %arg6[%dma_start3A_799, %select_n3A_790, %multiple_of3A_797] : memref<16x16x256xi32, #tpu.memory_space<vmem>> -> memref<1x1x8xi32, #tpu.memory_space<vmem>>
      %dma_start3A_806 = tpu.memref_squeeze %dma_start3A_805 : memref<1x1x8xi32, #tpu.memory_space<vmem>> -> memref<8xi32, #tpu.memory_space<vmem>>
      %dma_start3A_807 = arith.constant 0 : i32
      %dma_start3A_808 = tpu.memref_slice %arg8[%dma_start3A_798, %dma_start3A_807] : memref<9x8xi32, #tpu.memory_space<vmem_shared>> -> memref<1x8xi32, #tpu.memory_space<vmem_shared>>
      %dma_start3A_809 = tpu.memref_squeeze %dma_start3A_808 : memref<1x8xi32, #tpu.memory_space<vmem_shared>> -> memref<8xi32, #tpu.memory_space<vmem_shared>>
      tpu.enqueue_dma source(%dma_start3A_809 : memref<8xi32, #tpu.memory_space<vmem_shared>>) target(%dma_start3A_806 : memref<8xi32, #tpu.memory_space<vmem>>) target_semaphore(%arg9 : memref<!tpu.dma_semaphore, #tpu.memory_space<semaphore_mem>>)
      %slice3A_810 = vector.extract_strided_slice %get3A_674 {offsets = [5], sizes = [1], strides = [1]} : vector<16xi32> to vector<1xi32>
      %squeeze3A_811 = vector.extract %slice3A_810[0] : i32 from vector<1xi32>
      %ge3A_812 = arith.constant 0 : i32
      %ge3A_813 = arith.cmpi sge, %squeeze3A_811, %ge3A_812 : i32
      %shift_right_logical3A_814 = arith.constant 8 : i32
      %shift_right_logical3A_815 = arith.shrui %squeeze3A_811, %shift_right_logical3A_814 : i32
      %jit3A_816 = arith.constant 0 : i32
      %select_n3A_817 = arith.select %ge3A_813, %shift_right_logical3A_815, %jit3A_816 : i32
      %and3A_818 = arith.constant 255 : i32
      %and3A_819 = arith.andi %squeeze3A_811, %and3A_818 : i32
      %and3A_820 = arith.constant 248 : i32
      %and3A_821 = arith.andi %and3A_819, %and3A_820 : i32
      %jit3A_822 = arith.constant 0 : i32
      %select_n3A_823 = arith.select %ge3A_813, %and3A_821, %jit3A_822 : i32
      %multiple_of3A_824 = tpu.assume_multiple %select_n3A_823, 8 : i32
      %dma_start3A_825 = arith.constant 8 : i32
      %dma_start3A_826 = arith.constant 5 : i32
      %dma_start3A_827 = tpu.memref_slice %arg6[%dma_start3A_826, %select_n3A_817, %multiple_of3A_824] : memref<16x16x256xi32, #tpu.memory_space<vmem>> -> memref<1x1x8xi32, #tpu.memory_space<vmem>>
      %dma_start3A_828 = tpu.memref_squeeze %dma_start3A_827 : memref<1x1x8xi32, #tpu.memory_space<vmem>> -> memref<8xi32, #tpu.memory_space<vmem>>
      %dma_start3A_829 = arith.constant 0 : i32
      %dma_start3A_830 = tpu.memref_slice %arg8[%dma_start3A_825, %dma_start3A_829] : memref<9x8xi32, #tpu.memory_space<vmem_shared>> -> memref<1x8xi32, #tpu.memory_space<vmem_shared>>
      %dma_start3A_831 = tpu.memref_squeeze %dma_start3A_830 : memref<1x8xi32, #tpu.memory_space<vmem_shared>> -> memref<8xi32, #tpu.memory_space<vmem_shared>>
      %dma_start3A_832 = tpu.memref_slice %arg6[%dma_start3A_826, %select_n3A_817, %multiple_of3A_824] : memref<16x16x256xi32, #tpu.memory_space<vmem>> -> memref<1x1x8xi32, #tpu.memory_space<vmem>>
      %dma_start3A_833 = tpu.memref_squeeze %dma_start3A_832 : memref<1x1x8xi32, #tpu.memory_space<vmem>> -> memref<8xi32, #tpu.memory_space<vmem>>
      %dma_start3A_834 = arith.constant 0 : i32
      %dma_start3A_835 = tpu.memref_slice %arg8[%dma_start3A_825, %dma_start3A_834] : memref<9x8xi32, #tpu.memory_space<vmem_shared>> -> memref<1x8xi32, #tpu.memory_space<vmem_shared>>
      %dma_start3A_836 = tpu.memref_squeeze %dma_start3A_835 : memref<1x8xi32, #tpu.memory_space<vmem_shared>> -> memref<8xi32, #tpu.memory_space<vmem_shared>>
      tpu.enqueue_dma source(%dma_start3A_836 : memref<8xi32, #tpu.memory_space<vmem_shared>>) target(%dma_start3A_833 : memref<8xi32, #tpu.memory_space<vmem>>) target_semaphore(%arg9 : memref<!tpu.dma_semaphore, #tpu.memory_space<semaphore_mem>>)
      %slice3A_837 = vector.extract_strided_slice %get3A_674 {offsets = [6], sizes = [1], strides = [1]} : vector<16xi32> to vector<1xi32>
      %squeeze3A_838 = vector.extract %slice3A_837[0] : i32 from vector<1xi32>
      %ge3A_839 = arith.constant 0 : i32
      %ge3A_840 = arith.cmpi sge, %squeeze3A_838, %ge3A_839 : i32
      %shift_right_logical3A_841 = arith.constant 8 : i32
      %shift_right_logical3A_842 = arith.shrui %squeeze3A_838, %shift_right_logical3A_841 : i32
      %jit3A_843 = arith.constant 0 : i32
      %select_n3A_844 = arith.select %ge3A_840, %shift_right_logical3A_842, %jit3A_843 : i32
      %and3A_845 = arith.constant 255 : i32
      %and3A_846 = arith.andi %squeeze3A_838, %and3A_845 : i32
      %and3A_847 = arith.constant 248 : i32
      %and3A_848 = arith.andi %and3A_846, %and3A_847 : i32
      %jit3A_849 = arith.constant 0 : i32
      %select_n3A_850 = arith.select %ge3A_840, %and3A_848, %jit3A_849 : i32
      %multiple_of3A_851 = tpu.assume_multiple %select_n3A_850, 8 : i32
      %dma_start3A_852 = arith.constant 8 : i32
      %dma_start3A_853 = arith.constant 6 : i32
      %dma_start3A_854 = tpu.memref_slice %arg6[%dma_start3A_853, %select_n3A_844, %multiple_of3A_851] : memref<16x16x256xi32, #tpu.memory_space<vmem>> -> memref<1x1x8xi32, #tpu.memory_space<vmem>>
      %dma_start3A_855 = tpu.memref_squeeze %dma_start3A_854 : memref<1x1x8xi32, #tpu.memory_space<vmem>> -> memref<8xi32, #tpu.memory_space<vmem>>
      %dma_start3A_856 = arith.constant 0 : i32
      %dma_start3A_857 = tpu.memref_slice %arg8[%dma_start3A_852, %dma_start3A_856] : memref<9x8xi32, #tpu.memory_space<vmem_shared>> -> memref<1x8xi32, #tpu.memory_space<vmem_shared>>
      %dma_start3A_858 = tpu.memref_squeeze %dma_start3A_857 : memref<1x8xi32, #tpu.memory_space<vmem_shared>> -> memref<8xi32, #tpu.memory_space<vmem_shared>>
      %dma_start3A_859 = tpu.memref_slice %arg6[%dma_start3A_853, %select_n3A_844, %multiple_of3A_851] : memref<16x16x256xi32, #tpu.memory_space<vmem>> -> memref<1x1x8xi32, #tpu.memory_space<vmem>>
      %dma_start3A_860 = tpu.memref_squeeze %dma_start3A_859 : memref<1x1x8xi32, #tpu.memory_space<vmem>> -> memref<8xi32, #tpu.memory_space<vmem>>
      %dma_start3A_861 = arith.constant 0 : i32
      %dma_start3A_862 = tpu.memref_slice %arg8[%dma_start3A_852, %dma_start3A_861] : memref<9x8xi32, #tpu.memory_space<vmem_shared>> -> memref<1x8xi32, #tpu.memory_space<vmem_shared>>
      %dma_start3A_863 = tpu.memref_squeeze %dma_start3A_862 : memref<1x8xi32, #tpu.memory_space<vmem_shared>> -> memref<8xi32, #tpu.memory_space<vmem_shared>>
      tpu.enqueue_dma source(%dma_start3A_863 : memref<8xi32, #tpu.memory_space<vmem_shared>>) target(%dma_start3A_860 : memref<8xi32, #tpu.memory_space<vmem>>) target_semaphore(%arg9 : memref<!tpu.dma_semaphore, #tpu.memory_space<semaphore_mem>>)
      %slice3A_864 = vector.extract_strided_slice %get3A_674 {offsets = [7], sizes = [1], strides = [1]} : vector<16xi32> to vector<1xi32>
      %squeeze3A_865 = vector.extract %slice3A_864[0] : i32 from vector<1xi32>
      %ge3A_866 = arith.constant 0 : i32
      %ge3A_867 = arith.cmpi sge, %squeeze3A_865, %ge3A_866 : i32
      %shift_right_logical3A_868 = arith.constant 8 : i32
      %shift_right_logical3A_869 = arith.shrui %squeeze3A_865, %shift_right_logical3A_868 : i32
      %jit3A_870 = arith.constant 0 : i32
      %select_n3A_871 = arith.select %ge3A_867, %shift_right_logical3A_869, %jit3A_870 : i32
      %and3A_872 = arith.constant 255 : i32
      %and3A_873 = arith.andi %squeeze3A_865, %and3A_872 : i32
      %and3A_874 = arith.constant 248 : i32
      %and3A_875 = arith.andi %and3A_873, %and3A_874 : i32
      %jit3A_876 = arith.constant 0 : i32
      %select_n3A_877 = arith.select %ge3A_867, %and3A_875, %jit3A_876 : i32
      %multiple_of3A_878 = tpu.assume_multiple %select_n3A_877, 8 : i32
      %dma_start3A_879 = arith.constant 8 : i32
      %dma_start3A_880 = arith.constant 7 : i32
      %dma_start3A_881 = tpu.memref_slice %arg6[%dma_start3A_880, %select_n3A_871, %multiple_of3A_878] : memref<16x16x256xi32, #tpu.memory_space<vmem>> -> memref<1x1x8xi32, #tpu.memory_space<vmem>>
      %dma_start3A_882 = tpu.memref_squeeze %dma_start3A_881 : memref<1x1x8xi32, #tpu.memory_space<vmem>> -> memref<8xi32, #tpu.memory_space<vmem>>
      %dma_start3A_883 = arith.constant 0 : i32
      %dma_start3A_884 = tpu.memref_slice %arg8[%dma_start3A_879, %dma_start3A_883] : memref<9x8xi32, #tpu.memory_space<vmem_shared>> -> memref<1x8xi32, #tpu.memory_space<vmem_shared>>
      %dma_start3A_885 = tpu.memref_squeeze %dma_start3A_884 : memref<1x8xi32, #tpu.memory_space<vmem_shared>> -> memref<8xi32, #tpu.memory_space<vmem_shared>>
      %dma_start3A_886 = tpu.memref_slice %arg6[%dma_start3A_880, %select_n3A_871, %multiple_of3A_878] : memref<16x16x256xi32, #tpu.memory_space<vmem>> -> memref<1x1x8xi32, #tpu.memory_space<vmem>>
      %dma_start3A_887 = tpu.memref_squeeze %dma_start3A_886 : memref<1x1x8xi32, #tpu.memory_space<vmem>> -> memref<8xi32, #tpu.memory_space<vmem>>
      %dma_start3A_888 = arith.constant 0 : i32
      %dma_start3A_889 = tpu.memref_slice %arg8[%dma_start3A_879, %dma_start3A_888] : memref<9x8xi32, #tpu.memory_space<vmem_shared>> -> memref<1x8xi32, #tpu.memory_space<vmem_shared>>
      %dma_start3A_890 = tpu.memref_squeeze %dma_start3A_889 : memref<1x8xi32, #tpu.memory_space<vmem_shared>> -> memref<8xi32, #tpu.memory_space<vmem_shared>>
      tpu.enqueue_dma source(%dma_start3A_890 : memref<8xi32, #tpu.memory_space<vmem_shared>>) target(%dma_start3A_887 : memref<8xi32, #tpu.memory_space<vmem>>) target_semaphore(%arg9 : memref<!tpu.dma_semaphore, #tpu.memory_space<semaphore_mem>>)
      %slice3A_891 = vector.extract_strided_slice %get3A_674 {offsets = [8], sizes = [1], strides = [1]} : vector<16xi32> to vector<1xi32>
      %squeeze3A_892 = vector.extract %slice3A_891[0] : i32 from vector<1xi32>
      %ge3A_893 = arith.constant 0 : i32
      %ge3A_894 = arith.cmpi sge, %squeeze3A_892, %ge3A_893 : i32
      %shift_right_logical3A_895 = arith.constant 8 : i32
      %shift_right_logical3A_896 = arith.shrui %squeeze3A_892, %shift_right_logical3A_895 : i32
      %jit3A_897 = arith.constant 0 : i32
      %select_n3A_898 = arith.select %ge3A_894, %shift_right_logical3A_896, %jit3A_897 : i32
      %and3A_899 = arith.constant 255 : i32
      %and3A_900 = arith.andi %squeeze3A_892, %and3A_899 : i32
      %and3A_901 = arith.constant 248 : i32
      %and3A_902 = arith.andi %and3A_900, %and3A_901 : i32
      %jit3A_903 = arith.constant 0 : i32
      %select_n3A_904 = arith.select %ge3A_894, %and3A_902, %jit3A_903 : i32
      %multiple_of3A_905 = tpu.assume_multiple %select_n3A_904, 8 : i32
      %dma_start3A_906 = arith.constant 8 : i32
      %dma_start3A_907 = arith.constant 8 : i32
      %dma_start3A_908 = tpu.memref_slice %arg6[%dma_start3A_907, %select_n3A_898, %multiple_of3A_905] : memref<16x16x256xi32, #tpu.memory_space<vmem>> -> memref<1x1x8xi32, #tpu.memory_space<vmem>>
      %dma_start3A_909 = tpu.memref_squeeze %dma_start3A_908 : memref<1x1x8xi32, #tpu.memory_space<vmem>> -> memref<8xi32, #tpu.memory_space<vmem>>
      %dma_start3A_910 = arith.constant 0 : i32
      %dma_start3A_911 = tpu.memref_slice %arg8[%dma_start3A_906, %dma_start3A_910] : memref<9x8xi32, #tpu.memory_space<vmem_shared>> -> memref<1x8xi32, #tpu.memory_space<vmem_shared>>
      %dma_start3A_912 = tpu.memref_squeeze %dma_start3A_911 : memref<1x8xi32, #tpu.memory_space<vmem_shared>> -> memref<8xi32, #tpu.memory_space<vmem_shared>>
      %dma_start3A_913 = tpu.memref_slice %arg6[%dma_start3A_907, %select_n3A_898, %multiple_of3A_905] : memref<16x16x256xi32, #tpu.memory_space<vmem>> -> memref<1x1x8xi32, #tpu.memory_space<vmem>>
      %dma_start3A_914 = tpu.memref_squeeze %dma_start3A_913 : memref<1x1x8xi32, #tpu.memory_space<vmem>> -> memref<8xi32, #tpu.memory_space<vmem>>
      %dma_start3A_915 = arith.constant 0 : i32
      %dma_start3A_916 = tpu.memref_slice %arg8[%dma_start3A_906, %dma_start3A_915] : memref<9x8xi32, #tpu.memory_space<vmem_shared>> -> memref<1x8xi32, #tpu.memory_space<vmem_shared>>
      %dma_start3A_917 = tpu.memref_squeeze %dma_start3A_916 : memref<1x8xi32, #tpu.memory_space<vmem_shared>> -> memref<8xi32, #tpu.memory_space<vmem_shared>>
      tpu.enqueue_dma source(%dma_start3A_917 : memref<8xi32, #tpu.memory_space<vmem_shared>>) target(%dma_start3A_914 : memref<8xi32, #tpu.memory_space<vmem>>) target_semaphore(%arg9 : memref<!tpu.dma_semaphore, #tpu.memory_space<semaphore_mem>>)
      %slice3A_918 = vector.extract_strided_slice %get3A_674 {offsets = [9], sizes = [1], strides = [1]} : vector<16xi32> to vector<1xi32>
      %squeeze3A_919 = vector.extract %slice3A_918[0] : i32 from vector<1xi32>
      %ge3A_920 = arith.constant 0 : i32
      %ge3A_921 = arith.cmpi sge, %squeeze3A_919, %ge3A_920 : i32
      %shift_right_logical3A_922 = arith.constant 8 : i32
      %shift_right_logical3A_923 = arith.shrui %squeeze3A_919, %shift_right_logical3A_922 : i32
      %jit3A_924 = arith.constant 0 : i32
      %select_n3A_925 = arith.select %ge3A_921, %shift_right_logical3A_923, %jit3A_924 : i32
      %and3A_926 = arith.constant 255 : i32
      %and3A_927 = arith.andi %squeeze3A_919, %and3A_926 : i32
      %and3A_928 = arith.constant 248 : i32
      %and3A_929 = arith.andi %and3A_927, %and3A_928 : i32
      %jit3A_930 = arith.constant 0 : i32
      %select_n3A_931 = arith.select %ge3A_921, %and3A_929, %jit3A_930 : i32
      %multiple_of3A_932 = tpu.assume_multiple %select_n3A_931, 8 : i32
      %dma_start3A_933 = arith.constant 8 : i32
      %dma_start3A_934 = arith.constant 9 : i32
      %dma_start3A_935 = tpu.memref_slice %arg6[%dma_start3A_934, %select_n3A_925, %multiple_of3A_932] : memref<16x16x256xi32, #tpu.memory_space<vmem>> -> memref<1x1x8xi32, #tpu.memory_space<vmem>>
      %dma_start3A_936 = tpu.memref_squeeze %dma_start3A_935 : memref<1x1x8xi32, #tpu.memory_space<vmem>> -> memref<8xi32, #tpu.memory_space<vmem>>
      %dma_start3A_937 = arith.constant 0 : i32
      %dma_start3A_938 = tpu.memref_slice %arg8[%dma_start3A_933, %dma_start3A_937] : memref<9x8xi32, #tpu.memory_space<vmem_shared>> -> memref<1x8xi32, #tpu.memory_space<vmem_shared>>
      %dma_start3A_939 = tpu.memref_squeeze %dma_start3A_938 : memref<1x8xi32, #tpu.memory_space<vmem_shared>> -> memref<8xi32, #tpu.memory_space<vmem_shared>>
      %dma_start3A_940 = tpu.memref_slice %arg6[%dma_start3A_934, %select_n3A_925, %multiple_of3A_932] : memref<16x16x256xi32, #tpu.memory_space<vmem>> -> memref<1x1x8xi32, #tpu.memory_space<vmem>>
      %dma_start3A_941 = tpu.memref_squeeze %dma_start3A_940 : memref<1x1x8xi32, #tpu.memory_space<vmem>> -> memref<8xi32, #tpu.memory_space<vmem>>
      %dma_start3A_942 = arith.constant 0 : i32
      %dma_start3A_943 = tpu.memref_slice %arg8[%dma_start3A_933, %dma_start3A_942] : memref<9x8xi32, #tpu.memory_space<vmem_shared>> -> memref<1x8xi32, #tpu.memory_space<vmem_shared>>
      %dma_start3A_944 = tpu.memref_squeeze %dma_start3A_943 : memref<1x8xi32, #tpu.memory_space<vmem_shared>> -> memref<8xi32, #tpu.memory_space<vmem_shared>>
      tpu.enqueue_dma source(%dma_start3A_944 : memref<8xi32, #tpu.memory_space<vmem_shared>>) target(%dma_start3A_941 : memref<8xi32, #tpu.memory_space<vmem>>) target_semaphore(%arg9 : memref<!tpu.dma_semaphore, #tpu.memory_space<semaphore_mem>>)
      %slice3A_945 = vector.extract_strided_slice %get3A_674 {offsets = [10], sizes = [1], strides = [1]} : vector<16xi32> to vector<1xi32>
      %squeeze3A_946 = vector.extract %slice3A_945[0] : i32 from vector<1xi32>
      %ge3A_947 = arith.constant 0 : i32
      %ge3A_948 = arith.cmpi sge, %squeeze3A_946, %ge3A_947 : i32
      %shift_right_logical3A_949 = arith.constant 8 : i32
      %shift_right_logical3A_950 = arith.shrui %squeeze3A_946, %shift_right_logical3A_949 : i32
      %jit3A_951 = arith.constant 0 : i32
      %select_n3A_952 = arith.select %ge3A_948, %shift_right_logical3A_950, %jit3A_951 : i32
      %and3A_953 = arith.constant 255 : i32
      %and3A_954 = arith.andi %squeeze3A_946, %and3A_953 : i32
      %and3A_955 = arith.constant 248 : i32
      %and3A_956 = arith.andi %and3A_954, %and3A_955 : i32
      %jit3A_957 = arith.constant 0 : i32
      %select_n3A_958 = arith.select %ge3A_948, %and3A_956, %jit3A_957 : i32
      %multiple_of3A_959 = tpu.assume_multiple %select_n3A_958, 8 : i32
      %dma_start3A_960 = arith.constant 8 : i32
      %dma_start3A_961 = arith.constant 10 : i32
      %dma_start3A_962 = tpu.memref_slice %arg6[%dma_start3A_961, %select_n3A_952, %multiple_of3A_959] : memref<16x16x256xi32, #tpu.memory_space<vmem>> -> memref<1x1x8xi32, #tpu.memory_space<vmem>>
      %dma_start3A_963 = tpu.memref_squeeze %dma_start3A_962 : memref<1x1x8xi32, #tpu.memory_space<vmem>> -> memref<8xi32, #tpu.memory_space<vmem>>
      %dma_start3A_964 = arith.constant 0 : i32
      %dma_start3A_965 = tpu.memref_slice %arg8[%dma_start3A_960, %dma_start3A_964] : memref<9x8xi32, #tpu.memory_space<vmem_shared>> -> memref<1x8xi32, #tpu.memory_space<vmem_shared>>
      %dma_start3A_966 = tpu.memref_squeeze %dma_start3A_965 : memref<1x8xi32, #tpu.memory_space<vmem_shared>> -> memref<8xi32, #tpu.memory_space<vmem_shared>>
      %dma_start3A_967 = tpu.memref_slice %arg6[%dma_start3A_961, %select_n3A_952, %multiple_of3A_959] : memref<16x16x256xi32, #tpu.memory_space<vmem>> -> memref<1x1x8xi32, #tpu.memory_space<vmem>>
      %dma_start3A_968 = tpu.memref_squeeze %dma_start3A_967 : memref<1x1x8xi32, #tpu.memory_space<vmem>> -> memref<8xi32, #tpu.memory_space<vmem>>
      %dma_start3A_969 = arith.constant 0 : i32
      %dma_start3A_970 = tpu.memref_slice %arg8[%dma_start3A_960, %dma_start3A_969] : memref<9x8xi32, #tpu.memory_space<vmem_shared>> -> memref<1x8xi32, #tpu.memory_space<vmem_shared>>
      %dma_start3A_971 = tpu.memref_squeeze %dma_start3A_970 : memref<1x8xi32, #tpu.memory_space<vmem_shared>> -> memref<8xi32, #tpu.memory_space<vmem_shared>>
      tpu.enqueue_dma source(%dma_start3A_971 : memref<8xi32, #tpu.memory_space<vmem_shared>>) target(%dma_start3A_968 : memref<8xi32, #tpu.memory_space<vmem>>) target_semaphore(%arg9 : memref<!tpu.dma_semaphore, #tpu.memory_space<semaphore_mem>>)
      %slice3A_972 = vector.extract_strided_slice %get3A_674 {offsets = [11], sizes = [1], strides = [1]} : vector<16xi32> to vector<1xi32>
      %squeeze3A_973 = vector.extract %slice3A_972[0] : i32 from vector<1xi32>
      %ge3A_974 = arith.constant 0 : i32
      %ge3A_975 = arith.cmpi sge, %squeeze3A_973, %ge3A_974 : i32
      %shift_right_logical3A_976 = arith.constant 8 : i32
      %shift_right_logical3A_977 = arith.shrui %squeeze3A_973, %shift_right_logical3A_976 : i32
      %jit3A_978 = arith.constant 0 : i32
      %select_n3A_979 = arith.select %ge3A_975, %shift_right_logical3A_977, %jit3A_978 : i32
      %and3A_980 = arith.constant 255 : i32
      %and3A_981 = arith.andi %squeeze3A_973, %and3A_980 : i32
      %and3A_982 = arith.constant 248 : i32
      %and3A_983 = arith.andi %and3A_981, %and3A_982 : i32
      %jit3A_984 = arith.constant 0 : i32
      %select_n3A_985 = arith.select %ge3A_975, %and3A_983, %jit3A_984 : i32
      %multiple_of3A_986 = tpu.assume_multiple %select_n3A_985, 8 : i32
      %dma_start3A_987 = arith.constant 8 : i32
      %dma_start3A_988 = arith.constant 11 : i32
      %dma_start3A_989 = tpu.memref_slice %arg6[%dma_start3A_988, %select_n3A_979, %multiple_of3A_986] : memref<16x16x256xi32, #tpu.memory_space<vmem>> -> memref<1x1x8xi32, #tpu.memory_space<vmem>>
      %dma_start3A_990 = tpu.memref_squeeze %dma_start3A_989 : memref<1x1x8xi32, #tpu.memory_space<vmem>> -> memref<8xi32, #tpu.memory_space<vmem>>
      %dma_start3A_991 = arith.constant 0 : i32
      %dma_start3A_992 = tpu.memref_slice %arg8[%dma_start3A_987, %dma_start3A_991] : memref<9x8xi32, #tpu.memory_space<vmem_shared>> -> memref<1x8xi32, #tpu.memory_space<vmem_shared>>
      %dma_start3A_993 = tpu.memref_squeeze %dma_start3A_992 : memref<1x8xi32, #tpu.memory_space<vmem_shared>> -> memref<8xi32, #tpu.memory_space<vmem_shared>>
      %dma_start3A_994 = tpu.memref_slice %arg6[%dma_start3A_988, %select_n3A_979, %multiple_of3A_986] : memref<16x16x256xi32, #tpu.memory_space<vmem>> -> memref<1x1x8xi32, #tpu.memory_space<vmem>>
      %dma_start3A_995 = tpu.memref_squeeze %dma_start3A_994 : memref<1x1x8xi32, #tpu.memory_space<vmem>> -> memref<8xi32, #tpu.memory_space<vmem>>
      %dma_start3A_996 = arith.constant 0 : i32
      %dma_start3A_997 = tpu.memref_slice %arg8[%dma_start3A_987, %dma_start3A_996] : memref<9x8xi32, #tpu.memory_space<vmem_shared>> -> memref<1x8xi32, #tpu.memory_space<vmem_shared>>
      %dma_start3A_998 = tpu.memref_squeeze %dma_start3A_997 : memref<1x8xi32, #tpu.memory_space<vmem_shared>> -> memref<8xi32, #tpu.memory_space<vmem_shared>>
      tpu.enqueue_dma source(%dma_start3A_998 : memref<8xi32, #tpu.memory_space<vmem_shared>>) target(%dma_start3A_995 : memref<8xi32, #tpu.memory_space<vmem>>) target_semaphore(%arg9 : memref<!tpu.dma_semaphore, #tpu.memory_space<semaphore_mem>>)
      %slice3A_999 = vector.extract_strided_slice %get3A_674 {offsets = [12], sizes = [1], strides = [1]} : vector<16xi32> to vector<1xi32>
      %squeeze3A_1000 = vector.extract %slice3A_999[0] : i32 from vector<1xi32>
      %ge3A_1001 = arith.constant 0 : i32
      %ge3A_1002 = arith.cmpi sge, %squeeze3A_1000, %ge3A_1001 : i32
      %shift_right_logical3A_1003 = arith.constant 8 : i32
      %shift_right_logical3A_1004 = arith.shrui %squeeze3A_1000, %shift_right_logical3A_1003 : i32
      %jit3A_1005 = arith.constant 0 : i32
      %select_n3A_1006 = arith.select %ge3A_1002, %shift_right_logical3A_1004, %jit3A_1005 : i32
      %and3A_1007 = arith.constant 255 : i32
      %and3A_1008 = arith.andi %squeeze3A_1000, %and3A_1007 : i32
      %and3A_1009 = arith.constant 248 : i32
      %and3A_1010 = arith.andi %and3A_1008, %and3A_1009 : i32
      %jit3A_1011 = arith.constant 0 : i32
      %select_n3A_1012 = arith.select %ge3A_1002, %and3A_1010, %jit3A_1011 : i32
      %multiple_of3A_1013 = tpu.assume_multiple %select_n3A_1012, 8 : i32
      %dma_start3A_1014 = arith.constant 8 : i32
      %dma_start3A_1015 = arith.constant 12 : i32
      %dma_start3A_1016 = tpu.memref_slice %arg6[%dma_start3A_1015, %select_n3A_1006, %multiple_of3A_1013] : memref<16x16x256xi32, #tpu.memory_space<vmem>> -> memref<1x1x8xi32, #tpu.memory_space<vmem>>
      %dma_start3A_1017 = tpu.memref_squeeze %dma_start3A_1016 : memref<1x1x8xi32, #tpu.memory_space<vmem>> -> memref<8xi32, #tpu.memory_space<vmem>>
      %dma_start3A_1018 = arith.constant 0 : i32
      %dma_start3A_1019 = tpu.memref_slice %arg8[%dma_start3A_1014, %dma_start3A_1018] : memref<9x8xi32, #tpu.memory_space<vmem_shared>> -> memref<1x8xi32, #tpu.memory_space<vmem_shared>>
      %dma_start3A_1020 = tpu.memref_squeeze %dma_start3A_1019 : memref<1x8xi32, #tpu.memory_space<vmem_shared>> -> memref<8xi32, #tpu.memory_space<vmem_shared>>
      %dma_start3A_1021 = tpu.memref_slice %arg6[%dma_start3A_1015, %select_n3A_1006, %multiple_of3A_1013] : memref<16x16x256xi32, #tpu.memory_space<vmem>> -> memref<1x1x8xi32, #tpu.memory_space<vmem>>
      %dma_start3A_1022 = tpu.memref_squeeze %dma_start3A_1021 : memref<1x1x8xi32, #tpu.memory_space<vmem>> -> memref<8xi32, #tpu.memory_space<vmem>>
      %dma_start3A_1023 = arith.constant 0 : i32
      %dma_start3A_1024 = tpu.memref_slice %arg8[%dma_start3A_1014, %dma_start3A_1023] : memref<9x8xi32, #tpu.memory_space<vmem_shared>> -> memref<1x8xi32, #tpu.memory_space<vmem_shared>>
      %dma_start3A_1025 = tpu.memref_squeeze %dma_start3A_1024 : memref<1x8xi32, #tpu.memory_space<vmem_shared>> -> memref<8xi32, #tpu.memory_space<vmem_shared>>
      tpu.enqueue_dma source(%dma_start3A_1025 : memref<8xi32, #tpu.memory_space<vmem_shared>>) target(%dma_start3A_1022 : memref<8xi32, #tpu.memory_space<vmem>>) target_semaphore(%arg9 : memref<!tpu.dma_semaphore, #tpu.memory_space<semaphore_mem>>)
      %slice3A_1026 = vector.extract_strided_slice %get3A_674 {offsets = [13], sizes = [1], strides = [1]} : vector<16xi32> to vector<1xi32>
      %squeeze3A_1027 = vector.extract %slice3A_1026[0] : i32 from vector<1xi32>
      %ge3A_1028 = arith.constant 0 : i32
      %ge3A_1029 = arith.cmpi sge, %squeeze3A_1027, %ge3A_1028 : i32
      %shift_right_logical3A_1030 = arith.constant 8 : i32
      %shift_right_logical3A_1031 = arith.shrui %squeeze3A_1027, %shift_right_logical3A_1030 : i32
      %jit3A_1032 = arith.constant 0 : i32
      %select_n3A_1033 = arith.select %ge3A_1029, %shift_right_logical3A_1031, %jit3A_1032 : i32
      %and3A_1034 = arith.constant 255 : i32
      %and3A_1035 = arith.andi %squeeze3A_1027, %and3A_1034 : i32
      %and3A_1036 = arith.constant 248 : i32
      %and3A_1037 = arith.andi %and3A_1035, %and3A_1036 : i32
      %jit3A_1038 = arith.constant 0 : i32
      %select_n3A_1039 = arith.select %ge3A_1029, %and3A_1037, %jit3A_1038 : i32
      %multiple_of3A_1040 = tpu.assume_multiple %select_n3A_1039, 8 : i32
      %dma_start3A_1041 = arith.constant 8 : i32
      %dma_start3A_1042 = arith.constant 13 : i32
      %dma_start3A_1043 = tpu.memref_slice %arg6[%dma_start3A_1042, %select_n3A_1033, %multiple_of3A_1040] : memref<16x16x256xi32, #tpu.memory_space<vmem>> -> memref<1x1x8xi32, #tpu.memory_space<vmem>>
      %dma_start3A_1044 = tpu.memref_squeeze %dma_start3A_1043 : memref<1x1x8xi32, #tpu.memory_space<vmem>> -> memref<8xi32, #tpu.memory_space<vmem>>
      %dma_start3A_1045 = arith.constant 0 : i32
      %dma_start3A_1046 = tpu.memref_slice %arg8[%dma_start3A_1041, %dma_start3A_1045] : memref<9x8xi32, #tpu.memory_space<vmem_shared>> -> memref<1x8xi32, #tpu.memory_space<vmem_shared>>
      %dma_start3A_1047 = tpu.memref_squeeze %dma_start3A_1046 : memref<1x8xi32, #tpu.memory_space<vmem_shared>> -> memref<8xi32, #tpu.memory_space<vmem_shared>>
      %dma_start3A_1048 = tpu.memref_slice %arg6[%dma_start3A_1042, %select_n3A_1033, %multiple_of3A_1040] : memref<16x16x256xi32, #tpu.memory_space<vmem>> -> memref<1x1x8xi32, #tpu.memory_space<vmem>>
      %dma_start3A_1049 = tpu.memref_squeeze %dma_start3A_1048 : memref<1x1x8xi32, #tpu.memory_space<vmem>> -> memref<8xi32, #tpu.memory_space<vmem>>
      %dma_start3A_1050 = arith.constant 0 : i32
      %dma_start3A_1051 = tpu.memref_slice %arg8[%dma_start3A_1041, %dma_start3A_1050] : memref<9x8xi32, #tpu.memory_space<vmem_shared>> -> memref<1x8xi32, #tpu.memory_space<vmem_shared>>
      %dma_start3A_1052 = tpu.memref_squeeze %dma_start3A_1051 : memref<1x8xi32, #tpu.memory_space<vmem_shared>> -> memref<8xi32, #tpu.memory_space<vmem_shared>>
      tpu.enqueue_dma source(%dma_start3A_1052 : memref<8xi32, #tpu.memory_space<vmem_shared>>) target(%dma_start3A_1049 : memref<8xi32, #tpu.memory_space<vmem>>) target_semaphore(%arg9 : memref<!tpu.dma_semaphore, #tpu.memory_space<semaphore_mem>>)
      %slice3A_1053 = vector.extract_strided_slice %get3A_674 {offsets = [14], sizes = [1], strides = [1]} : vector<16xi32> to vector<1xi32>
      %squeeze3A_1054 = vector.extract %slice3A_1053[0] : i32 from vector<1xi32>
      %ge3A_1055 = arith.constant 0 : i32
      %ge3A_1056 = arith.cmpi sge, %squeeze3A_1054, %ge3A_1055 : i32
      %shift_right_logical3A_1057 = arith.constant 8 : i32
      %shift_right_logical3A_1058 = arith.shrui %squeeze3A_1054, %shift_right_logical3A_1057 : i32
      %jit3A_1059 = arith.constant 0 : i32
      %select_n3A_1060 = arith.select %ge3A_1056, %shift_right_logical3A_1058, %jit3A_1059 : i32
      %and3A_1061 = arith.constant 255 : i32
      %and3A_1062 = arith.andi %squeeze3A_1054, %and3A_1061 : i32
      %and3A_1063 = arith.constant 248 : i32
      %and3A_1064 = arith.andi %and3A_1062, %and3A_1063 : i32
      %jit3A_1065 = arith.constant 0 : i32
      %select_n3A_1066 = arith.select %ge3A_1056, %and3A_1064, %jit3A_1065 : i32
      %multiple_of3A_1067 = tpu.assume_multiple %select_n3A_1066, 8 : i32
      %dma_start3A_1068 = arith.constant 8 : i32
      %dma_start3A_1069 = arith.constant 14 : i32
      %dma_start3A_1070 = tpu.memref_slice %arg6[%dma_start3A_1069, %select_n3A_1060, %multiple_of3A_1067] : memref<16x16x256xi32, #tpu.memory_space<vmem>> -> memref<1x1x8xi32, #tpu.memory_space<vmem>>
      %dma_start3A_1071 = tpu.memref_squeeze %dma_start3A_1070 : memref<1x1x8xi32, #tpu.memory_space<vmem>> -> memref<8xi32, #tpu.memory_space<vmem>>
      %dma_start3A_1072 = arith.constant 0 : i32
      %dma_start3A_1073 = tpu.memref_slice %arg8[%dma_start3A_1068, %dma_start3A_1072] : memref<9x8xi32, #tpu.memory_space<vmem_shared>> -> memref<1x8xi32, #tpu.memory_space<vmem_shared>>
      %dma_start3A_1074 = tpu.memref_squeeze %dma_start3A_1073 : memref<1x8xi32, #tpu.memory_space<vmem_shared>> -> memref<8xi32, #tpu.memory_space<vmem_shared>>
      %dma_start3A_1075 = tpu.memref_slice %arg6[%dma_start3A_1069, %select_n3A_1060, %multiple_of3A_1067] : memref<16x16x256xi32, #tpu.memory_space<vmem>> -> memref<1x1x8xi32, #tpu.memory_space<vmem>>
      %dma_start3A_1076 = tpu.memref_squeeze %dma_start3A_1075 : memref<1x1x8xi32, #tpu.memory_space<vmem>> -> memref<8xi32, #tpu.memory_space<vmem>>
      %dma_start3A_1077 = arith.constant 0 : i32
      %dma_start3A_1078 = tpu.memref_slice %arg8[%dma_start3A_1068, %dma_start3A_1077] : memref<9x8xi32, #tpu.memory_space<vmem_shared>> -> memref<1x8xi32, #tpu.memory_space<vmem_shared>>
      %dma_start3A_1079 = tpu.memref_squeeze %dma_start3A_1078 : memref<1x8xi32, #tpu.memory_space<vmem_shared>> -> memref<8xi32, #tpu.memory_space<vmem_shared>>
      tpu.enqueue_dma source(%dma_start3A_1079 : memref<8xi32, #tpu.memory_space<vmem_shared>>) target(%dma_start3A_1076 : memref<8xi32, #tpu.memory_space<vmem>>) target_semaphore(%arg9 : memref<!tpu.dma_semaphore, #tpu.memory_space<semaphore_mem>>)
      %slice3A_1080 = vector.extract_strided_slice %get3A_674 {offsets = [15], sizes = [1], strides = [1]} : vector<16xi32> to vector<1xi32>
      %squeeze3A_1081 = vector.extract %slice3A_1080[0] : i32 from vector<1xi32>
      %ge3A_1082 = arith.constant 0 : i32
      %ge3A_1083 = arith.cmpi sge, %squeeze3A_1081, %ge3A_1082 : i32
      %shift_right_logical3A_1084 = arith.constant 8 : i32
      %shift_right_logical3A_1085 = arith.shrui %squeeze3A_1081, %shift_right_logical3A_1084 : i32
      %jit3A_1086 = arith.constant 0 : i32
      %select_n3A_1087 = arith.select %ge3A_1083, %shift_right_logical3A_1085, %jit3A_1086 : i32
      %and3A_1088 = arith.constant 255 : i32
      %and3A_1089 = arith.andi %squeeze3A_1081, %and3A_1088 : i32
      %and3A_1090 = arith.constant 248 : i32
      %and3A_1091 = arith.andi %and3A_1089, %and3A_1090 : i32
      %jit3A_1092 = arith.constant 0 : i32
      %select_n3A_1093 = arith.select %ge3A_1083, %and3A_1091, %jit3A_1092 : i32
      %multiple_of3A_1094 = tpu.assume_multiple %select_n3A_1093, 8 : i32
      %dma_start3A_1095 = arith.constant 8 : i32
      %dma_start3A_1096 = arith.constant 15 : i32
      %dma_start3A_1097 = tpu.memref_slice %arg6[%dma_start3A_1096, %select_n3A_1087, %multiple_of3A_1094] : memref<16x16x256xi32, #tpu.memory_space<vmem>> -> memref<1x1x8xi32, #tpu.memory_space<vmem>>
      %dma_start3A_1098 = tpu.memref_squeeze %dma_start3A_1097 : memref<1x1x8xi32, #tpu.memory_space<vmem>> -> memref<8xi32, #tpu.memory_space<vmem>>
      %dma_start3A_1099 = arith.constant 0 : i32
      %dma_start3A_1100 = tpu.memref_slice %arg8[%dma_start3A_1095, %dma_start3A_1099] : memref<9x8xi32, #tpu.memory_space<vmem_shared>> -> memref<1x8xi32, #tpu.memory_space<vmem_shared>>
      %dma_start3A_1101 = tpu.memref_squeeze %dma_start3A_1100 : memref<1x8xi32, #tpu.memory_space<vmem_shared>> -> memref<8xi32, #tpu.memory_space<vmem_shared>>
      %dma_start3A_1102 = tpu.memref_slice %arg6[%dma_start3A_1096, %select_n3A_1087, %multiple_of3A_1094] : memref<16x16x256xi32, #tpu.memory_space<vmem>> -> memref<1x1x8xi32, #tpu.memory_space<vmem>>
      %dma_start3A_1103 = tpu.memref_squeeze %dma_start3A_1102 : memref<1x1x8xi32, #tpu.memory_space<vmem>> -> memref<8xi32, #tpu.memory_space<vmem>>
      %dma_start3A_1104 = arith.constant 0 : i32
      %dma_start3A_1105 = tpu.memref_slice %arg8[%dma_start3A_1095, %dma_start3A_1104] : memref<9x8xi32, #tpu.memory_space<vmem_shared>> -> memref<1x8xi32, #tpu.memory_space<vmem_shared>>
      %dma_start3A_1106 = tpu.memref_squeeze %dma_start3A_1105 : memref<1x8xi32, #tpu.memory_space<vmem_shared>> -> memref<8xi32, #tpu.memory_space<vmem_shared>>
      tpu.enqueue_dma source(%dma_start3A_1106 : memref<8xi32, #tpu.memory_space<vmem_shared>>) target(%dma_start3A_1103 : memref<8xi32, #tpu.memory_space<vmem>>) target_semaphore(%arg9 : memref<!tpu.dma_semaphore, #tpu.memory_space<semaphore_mem>>)
      %dma_wait3A_1107 = arith.constant 8 : i32
      %dma_wait3A_1108 = arith.constant 0 : i32
      %dma_wait3A_1109 = tpu.memref_slice %arg6[%dma_wait3A_1108, %select_n3A_682, %multiple_of3A_689] : memref<16x16x256xi32, #tpu.memory_space<vmem>> -> memref<1x1x8xi32, #tpu.memory_space<vmem>>
      %dma_wait3A_1110 = tpu.memref_squeeze %dma_wait3A_1109 : memref<1x1x8xi32, #tpu.memory_space<vmem>> -> memref<8xi32, #tpu.memory_space<vmem>>
      %dma_wait3A_1111 = arith.constant 0 : i32
      %dma_wait3A_1112 = tpu.memref_slice %arg8[%dma_wait3A_1107, %dma_wait3A_1111] : memref<9x8xi32, #tpu.memory_space<vmem_shared>> -> memref<1x8xi32, #tpu.memory_space<vmem_shared>>
      %dma_wait3A_1113 = tpu.memref_squeeze %dma_wait3A_1112 : memref<1x8xi32, #tpu.memory_space<vmem_shared>> -> memref<8xi32, #tpu.memory_space<vmem_shared>>
      %dma_wait3A_1114 = tpu.memref_slice %arg6[%dma_wait3A_1108, %select_n3A_682, %multiple_of3A_689] : memref<16x16x256xi32, #tpu.memory_space<vmem>> -> memref<1x1x8xi32, #tpu.memory_space<vmem>>
      %dma_wait3A_1115 = tpu.memref_squeeze %dma_wait3A_1114 : memref<1x1x8xi32, #tpu.memory_space<vmem>> -> memref<8xi32, #tpu.memory_space<vmem>>
      %dma_wait3A_1116 = arith.constant 0 : i32
      %dma_wait3A_1117 = tpu.memref_slice %arg8[%dma_wait3A_1107, %dma_wait3A_1116] : memref<9x8xi32, #tpu.memory_space<vmem_shared>> -> memref<1x8xi32, #tpu.memory_space<vmem_shared>>
      %dma_wait3A_1118 = tpu.memref_squeeze %dma_wait3A_1117 : memref<1x8xi32, #tpu.memory_space<vmem_shared>> -> memref<8xi32, #tpu.memory_space<vmem_shared>>
      tpu.wait_dma2 semaphore(%arg9 : memref<!tpu.dma_semaphore, #tpu.memory_space<semaphore_mem>>) src(%dma_wait3A_1118 : memref<8xi32, #tpu.memory_space<vmem_shared>>) dst(%dma_wait3A_1115 : memref<8xi32, #tpu.memory_space<vmem>>)
      %dma_wait3A_1119 = arith.constant 8 : i32
      %dma_wait3A_1120 = arith.constant 1 : i32
      %dma_wait3A_1121 = tpu.memref_slice %arg6[%dma_wait3A_1120, %select_n3A_709, %multiple_of3A_716] : memref<16x16x256xi32, #tpu.memory_space<vmem>> -> memref<1x1x8xi32, #tpu.memory_space<vmem>>
      %dma_wait3A_1122 = tpu.memref_squeeze %dma_wait3A_1121 : memref<1x1x8xi32, #tpu.memory_space<vmem>> -> memref<8xi32, #tpu.memory_space<vmem>>
      %dma_wait3A_1123 = arith.constant 0 : i32
      %dma_wait3A_1124 = tpu.memref_slice %arg8[%dma_wait3A_1119, %dma_wait3A_1123] : memref<9x8xi32, #tpu.memory_space<vmem_shared>> -> memref<1x8xi32, #tpu.memory_space<vmem_shared>>
      %dma_wait3A_1125 = tpu.memref_squeeze %dma_wait3A_1124 : memref<1x8xi32, #tpu.memory_space<vmem_shared>> -> memref<8xi32, #tpu.memory_space<vmem_shared>>
      %dma_wait3A_1126 = tpu.memref_slice %arg6[%dma_wait3A_1120, %select_n3A_709, %multiple_of3A_716] : memref<16x16x256xi32, #tpu.memory_space<vmem>> -> memref<1x1x8xi32, #tpu.memory_space<vmem>>
      %dma_wait3A_1127 = tpu.memref_squeeze %dma_wait3A_1126 : memref<1x1x8xi32, #tpu.memory_space<vmem>> -> memref<8xi32, #tpu.memory_space<vmem>>
      %dma_wait3A_1128 = arith.constant 0 : i32
      %dma_wait3A_1129 = tpu.memref_slice %arg8[%dma_wait3A_1119, %dma_wait3A_1128] : memref<9x8xi32, #tpu.memory_space<vmem_shared>> -> memref<1x8xi32, #tpu.memory_space<vmem_shared>>
      %dma_wait3A_1130 = tpu.memref_squeeze %dma_wait3A_1129 : memref<1x8xi32, #tpu.memory_space<vmem_shared>> -> memref<8xi32, #tpu.memory_space<vmem_shared>>
      tpu.wait_dma2 semaphore(%arg9 : memref<!tpu.dma_semaphore, #tpu.memory_space<semaphore_mem>>) src(%dma_wait3A_1130 : memref<8xi32, #tpu.memory_space<vmem_shared>>) dst(%dma_wait3A_1127 : memref<8xi32, #tpu.memory_space<vmem>>)
      %dma_wait3A_1131 = arith.constant 8 : i32
      %dma_wait3A_1132 = arith.constant 2 : i32
      %dma_wait3A_1133 = tpu.memref_slice %arg6[%dma_wait3A_1132, %select_n3A_736, %multiple_of3A_743] : memref<16x16x256xi32, #tpu.memory_space<vmem>> -> memref<1x1x8xi32, #tpu.memory_space<vmem>>
      %dma_wait3A_1134 = tpu.memref_squeeze %dma_wait3A_1133 : memref<1x1x8xi32, #tpu.memory_space<vmem>> -> memref<8xi32, #tpu.memory_space<vmem>>
      %dma_wait3A_1135 = arith.constant 0 : i32
      %dma_wait3A_1136 = tpu.memref_slice %arg8[%dma_wait3A_1131, %dma_wait3A_1135] : memref<9x8xi32, #tpu.memory_space<vmem_shared>> -> memref<1x8xi32, #tpu.memory_space<vmem_shared>>
      %dma_wait3A_1137 = tpu.memref_squeeze %dma_wait3A_1136 : memref<1x8xi32, #tpu.memory_space<vmem_shared>> -> memref<8xi32, #tpu.memory_space<vmem_shared>>
      %dma_wait3A_1138 = tpu.memref_slice %arg6[%dma_wait3A_1132, %select_n3A_736, %multiple_of3A_743] : memref<16x16x256xi32, #tpu.memory_space<vmem>> -> memref<1x1x8xi32, #tpu.memory_space<vmem>>
      %dma_wait3A_1139 = tpu.memref_squeeze %dma_wait3A_1138 : memref<1x1x8xi32, #tpu.memory_space<vmem>> -> memref<8xi32, #tpu.memory_space<vmem>>
      %dma_wait3A_1140 = arith.constant 0 : i32
      %dma_wait3A_1141 = tpu.memref_slice %arg8[%dma_wait3A_1131, %dma_wait3A_1140] : memref<9x8xi32, #tpu.memory_space<vmem_shared>> -> memref<1x8xi32, #tpu.memory_space<vmem_shared>>
      %dma_wait3A_1142 = tpu.memref_squeeze %dma_wait3A_1141 : memref<1x8xi32, #tpu.memory_space<vmem_shared>> -> memref<8xi32, #tpu.memory_space<vmem_shared>>
      tpu.wait_dma2 semaphore(%arg9 : memref<!tpu.dma_semaphore, #tpu.memory_space<semaphore_mem>>) src(%dma_wait3A_1142 : memref<8xi32, #tpu.memory_space<vmem_shared>>) dst(%dma_wait3A_1139 : memref<8xi32, #tpu.memory_space<vmem>>)
      %dma_wait3A_1143 = arith.constant 8 : i32
      %dma_wait3A_1144 = arith.constant 3 : i32
      %dma_wait3A_1145 = tpu.memref_slice %arg6[%dma_wait3A_1144, %select_n3A_763, %multiple_of3A_770] : memref<16x16x256xi32, #tpu.memory_space<vmem>> -> memref<1x1x8xi32, #tpu.memory_space<vmem>>
      %dma_wait3A_1146 = tpu.memref_squeeze %dma_wait3A_1145 : memref<1x1x8xi32, #tpu.memory_space<vmem>> -> memref<8xi32, #tpu.memory_space<vmem>>
      %dma_wait3A_1147 = arith.constant 0 : i32
      %dma_wait3A_1148 = tpu.memref_slice %arg8[%dma_wait3A_1143, %dma_wait3A_1147] : memref<9x8xi32, #tpu.memory_space<vmem_shared>> -> memref<1x8xi32, #tpu.memory_space<vmem_shared>>
      %dma_wait3A_1149 = tpu.memref_squeeze %dma_wait3A_1148 : memref<1x8xi32, #tpu.memory_space<vmem_shared>> -> memref<8xi32, #tpu.memory_space<vmem_shared>>
      %dma_wait3A_1150 = tpu.memref_slice %arg6[%dma_wait3A_1144, %select_n3A_763, %multiple_of3A_770] : memref<16x16x256xi32, #tpu.memory_space<vmem>> -> memref<1x1x8xi32, #tpu.memory_space<vmem>>
      %dma_wait3A_1151 = tpu.memref_squeeze %dma_wait3A_1150 : memref<1x1x8xi32, #tpu.memory_space<vmem>> -> memref<8xi32, #tpu.memory_space<vmem>>
      %dma_wait3A_1152 = arith.constant 0 : i32
      %dma_wait3A_1153 = tpu.memref_slice %arg8[%dma_wait3A_1143, %dma_wait3A_1152] : memref<9x8xi32, #tpu.memory_space<vmem_shared>> -> memref<1x8xi32, #tpu.memory_space<vmem_shared>>
      %dma_wait3A_1154 = tpu.memref_squeeze %dma_wait3A_1153 : memref<1x8xi32, #tpu.memory_space<vmem_shared>> -> memref<8xi32, #tpu.memory_space<vmem_shared>>
      tpu.wait_dma2 semaphore(%arg9 : memref<!tpu.dma_semaphore, #tpu.memory_space<semaphore_mem>>) src(%dma_wait3A_1154 : memref<8xi32, #tpu.memory_space<vmem_shared>>) dst(%dma_wait3A_1151 : memref<8xi32, #tpu.memory_space<vmem>>)
      %dma_wait3A_1155 = arith.constant 8 : i32
      %dma_wait3A_1156 = arith.constant 4 : i32
      %dma_wait3A_1157 = tpu.memref_slice %arg6[%dma_wait3A_1156, %select_n3A_790, %multiple_of3A_797] : memref<16x16x256xi32, #tpu.memory_space<vmem>> -> memref<1x1x8xi32, #tpu.memory_space<vmem>>
      %dma_wait3A_1158 = tpu.memref_squeeze %dma_wait3A_1157 : memref<1x1x8xi32, #tpu.memory_space<vmem>> -> memref<8xi32, #tpu.memory_space<vmem>>
      %dma_wait3A_1159 = arith.constant 0 : i32
      %dma_wait3A_1160 = tpu.memref_slice %arg8[%dma_wait3A_1155, %dma_wait3A_1159] : memref<9x8xi32, #tpu.memory_space<vmem_shared>> -> memref<1x8xi32, #tpu.memory_space<vmem_shared>>
      %dma_wait3A_1161 = tpu.memref_squeeze %dma_wait3A_1160 : memref<1x8xi32, #tpu.memory_space<vmem_shared>> -> memref<8xi32, #tpu.memory_space<vmem_shared>>
      %dma_wait3A_1162 = tpu.memref_slice %arg6[%dma_wait3A_1156, %select_n3A_790, %multiple_of3A_797] : memref<16x16x256xi32, #tpu.memory_space<vmem>> -> memref<1x1x8xi32, #tpu.memory_space<vmem>>
      %dma_wait3A_1163 = tpu.memref_squeeze %dma_wait3A_1162 : memref<1x1x8xi32, #tpu.memory_space<vmem>> -> memref<8xi32, #tpu.memory_space<vmem>>
      %dma_wait3A_1164 = arith.constant 0 : i32
      %dma_wait3A_1165 = tpu.memref_slice %arg8[%dma_wait3A_1155, %dma_wait3A_1164] : memref<9x8xi32, #tpu.memory_space<vmem_shared>> -> memref<1x8xi32, #tpu.memory_space<vmem_shared>>
      %dma_wait3A_1166 = tpu.memref_squeeze %dma_wait3A_1165 : memref<1x8xi32, #tpu.memory_space<vmem_shared>> -> memref<8xi32, #tpu.memory_space<vmem_shared>>
      tpu.wait_dma2 semaphore(%arg9 : memref<!tpu.dma_semaphore, #tpu.memory_space<semaphore_mem>>) src(%dma_wait3A_1166 : memref<8xi32, #tpu.memory_space<vmem_shared>>) dst(%dma_wait3A_1163 : memref<8xi32, #tpu.memory_space<vmem>>)
      %dma_wait3A_1167 = arith.constant 8 : i32
      %dma_wait3A_1168 = arith.constant 5 : i32
      %dma_wait3A_1169 = tpu.memref_slice %arg6[%dma_wait3A_1168, %select_n3A_817, %multiple_of3A_824] : memref<16x16x256xi32, #tpu.memory_space<vmem>> -> memref<1x1x8xi32, #tpu.memory_space<vmem>>
      %dma_wait3A_1170 = tpu.memref_squeeze %dma_wait3A_1169 : memref<1x1x8xi32, #tpu.memory_space<vmem>> -> memref<8xi32, #tpu.memory_space<vmem>>
      %dma_wait3A_1171 = arith.constant 0 : i32
      %dma_wait3A_1172 = tpu.memref_slice %arg8[%dma_wait3A_1167, %dma_wait3A_1171] : memref<9x8xi32, #tpu.memory_space<vmem_shared>> -> memref<1x8xi32, #tpu.memory_space<vmem_shared>>
      %dma_wait3A_1173 = tpu.memref_squeeze %dma_wait3A_1172 : memref<1x8xi32, #tpu.memory_space<vmem_shared>> -> memref<8xi32, #tpu.memory_space<vmem_shared>>
      %dma_wait3A_1174 = tpu.memref_slice %arg6[%dma_wait3A_1168, %select_n3A_817, %multiple_of3A_824] : memref<16x16x256xi32, #tpu.memory_space<vmem>> -> memref<1x1x8xi32, #tpu.memory_space<vmem>>
      %dma_wait3A_1175 = tpu.memref_squeeze %dma_wait3A_1174 : memref<1x1x8xi32, #tpu.memory_space<vmem>> -> memref<8xi32, #tpu.memory_space<vmem>>
      %dma_wait3A_1176 = arith.constant 0 : i32
      %dma_wait3A_1177 = tpu.memref_slice %arg8[%dma_wait3A_1167, %dma_wait3A_1176] : memref<9x8xi32, #tpu.memory_space<vmem_shared>> -> memref<1x8xi32, #tpu.memory_space<vmem_shared>>
      %dma_wait3A_1178 = tpu.memref_squeeze %dma_wait3A_1177 : memref<1x8xi32, #tpu.memory_space<vmem_shared>> -> memref<8xi32, #tpu.memory_space<vmem_shared>>
      tpu.wait_dma2 semaphore(%arg9 : memref<!tpu.dma_semaphore, #tpu.memory_space<semaphore_mem>>) src(%dma_wait3A_1178 : memref<8xi32, #tpu.memory_space<vmem_shared>>) dst(%dma_wait3A_1175 : memref<8xi32, #tpu.memory_space<vmem>>)
      %dma_wait3A_1179 = arith.constant 8 : i32
      %dma_wait3A_1180 = arith.constant 6 : i32
      %dma_wait3A_1181 = tpu.memref_slice %arg6[%dma_wait3A_1180, %select_n3A_844, %multiple_of3A_851] : memref<16x16x256xi32, #tpu.memory_space<vmem>> -> memref<1x1x8xi32, #tpu.memory_space<vmem>>
      %dma_wait3A_1182 = tpu.memref_squeeze %dma_wait3A_1181 : memref<1x1x8xi32, #tpu.memory_space<vmem>> -> memref<8xi32, #tpu.memory_space<vmem>>
      %dma_wait3A_1183 = arith.constant 0 : i32
      %dma_wait3A_1184 = tpu.memref_slice %arg8[%dma_wait3A_1179, %dma_wait3A_1183] : memref<9x8xi32, #tpu.memory_space<vmem_shared>> -> memref<1x8xi32, #tpu.memory_space<vmem_shared>>
      %dma_wait3A_1185 = tpu.memref_squeeze %dma_wait3A_1184 : memref<1x8xi32, #tpu.memory_space<vmem_shared>> -> memref<8xi32, #tpu.memory_space<vmem_shared>>
      %dma_wait3A_1186 = tpu.memref_slice %arg6[%dma_wait3A_1180, %select_n3A_844, %multiple_of3A_851] : memref<16x16x256xi32, #tpu.memory_space<vmem>> -> memref<1x1x8xi32, #tpu.memory_space<vmem>>
      %dma_wait3A_1187 = tpu.memref_squeeze %dma_wait3A_1186 : memref<1x1x8xi32, #tpu.memory_space<vmem>> -> memref<8xi32, #tpu.memory_space<vmem>>
      %dma_wait3A_1188 = arith.constant 0 : i32
      %dma_wait3A_1189 = tpu.memref_slice %arg8[%dma_wait3A_1179, %dma_wait3A_1188] : memref<9x8xi32, #tpu.memory_space<vmem_shared>> -> memref<1x8xi32, #tpu.memory_space<vmem_shared>>
      %dma_wait3A_1190 = tpu.memref_squeeze %dma_wait3A_1189 : memref<1x8xi32, #tpu.memory_space<vmem_shared>> -> memref<8xi32, #tpu.memory_space<vmem_shared>>
      tpu.wait_dma2 semaphore(%arg9 : memref<!tpu.dma_semaphore, #tpu.memory_space<semaphore_mem>>) src(%dma_wait3A_1190 : memref<8xi32, #tpu.memory_space<vmem_shared>>) dst(%dma_wait3A_1187 : memref<8xi32, #tpu.memory_space<vmem>>)
      %dma_wait3A_1191 = arith.constant 8 : i32
      %dma_wait3A_1192 = arith.constant 7 : i32
      %dma_wait3A_1193 = tpu.memref_slice %arg6[%dma_wait3A_1192, %select_n3A_871, %multiple_of3A_878] : memref<16x16x256xi32, #tpu.memory_space<vmem>> -> memref<1x1x8xi32, #tpu.memory_space<vmem>>
      %dma_wait3A_1194 = tpu.memref_squeeze %dma_wait3A_1193 : memref<1x1x8xi32, #tpu.memory_space<vmem>> -> memref<8xi32, #tpu.memory_space<vmem>>
      %dma_wait3A_1195 = arith.constant 0 : i32
      %dma_wait3A_1196 = tpu.memref_slice %arg8[%dma_wait3A_1191, %dma_wait3A_1195] : memref<9x8xi32, #tpu.memory_space<vmem_shared>> -> memref<1x8xi32, #tpu.memory_space<vmem_shared>>
      %dma_wait3A_1197 = tpu.memref_squeeze %dma_wait3A_1196 : memref<1x8xi32, #tpu.memory_space<vmem_shared>> -> memref<8xi32, #tpu.memory_space<vmem_shared>>
      %dma_wait3A_1198 = tpu.memref_slice %arg6[%dma_wait3A_1192, %select_n3A_871, %multiple_of3A_878] : memref<16x16x256xi32, #tpu.memory_space<vmem>> -> memref<1x1x8xi32, #tpu.memory_space<vmem>>
      %dma_wait3A_1199 = tpu.memref_squeeze %dma_wait3A_1198 : memref<1x1x8xi32, #tpu.memory_space<vmem>> -> memref<8xi32, #tpu.memory_space<vmem>>
      %dma_wait3A_1200 = arith.constant 0 : i32
      %dma_wait3A_1201 = tpu.memref_slice %arg8[%dma_wait3A_1191, %dma_wait3A_1200] : memref<9x8xi32, #tpu.memory_space<vmem_shared>> -> memref<1x8xi32, #tpu.memory_space<vmem_shared>>
      %dma_wait3A_1202 = tpu.memref_squeeze %dma_wait3A_1201 : memref<1x8xi32, #tpu.memory_space<vmem_shared>> -> memref<8xi32, #tpu.memory_space<vmem_shared>>
      tpu.wait_dma2 semaphore(%arg9 : memref<!tpu.dma_semaphore, #tpu.memory_space<semaphore_mem>>) src(%dma_wait3A_1202 : memref<8xi32, #tpu.memory_space<vmem_shared>>) dst(%dma_wait3A_1199 : memref<8xi32, #tpu.memory_space<vmem>>)
      %dma_wait3A_1203 = arith.constant 8 : i32
      %dma_wait3A_1204 = arith.constant 8 : i32
      %dma_wait3A_1205 = tpu.memref_slice %arg6[%dma_wait3A_1204, %select_n3A_898, %multiple_of3A_905] : memref<16x16x256xi32, #tpu.memory_space<vmem>> -> memref<1x1x8xi32, #tpu.memory_space<vmem>>
      %dma_wait3A_1206 = tpu.memref_squeeze %dma_wait3A_1205 : memref<1x1x8xi32, #tpu.memory_space<vmem>> -> memref<8xi32, #tpu.memory_space<vmem>>
      %dma_wait3A_1207 = arith.constant 0 : i32
      %dma_wait3A_1208 = tpu.memref_slice %arg8[%dma_wait3A_1203, %dma_wait3A_1207] : memref<9x8xi32, #tpu.memory_space<vmem_shared>> -> memref<1x8xi32, #tpu.memory_space<vmem_shared>>
      %dma_wait3A_1209 = tpu.memref_squeeze %dma_wait3A_1208 : memref<1x8xi32, #tpu.memory_space<vmem_shared>> -> memref<8xi32, #tpu.memory_space<vmem_shared>>
      %dma_wait3A_1210 = tpu.memref_slice %arg6[%dma_wait3A_1204, %select_n3A_898, %multiple_of3A_905] : memref<16x16x256xi32, #tpu.memory_space<vmem>> -> memref<1x1x8xi32, #tpu.memory_space<vmem>>
      %dma_wait3A_1211 = tpu.memref_squeeze %dma_wait3A_1210 : memref<1x1x8xi32, #tpu.memory_space<vmem>> -> memref<8xi32, #tpu.memory_space<vmem>>
      %dma_wait3A_1212 = arith.constant 0 : i32
      %dma_wait3A_1213 = tpu.memref_slice %arg8[%dma_wait3A_1203, %dma_wait3A_1212] : memref<9x8xi32, #tpu.memory_space<vmem_shared>> -> memref<1x8xi32, #tpu.memory_space<vmem_shared>>
      %dma_wait3A_1214 = tpu.memref_squeeze %dma_wait3A_1213 : memref<1x8xi32, #tpu.memory_space<vmem_shared>> -> memref<8xi32, #tpu.memory_space<vmem_shared>>
      tpu.wait_dma2 semaphore(%arg9 : memref<!tpu.dma_semaphore, #tpu.memory_space<semaphore_mem>>) src(%dma_wait3A_1214 : memref<8xi32, #tpu.memory_space<vmem_shared>>) dst(%dma_wait3A_1211 : memref<8xi32, #tpu.memory_space<vmem>>)
      %dma_wait3A_1215 = arith.constant 8 : i32
      %dma_wait3A_1216 = arith.constant 9 : i32
      %dma_wait3A_1217 = tpu.memref_slice %arg6[%dma_wait3A_1216, %select_n3A_925, %multiple_of3A_932] : memref<16x16x256xi32, #tpu.memory_space<vmem>> -> memref<1x1x8xi32, #tpu.memory_space<vmem>>
      %dma_wait3A_1218 = tpu.memref_squeeze %dma_wait3A_1217 : memref<1x1x8xi32, #tpu.memory_space<vmem>> -> memref<8xi32, #tpu.memory_space<vmem>>
      %dma_wait3A_1219 = arith.constant 0 : i32
      %dma_wait3A_1220 = tpu.memref_slice %arg8[%dma_wait3A_1215, %dma_wait3A_1219] : memref<9x8xi32, #tpu.memory_space<vmem_shared>> -> memref<1x8xi32, #tpu.memory_space<vmem_shared>>
      %dma_wait3A_1221 = tpu.memref_squeeze %dma_wait3A_1220 : memref<1x8xi32, #tpu.memory_space<vmem_shared>> -> memref<8xi32, #tpu.memory_space<vmem_shared>>
      %dma_wait3A_1222 = tpu.memref_slice %arg6[%dma_wait3A_1216, %select_n3A_925, %multiple_of3A_932] : memref<16x16x256xi32, #tpu.memory_space<vmem>> -> memref<1x1x8xi32, #tpu.memory_space<vmem>>
      %dma_wait3A_1223 = tpu.memref_squeeze %dma_wait3A_1222 : memref<1x1x8xi32, #tpu.memory_space<vmem>> -> memref<8xi32, #tpu.memory_space<vmem>>
      %dma_wait3A_1224 = arith.constant 0 : i32
      %dma_wait3A_1225 = tpu.memref_slice %arg8[%dma_wait3A_1215, %dma_wait3A_1224] : memref<9x8xi32, #tpu.memory_space<vmem_shared>> -> memref<1x8xi32, #tpu.memory_space<vmem_shared>>
      %dma_wait3A_1226 = tpu.memref_squeeze %dma_wait3A_1225 : memref<1x8xi32, #tpu.memory_space<vmem_shared>> -> memref<8xi32, #tpu.memory_space<vmem_shared>>
      tpu.wait_dma2 semaphore(%arg9 : memref<!tpu.dma_semaphore, #tpu.memory_space<semaphore_mem>>) src(%dma_wait3A_1226 : memref<8xi32, #tpu.memory_space<vmem_shared>>) dst(%dma_wait3A_1223 : memref<8xi32, #tpu.memory_space<vmem>>)
      %dma_wait3A_1227 = arith.constant 8 : i32
      %dma_wait3A_1228 = arith.constant 10 : i32
      %dma_wait3A_1229 = tpu.memref_slice %arg6[%dma_wait3A_1228, %select_n3A_952, %multiple_of3A_959] : memref<16x16x256xi32, #tpu.memory_space<vmem>> -> memref<1x1x8xi32, #tpu.memory_space<vmem>>
      %dma_wait3A_1230 = tpu.memref_squeeze %dma_wait3A_1229 : memref<1x1x8xi32, #tpu.memory_space<vmem>> -> memref<8xi32, #tpu.memory_space<vmem>>
      %dma_wait3A_1231 = arith.constant 0 : i32
      %dma_wait3A_1232 = tpu.memref_slice %arg8[%dma_wait3A_1227, %dma_wait3A_1231] : memref<9x8xi32, #tpu.memory_space<vmem_shared>> -> memref<1x8xi32, #tpu.memory_space<vmem_shared>>
      %dma_wait3A_1233 = tpu.memref_squeeze %dma_wait3A_1232 : memref<1x8xi32, #tpu.memory_space<vmem_shared>> -> memref<8xi32, #tpu.memory_space<vmem_shared>>
      %dma_wait3A_1234 = tpu.memref_slice %arg6[%dma_wait3A_1228, %select_n3A_952, %multiple_of3A_959] : memref<16x16x256xi32, #tpu.memory_space<vmem>> -> memref<1x1x8xi32, #tpu.memory_space<vmem>>
      %dma_wait3A_1235 = tpu.memref_squeeze %dma_wait3A_1234 : memref<1x1x8xi32, #tpu.memory_space<vmem>> -> memref<8xi32, #tpu.memory_space<vmem>>
      %dma_wait3A_1236 = arith.constant 0 : i32
      %dma_wait3A_1237 = tpu.memref_slice %arg8[%dma_wait3A_1227, %dma_wait3A_1236] : memref<9x8xi32, #tpu.memory_space<vmem_shared>> -> memref<1x8xi32, #tpu.memory_space<vmem_shared>>
      %dma_wait3A_1238 = tpu.memref_squeeze %dma_wait3A_1237 : memref<1x8xi32, #tpu.memory_space<vmem_shared>> -> memref<8xi32, #tpu.memory_space<vmem_shared>>
      tpu.wait_dma2 semaphore(%arg9 : memref<!tpu.dma_semaphore, #tpu.memory_space<semaphore_mem>>) src(%dma_wait3A_1238 : memref<8xi32, #tpu.memory_space<vmem_shared>>) dst(%dma_wait3A_1235 : memref<8xi32, #tpu.memory_space<vmem>>)
      %dma_wait3A_1239 = arith.constant 8 : i32
      %dma_wait3A_1240 = arith.constant 11 : i32
      %dma_wait3A_1241 = tpu.memref_slice %arg6[%dma_wait3A_1240, %select_n3A_979, %multiple_of3A_986] : memref<16x16x256xi32, #tpu.memory_space<vmem>> -> memref<1x1x8xi32, #tpu.memory_space<vmem>>
      %dma_wait3A_1242 = tpu.memref_squeeze %dma_wait3A_1241 : memref<1x1x8xi32, #tpu.memory_space<vmem>> -> memref<8xi32, #tpu.memory_space<vmem>>
      %dma_wait3A_1243 = arith.constant 0 : i32
      %dma_wait3A_1244 = tpu.memref_slice %arg8[%dma_wait3A_1239, %dma_wait3A_1243] : memref<9x8xi32, #tpu.memory_space<vmem_shared>> -> memref<1x8xi32, #tpu.memory_space<vmem_shared>>
      %dma_wait3A_1245 = tpu.memref_squeeze %dma_wait3A_1244 : memref<1x8xi32, #tpu.memory_space<vmem_shared>> -> memref<8xi32, #tpu.memory_space<vmem_shared>>
      %dma_wait3A_1246 = tpu.memref_slice %arg6[%dma_wait3A_1240, %select_n3A_979, %multiple_of3A_986] : memref<16x16x256xi32, #tpu.memory_space<vmem>> -> memref<1x1x8xi32, #tpu.memory_space<vmem>>
      %dma_wait3A_1247 = tpu.memref_squeeze %dma_wait3A_1246 : memref<1x1x8xi32, #tpu.memory_space<vmem>> -> memref<8xi32, #tpu.memory_space<vmem>>
      %dma_wait3A_1248 = arith.constant 0 : i32
      %dma_wait3A_1249 = tpu.memref_slice %arg8[%dma_wait3A_1239, %dma_wait3A_1248] : memref<9x8xi32, #tpu.memory_space<vmem_shared>> -> memref<1x8xi32, #tpu.memory_space<vmem_shared>>
      %dma_wait3A_1250 = tpu.memref_squeeze %dma_wait3A_1249 : memref<1x8xi32, #tpu.memory_space<vmem_shared>> -> memref<8xi32, #tpu.memory_space<vmem_shared>>
      tpu.wait_dma2 semaphore(%arg9 : memref<!tpu.dma_semaphore, #tpu.memory_space<semaphore_mem>>) src(%dma_wait3A_1250 : memref<8xi32, #tpu.memory_space<vmem_shared>>) dst(%dma_wait3A_1247 : memref<8xi32, #tpu.memory_space<vmem>>)
      %dma_wait3A_1251 = arith.constant 8 : i32
      %dma_wait3A_1252 = arith.constant 12 : i32
      %dma_wait3A_1253 = tpu.memref_slice %arg6[%dma_wait3A_1252, %select_n3A_1006, %multiple_of3A_1013] : memref<16x16x256xi32, #tpu.memory_space<vmem>> -> memref<1x1x8xi32, #tpu.memory_space<vmem>>
      %dma_wait3A_1254 = tpu.memref_squeeze %dma_wait3A_1253 : memref<1x1x8xi32, #tpu.memory_space<vmem>> -> memref<8xi32, #tpu.memory_space<vmem>>
      %dma_wait3A_1255 = arith.constant 0 : i32
      %dma_wait3A_1256 = tpu.memref_slice %arg8[%dma_wait3A_1251, %dma_wait3A_1255] : memref<9x8xi32, #tpu.memory_space<vmem_shared>> -> memref<1x8xi32, #tpu.memory_space<vmem_shared>>
      %dma_wait3A_1257 = tpu.memref_squeeze %dma_wait3A_1256 : memref<1x8xi32, #tpu.memory_space<vmem_shared>> -> memref<8xi32, #tpu.memory_space<vmem_shared>>
      %dma_wait3A_1258 = tpu.memref_slice %arg6[%dma_wait3A_1252, %select_n3A_1006, %multiple_of3A_1013] : memref<16x16x256xi32, #tpu.memory_space<vmem>> -> memref<1x1x8xi32, #tpu.memory_space<vmem>>
      %dma_wait3A_1259 = tpu.memref_squeeze %dma_wait3A_1258 : memref<1x1x8xi32, #tpu.memory_space<vmem>> -> memref<8xi32, #tpu.memory_space<vmem>>
      %dma_wait3A_1260 = arith.constant 0 : i32
      %dma_wait3A_1261 = tpu.memref_slice %arg8[%dma_wait3A_1251, %dma_wait3A_1260] : memref<9x8xi32, #tpu.memory_space<vmem_shared>> -> memref<1x8xi32, #tpu.memory_space<vmem_shared>>
      %dma_wait3A_1262 = tpu.memref_squeeze %dma_wait3A_1261 : memref<1x8xi32, #tpu.memory_space<vmem_shared>> -> memref<8xi32, #tpu.memory_space<vmem_shared>>
      tpu.wait_dma2 semaphore(%arg9 : memref<!tpu.dma_semaphore, #tpu.memory_space<semaphore_mem>>) src(%dma_wait3A_1262 : memref<8xi32, #tpu.memory_space<vmem_shared>>) dst(%dma_wait3A_1259 : memref<8xi32, #tpu.memory_space<vmem>>)
      %dma_wait3A_1263 = arith.constant 8 : i32
      %dma_wait3A_1264 = arith.constant 13 : i32
      %dma_wait3A_1265 = tpu.memref_slice %arg6[%dma_wait3A_1264, %select_n3A_1033, %multiple_of3A_1040] : memref<16x16x256xi32, #tpu.memory_space<vmem>> -> memref<1x1x8xi32, #tpu.memory_space<vmem>>
      %dma_wait3A_1266 = tpu.memref_squeeze %dma_wait3A_1265 : memref<1x1x8xi32, #tpu.memory_space<vmem>> -> memref<8xi32, #tpu.memory_space<vmem>>
      %dma_wait3A_1267 = arith.constant 0 : i32
      %dma_wait3A_1268 = tpu.memref_slice %arg8[%dma_wait3A_1263, %dma_wait3A_1267] : memref<9x8xi32, #tpu.memory_space<vmem_shared>> -> memref<1x8xi32, #tpu.memory_space<vmem_shared>>
      %dma_wait3A_1269 = tpu.memref_squeeze %dma_wait3A_1268 : memref<1x8xi32, #tpu.memory_space<vmem_shared>> -> memref<8xi32, #tpu.memory_space<vmem_shared>>
      %dma_wait3A_1270 = tpu.memref_slice %arg6[%dma_wait3A_1264, %select_n3A_1033, %multiple_of3A_1040] : memref<16x16x256xi32, #tpu.memory_space<vmem>> -> memref<1x1x8xi32, #tpu.memory_space<vmem>>
      %dma_wait3A_1271 = tpu.memref_squeeze %dma_wait3A_1270 : memref<1x1x8xi32, #tpu.memory_space<vmem>> -> memref<8xi32, #tpu.memory_space<vmem>>
      %dma_wait3A_1272 = arith.constant 0 : i32
      %dma_wait3A_1273 = tpu.memref_slice %arg8[%dma_wait3A_1263, %dma_wait3A_1272] : memref<9x8xi32, #tpu.memory_space<vmem_shared>> -> memref<1x8xi32, #tpu.memory_space<vmem_shared>>
      %dma_wait3A_1274 = tpu.memref_squeeze %dma_wait3A_1273 : memref<1x8xi32, #tpu.memory_space<vmem_shared>> -> memref<8xi32, #tpu.memory_space<vmem_shared>>
      tpu.wait_dma2 semaphore(%arg9 : memref<!tpu.dma_semaphore, #tpu.memory_space<semaphore_mem>>) src(%dma_wait3A_1274 : memref<8xi32, #tpu.memory_space<vmem_shared>>) dst(%dma_wait3A_1271 : memref<8xi32, #tpu.memory_space<vmem>>)
      %dma_wait3A_1275 = arith.constant 8 : i32
      %dma_wait3A_1276 = arith.constant 14 : i32
      %dma_wait3A_1277 = tpu.memref_slice %arg6[%dma_wait3A_1276, %select_n3A_1060, %multiple_of3A_1067] : memref<16x16x256xi32, #tpu.memory_space<vmem>> -> memref<1x1x8xi32, #tpu.memory_space<vmem>>
      %dma_wait3A_1278 = tpu.memref_squeeze %dma_wait3A_1277 : memref<1x1x8xi32, #tpu.memory_space<vmem>> -> memref<8xi32, #tpu.memory_space<vmem>>
      %dma_wait3A_1279 = arith.constant 0 : i32
      %dma_wait3A_1280 = tpu.memref_slice %arg8[%dma_wait3A_1275, %dma_wait3A_1279] : memref<9x8xi32, #tpu.memory_space<vmem_shared>> -> memref<1x8xi32, #tpu.memory_space<vmem_shared>>
      %dma_wait3A_1281 = tpu.memref_squeeze %dma_wait3A_1280 : memref<1x8xi32, #tpu.memory_space<vmem_shared>> -> memref<8xi32, #tpu.memory_space<vmem_shared>>
      %dma_wait3A_1282 = tpu.memref_slice %arg6[%dma_wait3A_1276, %select_n3A_1060, %multiple_of3A_1067] : memref<16x16x256xi32, #tpu.memory_space<vmem>> -> memref<1x1x8xi32, #tpu.memory_space<vmem>>
      %dma_wait3A_1283 = tpu.memref_squeeze %dma_wait3A_1282 : memref<1x1x8xi32, #tpu.memory_space<vmem>> -> memref<8xi32, #tpu.memory_space<vmem>>
      %dma_wait3A_1284 = arith.constant 0 : i32
      %dma_wait3A_1285 = tpu.memref_slice %arg8[%dma_wait3A_1275, %dma_wait3A_1284] : memref<9x8xi32, #tpu.memory_space<vmem_shared>> -> memref<1x8xi32, #tpu.memory_space<vmem_shared>>
      %dma_wait3A_1286 = tpu.memref_squeeze %dma_wait3A_1285 : memref<1x8xi32, #tpu.memory_space<vmem_shared>> -> memref<8xi32, #tpu.memory_space<vmem_shared>>
      tpu.wait_dma2 semaphore(%arg9 : memref<!tpu.dma_semaphore, #tpu.memory_space<semaphore_mem>>) src(%dma_wait3A_1286 : memref<8xi32, #tpu.memory_space<vmem_shared>>) dst(%dma_wait3A_1283 : memref<8xi32, #tpu.memory_space<vmem>>)
      %dma_wait3A_1287 = arith.constant 8 : i32
      %dma_wait3A_1288 = arith.constant 15 : i32
      %dma_wait3A_1289 = tpu.memref_slice %arg6[%dma_wait3A_1288, %select_n3A_1087, %multiple_of3A_1094] : memref<16x16x256xi32, #tpu.memory_space<vmem>> -> memref<1x1x8xi32, #tpu.memory_space<vmem>>
      %dma_wait3A_1290 = tpu.memref_squeeze %dma_wait3A_1289 : memref<1x1x8xi32, #tpu.memory_space<vmem>> -> memref<8xi32, #tpu.memory_space<vmem>>
      %dma_wait3A_1291 = arith.constant 0 : i32
      %dma_wait3A_1292 = tpu.memref_slice %arg8[%dma_wait3A_1287, %dma_wait3A_1291] : memref<9x8xi32, #tpu.memory_space<vmem_shared>> -> memref<1x8xi32, #tpu.memory_space<vmem_shared>>
      %dma_wait3A_1293 = tpu.memref_squeeze %dma_wait3A_1292 : memref<1x8xi32, #tpu.memory_space<vmem_shared>> -> memref<8xi32, #tpu.memory_space<vmem_shared>>
      %dma_wait3A_1294 = tpu.memref_slice %arg6[%dma_wait3A_1288, %select_n3A_1087, %multiple_of3A_1094] : memref<16x16x256xi32, #tpu.memory_space<vmem>> -> memref<1x1x8xi32, #tpu.memory_space<vmem>>
      %dma_wait3A_1295 = tpu.memref_squeeze %dma_wait3A_1294 : memref<1x1x8xi32, #tpu.memory_space<vmem>> -> memref<8xi32, #tpu.memory_space<vmem>>
      %dma_wait3A_1296 = arith.constant 0 : i32
      %dma_wait3A_1297 = tpu.memref_slice %arg8[%dma_wait3A_1287, %dma_wait3A_1296] : memref<9x8xi32, #tpu.memory_space<vmem_shared>> -> memref<1x8xi32, #tpu.memory_space<vmem_shared>>
      %dma_wait3A_1298 = tpu.memref_squeeze %dma_wait3A_1297 : memref<1x8xi32, #tpu.memory_space<vmem_shared>> -> memref<8xi32, #tpu.memory_space<vmem_shared>>
      tpu.wait_dma2 semaphore(%arg9 : memref<!tpu.dma_semaphore, #tpu.memory_space<semaphore_mem>>) src(%dma_wait3A_1298 : memref<8xi32, #tpu.memory_space<vmem_shared>>) dst(%dma_wait3A_1295 : memref<8xi32, #tpu.memory_space<vmem>>)
      %scan3A_1299 = arith.constant 0 : i32
      scf.yield %scan3A_1299 : i32
    }
    %scan3A_10 = arith.constant 8 : i32
    return
  }
}

module attributes {stable_mosaic.version = 14 : i64} {
  func.func @_gate_kernel(%arg0: i32, %arg1: memref<256x1024xf32, #tpu.memory_space<vmem>>, %arg2: memref<16x1024xf32, #tpu.memory_space<vmem>>, %arg3: memref<256x16x256xf32, #tpu.memory_space<vmem>>, %arg4: memref<1x1x256xi32, #tpu.memory_space<vmem>>, %arg5: memref<1x1xf32, #tpu.memory_space<vmem>>, %arg6: memref<16x1xf32, #tpu.memory_space<vmem>>, %arg7: memref<16x256xf32, #tpu.memory_space<vmem>>, %arg8: memref<16x256xf32, #tpu.memory_space<vmem>>) attributes {dimension_semantics = [#tpu.dimension_semantics<arbitrary>], iteration_bounds = array<i64: 16>, scalar_prefetch = 0 : i64, scratch_operands = 3 : i64, tpu.core_type = #tpu.core_type<tc>, window_params = [{transform_indices = @transform_0, window_bounds = array<i64: 256, 1024>}, {pipeline_mode = #tpu.pipeline_mode<synchronous>, transform_indices = @transform_1, window_bounds = array<i64: 16, 1024>}, {transform_indices = @transform_2, window_bounds = array<i64: 256, 16, 256>}, {transform_indices = @transform_3, window_bounds = array<i64: 1, 1, 256>}, {pipeline_mode = #tpu.pipeline_mode<synchronous>, transform_indices = @transform_4, window_bounds = array<i64: 1, 1>}]} {
    %eq3A = arith.constant 0 : i32
    %eq3A_0 = arith.cmpi eq, %arg0, %eq3A : i32
    %convert_element_type3A = arith.extui %eq3A_0 : i1 to i32
    %cond3A = arith.constant 0 : i32
    %cond3A_1 = arith.cmpi ne, %convert_element_type3A, %cond3A : i32
    scf.if %cond3A_1 {
      %broadcast_in_dim3A_115 = arith.constant 0.000000e+00 : f32
      %broadcast_in_dim3A_116 = vector.broadcast %broadcast_in_dim3A_115 : f32 to vector<16x1xf32>
      %swap3A_117 = arith.constant 0 : index
      %swap3A_118 = arith.constant 0 : index
      %swap3A_119 = vector.load %arg6[%swap3A_117, %swap3A_118] : memref<16x1xf32, #tpu.memory_space<vmem>>, vector<16x1xf32>
      tpu.vector_store %arg6[%swap3A_117, %swap3A_118], %broadcast_in_dim3A_116 {strides = array<i32>} : memref<16x1xf32, #tpu.memory_space<vmem>>, vector<16x1xf32>,
      %broadcast_in_dim3A_120 = arith.constant 0.000000e+00 : f32
      %broadcast_in_dim3A_121 = vector.broadcast %broadcast_in_dim3A_120 : f32 to vector<16x256xf32>
      %swap3A_122 = arith.constant 0 : index
      %swap3A_123 = arith.constant 0 : index
      %swap3A_124 = vector.load %arg7[%swap3A_122, %swap3A_123] : memref<16x256xf32, #tpu.memory_space<vmem>>, vector<16x256xf32>
      tpu.vector_store %arg7[%swap3A_122, %swap3A_123], %broadcast_in_dim3A_121 {strides = array<i32>} : memref<16x256xf32, #tpu.memory_space<vmem>>, vector<16x256xf32>,
      %broadcast_in_dim3A_125 = arith.constant 0.000000e+00 : f32
      %broadcast_in_dim3A_126 = vector.broadcast %broadcast_in_dim3A_125 : f32 to vector<16x256xf32>
      %swap3A_127 = arith.constant 0 : index
      %swap3A_128 = arith.constant 0 : index
      %swap3A_129 = vector.load %arg8[%swap3A_127, %swap3A_128] : memref<16x256xf32, #tpu.memory_space<vmem>>, vector<16x256xf32>
      tpu.vector_store %arg8[%swap3A_127, %swap3A_128], %broadcast_in_dim3A_126 {strides = array<i32>} : memref<16x256xf32, #tpu.memory_space<vmem>>, vector<16x256xf32>,
    } else {
    }
    %get3A = arith.constant 0 : index
    %get3A_2 = arith.constant 0 : index
    %get3A_3 = vector.load %arg1[%get3A, %get3A_2] : memref<256x1024xf32, #tpu.memory_space<vmem>>, vector<256x1024xf32>
    %get3A_4 = arith.constant 0 : index
    %get3A_5 = arith.constant 0 : index
    %get3A_6 = vector.load %arg2[%get3A_4, %get3A_5] : memref<16x1024xf32, #tpu.memory_space<vmem>>, vector<16x1024xf32>
    %dot_general3A = arith.constant dense<0.000000e+00> : vector<16x256xf32>
    %dot_general3A_7 = tpu.matmul %get3A_6, %get3A_3, %dot_general3A {dimension_numbers = #tpu.dot_dimension_numbers<[1], [1], [0], [0], [0, 0, 1, 0], [], []>, transpose_lhs_hint = false} : vector<16x1024xf32>, vector<256x1024xf32>, vector<16x256xf32> -> vector<16x256xf32>
    %reduce_max3A = arith.constant dense<0xFF800000> : vector<256xf32>
    %reduce_max3A_8 = vector.multi_reduction <maximumf>, %dot_general3A_7, %reduce_max3A [0] : vector<16x256xf32> to vector<256xf32>
    %broadcast_in_dim3A = vector.shape_cast %reduce_max3A_8 : vector<256xf32> to vector<1x256xf32>
    %sub3A = vector.broadcast %broadcast_in_dim3A : vector<1x256xf32> to vector<16x256xf32>
    %sub3A_9 = arith.subf %dot_general3A_7, %sub3A : vector<16x256xf32>
    %exp3A = math.exp %sub3A_9 : vector<16x256xf32>
    %reduce_sum3A = arith.constant dense<0.000000e+00> : vector<256xf32>
    %reduce_sum3A_10 = vector.multi_reduction <add>, %exp3A, %reduce_sum3A [0] : vector<16x256xf32> to vector<256xf32>
    %broadcast_in_dim3A_11 = vector.shape_cast %reduce_sum3A_10 : vector<256xf32> to vector<1x256xf32>
    %div3A = vector.broadcast %broadcast_in_dim3A_11 : vector<1x256xf32> to vector<16x256xf32>
    %div3A_12 = arith.divf %exp3A, %div3A : vector<16x256xf32>
    %reduce_max3A_13 = arith.constant dense<0xFF800000> : vector<256xf32>
    %reduce_max3A_14 = vector.multi_reduction <maximumf>, %div3A_12, %reduce_max3A_13 [0] : vector<16x256xf32> to vector<256xf32>
    %broadcast_in_dim3A_15 = vector.shape_cast %reduce_max3A_14 : vector<256xf32> to vector<1x256xf32>
    %iota3A = tpu.iota {dimensions = array<i32: 0>} : vector<16x256xi32>
    %eq3A_16 = vector.broadcast %broadcast_in_dim3A_15 : vector<1x256xf32> to vector<16x256xf32>
    %eq3A_17 = arith.cmpf oeq, %div3A_12, %eq3A_16 : vector<16x256xf32>
    %jit3A = arith.constant 16 : i32
    %broadcast_in_dim3A_18 = vector.broadcast %jit3A : i32 to vector<16x256xi32>
    %select_n3A = arith.select %eq3A_17, %iota3A, %broadcast_in_dim3A_18 : vector<16x256xi1>, vector<16x256xi32>
    %reduce_min3A = arith.constant dense<2147483647> : vector<256xi32>
    %reduce_min3A_19 = vector.multi_reduction <minsi>, %select_n3A, %reduce_min3A [0] : vector<16x256xi32> to vector<256xi32>
    %broadcast_in_dim3A_20 = vector.shape_cast %reduce_min3A_19 : vector<256xi32> to vector<1x256xi32>
    %eq3A_21 = vector.broadcast %broadcast_in_dim3A_20 : vector<1x256xi32> to vector<16x256xi32>
    %eq3A_22 = arith.cmpi eq, %iota3A, %eq3A_21 : vector<16x256xi32>
    %convert_element_type3A_23 = arith.extui %eq3A_22 : vector<16x256xi1> to vector<16x256xi32>
    %convert_element_type3A_24 = arith.sitofp %convert_element_type3A_23 : vector<16x256xi32> to vector<16x256xf32>
    %get3A_25 = arith.constant 0 : index
    %get3A_26 = arith.constant 0 : index
    %get3A_27 = vector.load %arg7[%get3A_25, %get3A_26] : memref<16x256xf32, #tpu.memory_space<vmem>>, vector<16x256xf32>
    %add3A = arith.addf %get3A_27, %div3A_12 : vector<16x256xf32>
    %swap3A = arith.constant 0 : index
    %swap3A_28 = arith.constant 0 : index
    %swap3A_29 = vector.load %arg7[%swap3A, %swap3A_28] : memref<16x256xf32, #tpu.memory_space<vmem>>, vector<16x256xf32>
    tpu.vector_store %arg7[%swap3A, %swap3A_28], %add3A {strides = array<i32>} : memref<16x256xf32, #tpu.memory_space<vmem>>, vector<16x256xf32>,
    %get3A_30 = arith.constant 0 : index
    %get3A_31 = arith.constant 0 : index
    %get3A_32 = vector.load %arg8[%get3A_30, %get3A_31] : memref<16x256xf32, #tpu.memory_space<vmem>>, vector<16x256xf32>
    %add3A_33 = arith.addf %get3A_32, %convert_element_type3A_24 : vector<16x256xf32>
    %swap3A_34 = arith.constant 0 : index
    %swap3A_35 = arith.constant 0 : index
    %swap3A_36 = vector.load %arg8[%swap3A_34, %swap3A_35] : memref<16x256xf32, #tpu.memory_space<vmem>>, vector<16x256xf32>
    tpu.vector_store %arg8[%swap3A_34, %swap3A_35], %add3A_33 {strides = array<i32>} : memref<16x256xf32, #tpu.memory_space<vmem>>, vector<16x256xf32>,
    %iota3A_37 = tpu.iota {dimensions = array<i32: 0>} : vector<256x256xi32>
    %iota3A_38 = tpu.iota {dimensions = array<i32: 1>} : vector<256x256xi32>
    %le3A = arith.cmpi sle, %iota3A_37, %iota3A_38 : vector<256x256xi32>
    %convert_element_type3A_39 = arith.extui %le3A : vector<256x256xi1> to vector<256x256xi32>
    %convert_element_type3A_40 = arith.sitofp %convert_element_type3A_39 : vector<256x256xi32> to vector<256x256xf32>
    %dot_general3A_41 = arith.constant dense<0.000000e+00> : vector<16x256xf32>
    %dot_general3A_42 = tpu.matmul %convert_element_type3A_24, %convert_element_type3A_40, %dot_general3A_41 {dimension_numbers = #tpu.dot_dimension_numbers<[1], [0], [0], [1], [0, 0, 1, 1], [], []>, transpose_lhs_hint = false} : vector<16x256xf32>, vector<256x256xf32>, vector<16x256xf32> -> vector<16x256xf32>
    %get3A_43 = arith.constant 0 : index
    %get3A_44 = arith.constant 0 : index
    %get3A_45 = vector.load %arg6[%get3A_43, %get3A_44] : memref<16x1xf32, #tpu.memory_space<vmem>>, vector<16x1xf32>
    %add3A_46 = vector.broadcast %get3A_45 : vector<16x1xf32> to vector<16x256xf32>
    %add3A_47 = arith.addf %add3A_46, %dot_general3A_42 : vector<16x256xf32>
    %sub3A_48 = arith.constant 1.000000e+00 : f32
    %sub3A_49 = vector.broadcast %sub3A_48 : f32 to vector<16x256xf32>
    %sub3A_50 = arith.subf %add3A_47, %sub3A_49 : vector<16x256xf32>
    %get3A_51 = arith.constant 0 : index
    %get3A_52 = arith.constant 0 : index
    %get3A_53 = vector.load %arg6[%get3A_51, %get3A_52] : memref<16x1xf32, #tpu.memory_space<vmem>>, vector<16x1xf32>
    %slice3A = vector.extract_strided_slice %dot_general3A_42 {offsets = [0, 255], sizes = [16, 1], strides = [1, 1]} : vector<16x256xf32> to vector<16x1xf32>
    %add3A_54 = arith.addf %get3A_53, %slice3A : vector<16x1xf32>
    %swap3A_55 = arith.constant 0 : index
    %swap3A_56 = arith.constant 0 : index
    %swap3A_57 = vector.load %arg6[%swap3A_55, %swap3A_56] : memref<16x1xf32, #tpu.memory_space<vmem>>, vector<16x1xf32>
    tpu.vector_store %arg6[%swap3A_55, %swap3A_56], %add3A_54 {strides = array<i32>} : memref<16x1xf32, #tpu.memory_space<vmem>>, vector<16x1xf32>,
    %lt3A = arith.constant 2.560000e+02 : f32
    %lt3A_58 = vector.broadcast %lt3A : f32 to vector<16x256xf32>
    %lt3A_59 = arith.cmpf olt, %sub3A_50, %lt3A_58 : vector<16x256xf32>
    %convert_element_type3A_60 = arith.extui %lt3A_59 : vector<16x256xi1> to vector<16x256xi32>
    %convert_element_type3A_61 = arith.sitofp %convert_element_type3A_60 : vector<16x256xi32> to vector<16x256xf32>
    %mul3A = arith.mulf %convert_element_type3A_24, %convert_element_type3A_61 : vector<16x256xf32>
    %mul3A_62 = arith.mulf %sub3A_50, %mul3A : vector<16x256xf32>
    %reduce_sum3A_63 = arith.constant dense<0.000000e+00> : vector<256xf32>
    %reduce_sum3A_64 = vector.multi_reduction <add>, %mul3A_62, %reduce_sum3A_63 [0] : vector<16x256xf32> to vector<256xf32>
    %broadcast_in_dim3A_65 = vector.shape_cast %reduce_sum3A_64 : vector<256xf32> to vector<1x256xf32>
    %mul3A_66 = arith.mulf %div3A_12, %mul3A : vector<16x256xf32>
    %reduce_sum3A_67 = arith.constant dense<0.000000e+00> : vector<256xf32>
    %reduce_sum3A_68 = vector.multi_reduction <add>, %mul3A_66, %reduce_sum3A_67 [0] : vector<16x256xf32> to vector<256xf32>
    %broadcast_in_dim3A_69 = vector.shape_cast %reduce_sum3A_68 : vector<256xf32> to vector<1x256xf32>
    %reduce_sum3A_70 = arith.constant dense<0.000000e+00> : vector<256xf32>
    %reduce_sum3A_71 = vector.multi_reduction <add>, %mul3A, %reduce_sum3A_70 [0] : vector<16x256xf32> to vector<256xf32>
    %broadcast_in_dim3A_72 = vector.shape_cast %reduce_sum3A_71 : vector<256xf32> to vector<1x256xf32>
    %gt3A = arith.constant 0.000000e+00 : f32
    %gt3A_73 = vector.broadcast %gt3A : f32 to vector<1x256xf32>
    %gt3A_74 = arith.cmpf ogt, %broadcast_in_dim3A_72, %gt3A_73 : vector<1x256xf32>
    %convert_element_type3A_75 = arith.sitofp %broadcast_in_dim3A_20 : vector<1x256xi32> to vector<1x256xf32>
    %mul3A_76 = arith.constant 2.560000e+02 : f32
    %mul3A_77 = vector.broadcast %mul3A_76 : f32 to vector<1x256xf32>
    %mul3A_78 = arith.mulf %convert_element_type3A_75, %mul3A_77 : vector<1x256xf32>
    %add3A_79 = arith.addf %mul3A_78, %broadcast_in_dim3A_65 : vector<1x256xf32>
    %jit3A_80 = arith.constant -1.000000e+00 : f32
    %broadcast_in_dim3A_81 = vector.broadcast %jit3A_80 : f32 to vector<1x256xf32>
    %select_n3A_82 = arith.select %gt3A_74, %add3A_79, %broadcast_in_dim3A_81 : vector<1x256xi1>, vector<1x256xf32>
    %convert_element_type3A_83 = arith.fptosi %select_n3A_82 : vector<1x256xf32> to vector<1x256xi32>
    %reshape3A = vector.shape_cast %convert_element_type3A_83 : vector<1x256xi32> to vector<1x1x256xi32>
    %swap3A_84 = arith.constant 0 : index
    %swap3A_85 = arith.constant 0 : index
    %swap3A_86 = arith.constant 0 : index
    %swap3A_87 = vector.load %arg4[%swap3A_84, %swap3A_85, %swap3A_86] : memref<1x1x256xi32, #tpu.memory_space<vmem>>, vector<1x1x256xi32>
    tpu.vector_store %arg4[%swap3A_84, %swap3A_85, %swap3A_86], %reshape3A {strides = array<i32>} : memref<1x1x256xi32, #tpu.memory_space<vmem>>, vector<1x1x256xi32>,
    %reshape3A_88 = vector.shape_cast %convert_element_type3A_83 : vector<1x256xi32> to vector<256x1xi32>
    %broadcast_in_dim3A_89 = vector.shape_cast %reshape3A_88 : vector<256x1xi32> to vector<256x1x1xi32>
    %reshape3A_90 = vector.shape_cast %broadcast_in_dim3A_69 : vector<1x256xf32> to vector<256x1xf32>
    %broadcast_in_dim3A_91 = vector.shape_cast %reshape3A_90 : vector<256x1xf32> to vector<256x1x1xf32>
    %iota3A_92 = tpu.iota {dimensions = array<i32: 1>} : vector<256x16x1xi32>
    %mul3A_93 = arith.constant 256 : i32
    %mul3A_94 = vector.broadcast %mul3A_93 : i32 to vector<256x16x1xi32>
    %mul3A_95 = arith.muli %iota3A_92, %mul3A_94 : vector<256x16x1xi32>
    %sub3A_96 = vector.broadcast %broadcast_in_dim3A_89 : vector<256x1x1xi32> to vector<256x16x1xi32>
    %sub3A_97 = arith.subi %sub3A_96, %mul3A_95 : vector<256x16x1xi32>
    %iota3A_98 = tpu.iota {dimensions = array<i32: 2>} : vector<256x16x256xi32>
    %eq3A_99 = vector.broadcast %sub3A_97 : vector<256x16x1xi32> to vector<256x16x256xi32>
    %eq3A_100 = arith.cmpi eq, %iota3A_98, %eq3A_99 : vector<256x16x256xi32>
    %jit3A_101 = arith.constant 0.000000e+00 : f32
    %broadcast_in_dim3A_102 = vector.shape_cast %broadcast_in_dim3A_91 : vector<256x1x1xf32> to vector<256x1x1xf32>
    %broadcast_in_dim3A_103 = vector.broadcast %broadcast_in_dim3A_102 : vector<256x1x1xf32> to vector<256x16x256xf32>
    %broadcast_in_dim3A_104 = vector.broadcast %jit3A_101 : f32 to vector<256x16x256xf32>
    %select_n3A_105 = arith.select %eq3A_100, %broadcast_in_dim3A_103, %broadcast_in_dim3A_104 : vector<256x16x256xi1>, vector<256x16x256xf32>
    %swap3A_106 = arith.constant 0 : index
    %swap3A_107 = arith.constant 0 : index
    %swap3A_108 = arith.constant 0 : index
    %swap3A_109 = vector.load %arg3[%swap3A_106, %swap3A_107, %swap3A_108] : memref<256x16x256xf32, #tpu.memory_space<vmem>>, vector<256x16x256xf32>
    tpu.vector_store %arg3[%swap3A_106, %swap3A_107, %swap3A_108], %select_n3A_105 {strides = array<i32>} : memref<256x16x256xf32, #tpu.memory_space<vmem>>, vector<256x16x256xf32>,
    %eq3A_110 = arith.constant 15 : i32
    %eq3A_111 = arith.cmpi eq, %arg0, %eq3A_110 : i32
    %convert_element_type3A_112 = arith.extui %eq3A_111 : i1 to i32
    %cond3A_113 = arith.constant 0 : i32
    %cond3A_114 = arith.cmpi ne, %convert_element_type3A_112, %cond3A_113 : i32
    scf.if %cond3A_114 {
      %get3A_115 = arith.constant 0 : index
      %get3A_116 = arith.constant 0 : index
      %get3A_117 = vector.load %arg7[%get3A_115, %get3A_116] : memref<16x256xf32, #tpu.memory_space<vmem>>, vector<16x256xf32>
      %reduce_sum3A_118 = arith.constant dense<0.000000e+00> : vector<16xf32>
      %reduce_sum3A_119 = vector.multi_reduction <add>, %get3A_117, %reduce_sum3A_118 [1] : vector<16x256xf32> to vector<16xf32>
      %broadcast_in_dim3A_120 = vector.shape_cast %reduce_sum3A_119 : vector<16xf32> to vector<16x1xf32>
      %div3A_121 = arith.constant 4.096000e+03 : f32
      %div3A_122 = vector.broadcast %div3A_121 : f32 to vector<16x1xf32>
      %div3A_123 = arith.divf %broadcast_in_dim3A_120, %div3A_122 : vector<16x1xf32>
      %get3A_124 = arith.constant 0 : index
      %get3A_125 = arith.constant 0 : index
      %get3A_126 = vector.load %arg8[%get3A_124, %get3A_125] : memref<16x256xf32, #tpu.memory_space<vmem>>, vector<16x256xf32>
      %reduce_sum3A_127 = arith.constant dense<0.000000e+00> : vector<16xf32>
      %reduce_sum3A_128 = vector.multi_reduction <add>, %get3A_126, %reduce_sum3A_127 [1] : vector<16x256xf32> to vector<16xf32>
      %broadcast_in_dim3A_129 = vector.shape_cast %reduce_sum3A_128 : vector<16xf32> to vector<16x1xf32>
      %div3A_130 = arith.constant 4.096000e+03 : f32
      %div3A_131 = vector.broadcast %div3A_130 : f32 to vector<16x1xf32>
      %div3A_132 = arith.divf %broadcast_in_dim3A_129, %div3A_131 : vector<16x1xf32>
      %mul3A_133 = arith.mulf %div3A_123, %div3A_132 : vector<16x1xf32>
      %reduce_sum3A_134 = vector.shape_cast %mul3A_133 : vector<16x1xf32> to vector<1x16x1xf32>
      %reduce_sum3A_135 = arith.constant dense<0.000000e+00> : vector<1xf32>
      %reduce_sum3A_136 = vector.multi_reduction <add>, %reduce_sum3A_134, %reduce_sum3A_135 [1, 2] : vector<1x16x1xf32> to vector<1xf32>
      %reduce_sum3A_137 = vector.shape_cast %reduce_sum3A_136 : vector<1xf32> to vector<1x1x1xf32>
      %reduce_sum3A_138 = vector.extract %reduce_sum3A_137[0, 0, 0] : f32 from vector<1x1x1xf32>
      %mul3A_139 = arith.constant 1.600000e+01 : f32
      %mul3A_140 = arith.mulf %reduce_sum3A_138, %mul3A_139 : f32
      %reshape3A_141 = vector.broadcast %mul3A_140 : f32 to vector<1x1xf32>
      %swap3A_142 = arith.constant 0 : index
      %swap3A_143 = arith.constant 0 : index
      %swap3A_144 = vector.load %arg5[%swap3A_142, %swap3A_143] : memref<1x1xf32, #tpu.memory_space<vmem>>, vector<1x1xf32>
      tpu.vector_store %arg5[%swap3A_142, %swap3A_143], %reshape3A_141 {strides = array<i32>} : memref<1x1xf32, #tpu.memory_space<vmem>>, vector<1x1xf32>,
    } else {
    }
    return
  }
  func.func @transform_0(%arg0: i32) -> (i32, i32) {
    %c0_i32 = arith.constant 0 : i32
    %c0_i32_0 = arith.constant 0 : i32
    return %arg0, %c0_i32 : i32, i32
  }
  func.func @transform_1(%arg0: i32) -> (i32, i32) {
    %c0_i32 = arith.constant 0 : i32
    %c0_i32_0 = arith.constant 0 : i32
    %c0_i32_1 = arith.constant 0 : i32
    return %c0_i32, %c0_i32_0 : i32, i32
  }
  func.func @transform_2(%arg0: i32) -> (i32, i32, i32) {
    %c0_i32 = arith.constant 0 : i32
    %c0_i32_0 = arith.constant 0 : i32
    %c0_i32_1 = arith.constant 0 : i32
    return %arg0, %c0_i32, %c0_i32_0 : i32, i32, i32
  }
  func.func @transform_3(%arg0: i32) -> (i32, i32, i32) {
    %c0_i32 = arith.constant 0 : i32
    %c0_i32_0 = arith.constant 0 : i32
    %c0_i32_1 = arith.constant 0 : i32
    return %arg0, %c0_i32, %c0_i32_0 : i32, i32, i32
  }
  func.func @transform_4(%arg0: i32) -> (i32, i32) {
    %c0_i32 = arith.constant 0 : i32
    %c0_i32_0 = arith.constant 0 : i32
    %c0_i32_1 = arith.constant 0 : i32
    return %c0_i32, %c0_i32_0 : i32, i32
  }
}

</mosaic_0001>

<sc_bundles>
// kernel: kernel.4.cloned.1.call-start
scs
__scs_entry_jumppad:
0x0: {  	(pc) =	sbr.rel $0x88, $3  }
0x1: {  	(tag) =	ssettag $0x0;
	lr =	simm.s32 $0x1  }
0x2: {  	[smem:$0x3F9F] =	sst lr;
	_ =	strace $0xD0000000  }
0x3: {  	_ = 	snop  }
0x4: {  	_ = 	snop  }
0x5: {  	_ = 	snop  }
0x6: {  	_ = 	snop  }
0x7: {  	_ = 	snop  }
__scs_overlays_trampoline_lowered:
0x8: {  	[smem:$0x3FAE] =	sst s0  }
0x9: {  	[smem:$0x3FAF] =	sst s1  }
0xa: {  	[smem:$0x3FB0] =	sst s2  }
0xb: {  	[smem:$0x3FB1] =	sst s3  }
0xc: {  	[smem:$0x3FB2] =	sst s4  }
0xd: {  	[smem:$0x3FB3] =	sst s5  }
0xe: {  	[smem:$0x3FB4] =	sst s6  }
0xf: {  	[smem:$0x3FB5] =	sst s7  }
0x10: {  	[smem:$0x3FB6] =	sst s8  }
0x11: {  	[smem:$0x3FB7] =	sst s9;
	s0 =	simm.s32 @!p0 $0x0  }
0x12: {  	s1 =	sld [smem:$0x3F9D];
	s0 =	simm.s32 @p0 $0x1  }
0x13: {  	[smem:$0x3FB8] =	sst s0;
	s0 =	simm.s32 @!p1 $0x0  }
0x14: {  	s2 =	sld [smem:$0x3F9C];
	s0 =	simm.s32 @p1 $0x1  }
0x15: {  	[smem:$0x3FB9] =	sst s0;
	s0 =	simm.s32 @!p2 $0x0  }
0x16: {  	s3 =	sld [smem:$0x3FDB];
	s0 =	simm.s32 @p2 $0x1  }
0x17: {  	s4 =	simm.s32 $0x1BF5;
	[smem:$0x3FBB] =	sst s0  }
0x18: {  	s0 =	sld [smem:$0x3F9E];
	_ =	swait.ge [sflag:s4], $0x0  }
0x19: {  	s7 =	sld [smem:$0x3F9F]  }
0x1a: {  	s8 =	sadd.s32 $0xFFFFE003, lr  }
0x1b: {  	s9 =	sadd.s32 $0xFFFFFEF7, lr;
	s5 =	simm.s32 $0xFFFFFFFF;
	p2 =	slt.u32 s8, $0xFFFFF086  }
0x1c: {  	p1 =	slt.u32 s9, $0xF7A;
	s5 =	simm.s32 @!p2 $0x0  }
0x1d: {  	s5 =	simm.s32 @p1 $0x1;
	p0 =	seq.s32 s7, s2  }
0x1e: {  	s7 =	smul.u32 @!p0 $0xF7A, s2;
	p2 =	seq.s32 @!p0 s5, $0x0  }
0x1f: {  	s9 =	smul.u32 $0xF7A, s1;
	s8 =	simm.s32 @!p0 $0x1BF5;
	p2 =	por !p2, p0  }
0x20: {  	[sflag:s8] =	ssyncset.s32 @!p0 $0xFFFFF086;
	s6 =	sadd.s32 @!p0 s3, s7;
	s7 =	simm.s32 @!p0 $0x108  }
0x21: {  	s3 =	sadd.s32 s3, s9;
	s6 =	sadd.s32 @!p0 $0x88, s6;
	s7 =	simm.s32 @p2 $0x1082  }
0x22: {  	[simem:s7], [sflag:s8] =	dma.local @!p0 [hbm:s6], $0xF7A  }
0x23: {  	s9 =	sor.u32 $0xD0000000, s2;
	s6 =	simm.s32 $0x108;
	_ =	swait.ge @!p0 [sflag:s8], $0x0  }
0x24: {  	s3 =	sadd.s32 $0x88, s3;
	s6 =	simm.s32 @!p1 $0x1082;
	[sflag:s4] =	ssyncset.s32 $0xFFFFF086  }
0x25: {  	[simem:s6], [sflag:s4] =	dma.local [hbm:s3], $0xF7A  }
0x26: {  	[smem:$0x3F9F] =	sst s1;
	(tag) =	ssettag s2;
	_ =	strace s9  }
0x27: {  	s1 =	sld [smem:$0x3FAF]  }
0x28: {  	s2 =	sld [smem:$0x3FB0]  }
0x29: {  	s4 =	sld [smem:$0x3FB2]  }
0x2a: {  	p0 =	seq.s32 s5, $0x0;
	s5 =	sld [smem:$0x3FB3]  }
0x2b: {  	s6 =	sld [smem:$0x3FB4]  }
0x2c: {  	s7 =	sld [smem:$0x3FB5]  }
0x2d: {  	s3 =	simm.s32 $0x108;
	s8 =	sld [smem:$0x3FB6]  }
0x2e: {  	s3 =	simm.s32 @!p0 $0x1082;
	s9 =	sld [smem:$0x3FB7]  }
0x2f: {  	lr =	sadd.s32 s0, s3;
	s0 =	sld [smem:$0x3FAE]  }
0x30: {  	s3 =	sld [smem:$0x3FB1]  }
0x31: {  	[smem:$0x3FBA] =	sst s10  }
0x32: {  	s10 =	sld [smem:$0x3FB8];
	_ =	sdelay $0x3  }
0x33: {  	p0 =	seq.s32 s10, $0x1;
	s10 =	sld [smem:$0x3FBA];
	_ =	sdelay $0x3  }
0x34: {  	[smem:$0x3FBA] =	sst s10  }
0x35: {  	s10 =	sld [smem:$0x3FB9];
	_ =	sdelay $0x3  }
0x36: {  	p1 =	seq.s32 s10, $0x1;
	s10 =	sld [smem:$0x3FBA];
	_ =	sdelay $0x3  }
0x37: {  	[smem:$0x3FBA] =	sst s10  }
0x38: {  	s10 =	sld [smem:$0x3FBB]  }
0x39: {  	_ = 	snop;
	(pc) =	sbr.ind lr, $3  }
0x3a: {  	_ = 	snop  }
0x3b: {  	_ = 	snop  }
0x3c: {  	p2 =	seq.s32 s10, $0x1;
	s10 =	sld [smem:$0x3FBA]  }
0x3d: {  	_ =	shalt  }
0x3e: {  	_ =	shalt  }
0x3f: {  	_ =	shalt  }
0x40: {  	_ =	shalt  }
0x41: {  	_ =	shalt  }
0x42: {  	_ =	shalt  }
0x43: {  	_ =	shalt  }
0x44: {  	_ =	shalt  }
0x45: {  	_ =	shalt  }
0x46: {  	_ =	shalt  }
0x47: {  	_ =	shalt  }
0x48: {  	_ =	shalt  }
0x49: {  	_ =	shalt  }
0x4a: {  	_ =	shalt  }
0x4b: {  	_ =	shalt  }
0x4c: {  	_ =	shalt  }
0x4d: {  	_ =	shalt  }
0x4e: {  	_ =	shalt  }
0x4f: {  	_ =	shalt  }
0x50: {  	_ =	shalt  }
0x51: {  	_ =	shalt  }
0x52: {  	_ =	shalt  }
0x53: {  	_ =	shalt  }
0x54: {  	_ =	shalt  }
0x55: {  	_ =	shalt  }
0x56: {  	_ =	shalt  }
0x57: {  	_ =	shalt  }
0x58: {  	_ =	shalt  }
0x59: {  	_ =	shalt  }
0x5a: {  	_ =	shalt  }
0x5b: {  	_ =	shalt  }
0x5c: {  	_ =	shalt  }
0x5d: {  	_ =	shalt  }
0x5e: {  	_ =	shalt  }
0x5f: {  	_ =	shalt  }
0x60: {  	_ =	shalt  }
0x61: {  	_ =	shalt  }
0x62: {  	_ =	shalt  }
0x63: {  	_ =	shalt  }
0x64: {  	_ =	shalt  }
0x65: {  	_ =	shalt  }
0x66: {  	_ =	shalt  }
0x67: {  	_ =	shalt  }
0x68: {  	_ =	shalt  }
0x69: {  	_ =	shalt  }
0x6a: {  	_ =	shalt  }
0x6b: {  	_ =	shalt  }
0x6c: {  	_ =	shalt  }
0x6d: {  	_ =	shalt  }
0x6e: {  	_ =	shalt  }
0x6f: {  	_ =	shalt  }
0x70: {  	_ =	shalt  }
0x71: {  	_ =	shalt  }
0x72: {  	_ =	shalt  }
0x73: {  	_ =	shalt  }
0x74: {  	_ =	shalt  }
0x75: {  	_ =	shalt  }
0x76: {  	_ =	shalt  }
0x77: {  	_ =	shalt  }
0x78: {  	_ =	shalt  }
0x79: {  	_ =	shalt  }
0x7a: {  	_ =	shalt  }
0x7b: {  	_ =	shalt  }
0x7c: {  	_ =	shalt  }
0x7d: {  	_ =	shalt  }
0x7e: {  	_ =	shalt  }
0x7f: {  	_ =	shalt  }
0x80: {  	_ =	shalt  }
0x81: {  	_ =	shalt  }
0x82: {  	_ =	shalt  }
0x83: {  	_ =	shalt  }
0x84: {  	_ =	shalt  }
0x85: {  	_ =	shalt  }
0x86: {  	_ =	shalt  }
0x87: {  	_ =	shalt  }
.Lfunc_end0:
.L_simem_size_0:
called_computation_lowered:
.L_overlay_start_0:
0x88: {  	s2 =	sld [smem:$0x3FD9]  }
0x89: {  	s3 =	sld [smem:$0x3FFE];
	_ =	sdelay $0x1  }
0x8a: {  	s1 =	srdreg.scid  }
0x8b: {  	s0 =	sand.u32 $0x1, s1  }
0x8c: {  	s14 =	sshll.u32 s0, $0xA;
	s2 =	sadd.s32 s3, s2  }
0x8d: {  	s2 =	sadd.s32 s2, s14  }
0x8e: {  	[smem:$0x3FC6] =	sst s2  }
0x8f: {  	_ = 	snop  }
0x90: {  	s2 =	sld [smem:$0x3FD0];
	_ =	sdelay $0x2  }
0x91: {  	s15 =	simm.s32 $0xA;
	s4 =	simm.s32 $0x10  }
0x92: {  	[smem:s4], [sflag:s15] =	dma.local [hbm:s2], $0x1  }
0x93: {  	_ =	swait.eq [sflag:s15], $0x1  }
0x94: {  	[sflag:s15] =	ssyncset.done $0x0  }
0x95: {  	[sflag:s15] =	ssyncadd.s32 $0xFFFFFFFF  }
0x96: {  	s16 =	sld [smem:$0x12];
	(tm) =	ssettm $0x1  }
0x97: {  	s17 =	sld [smem:$0x3FFB];
	_ =	sdelay $0x3  }
0x98: {  	_ =	strace s17  }
0x99: {  	s3 =	sld [smem:$0x3FFC];
	_ =	sdelay $0x3  }
0x9a: {  	_ =	strace s3  }
0x9b: {  	s3 =	sld [smem:$0x3FFD];
	_ =	sdelay $0x3  }
0x9c: {  	_ =	strace s3  }
0x9d: {  	_ =	strace $0x8FFFFFFF  }
0x9e: {  	s18 =	sld [smem:$0x3FDB];
	_ =	sdelay $0x1  }
0x9f: {  	s19 =	simm.s32 $_scs_section_size  }
0xa0: {  	s5 =	simm.s32 $_size__tile_overlayer_lowered;
	s6 =	simm.s32 $_tile_overlayer_lowered  }
0xa1: {  	s22 =	simm.s32 $0x1BFF;
	s21 =	sshll.u32 s6, $0x1;
	s3 =	sadd.s32 s19, s18  }
0xa2: {  	s7 =	simm.s32 $0x0;
	s20 =	sshll.u32 s5, $0x1;
	s5 =	sadd.s32 s21, s3  }
0xa3: {  	[timem:s7], [sflag:s22] =	dma.local [hbm:s5], s20  }
0xa4: {  	_ =	swait.ge [sflag:s22], s20  }
0xa5: {  	s4 =	ssub.s32 $0x0, s20;
	[sflag:s22] =	ssyncset.done $0x0  }
0xa6: {  	[sflag:s22] =	ssyncadd.s32 s4;
	_ =	sdelay $0x1  }
0xa7: {  	s23 =	simm.s32 $0x1B8B  }
0xa8: {  	_ =	swait.ge [sflag:s23], $0x1  }
0xa9: {  	[sflag:s23] =	ssyncset.done $0x0  }
0xaa: {  	s25 =	simm.s32 $0x1B8E;
	s24 =	sld [smem:$0x3FFE];
	[sflag:s23] =	ssyncadd.s32 $0xFFFFFFFF  }
0xab: {  	s26 =	simm.s32 $execute0_lowered;
	[smem:$0x3FD2] =	sst s25  }
0xac: {  	s5 =	sshll.u32 s26, $0x1;
	_ =	strace $0x80000046;
	[dreg:$0x1] =	wrdreg $0xFFFFFFFF  }
0xad: {  	s28 =	simm.s32 $_size_execute0_lowered;
	s3 =	sadd.s32 s3, s5;
	[dreg:$0x0] =	wrdreg $0x0  }
0xae: {  	s5 =	sshll.u32 s28, $0x1;
	[dreg:$0x2] =	wrdreg s3  }
0xaf: {  	[dreg:$0x3] =	wrdreg s5  }
0xb0: {  	[dreg:$0x4] =	wrdreg $0xC0  }
0xb1: {  	_ =	task [dreg:s7], $0x5FFFF  }
0xb2: {  	[dreg:$0x1] =	wrdreg $0xFFFFFFFF  }
0xb3: {  	[dreg:$0x0] =	wrdreg $0x60  }
0xb4: {  	[dreg:$0x2] =	wrdreg s24  }
0xb5: {  	[dreg:$0x3] =	wrdreg s16  }
0xb6: {  	[dreg:$0x4] =	wrdreg $0x100800  }
0xb7: {  	[dreg:$0x5] =	wrdreg $0x9  }
0xb8: {  	_ =	task.clear_ibuf [dreg:s7], $0x6FFFF;
	_ =	strace $0x90000046  }
0xb9: {  	s29 =	simm.s32 $0x9;
	_ =	strace $0x80000048  }
0xba: {  	_ =	swait.ge [sflag:s29], $0x1  }
0xbb: {  	[sflag:s29] =	ssyncadd.s32 $0xFFFFFFFF  }
0xbc: {  	_ =	strace $0x90000048  }
0xbd: {  	_ =	sfence  }
0xbe: {  	s30 =	sld [smem:$0x0];
	_ =	sdelay $0x2  }
0xbf: {  	s31 =	sshll.u32 s1, $0xD;
	s1 =	sshrl.u32 s1, $0x2  }
0xc0: {  	s3 =	sand.u32 $0x4000, s31;
	s1 =	sadd.s32 s1, s30  }
0xc1: {  	s0 =	sor.u32 s3, s0;
	s1 =	sshll.u32 s1, $0x11  }
0xc2: {  	s0 =	sor.u32 s1, s0  }
0xc3: {  	s0 =	sadd.s32 $0x8F2B, s0  }
0xc4: {  	[sflag:s0] =	ssyncadd.remote.s32 $0x1  }
0xc5: {  	_ =	sfence.sel $0xFFFF  }
0xc6: {  	[dreg:$0x0] =	wrdreg $0xFFFFFFFF;
	(pc) =	sbr.abs _section_cstart, $3  }
0xc7: {  	[dreg:$0x1] =	wrdreg $0xFFFFFFFF  }
0xc8: {  	_ =	task.clear_ibuf [dreg:s7], $0x2FFFF;
	_ =	strace $0x9FFFFFFF  }
0xc9: {  	(tm) =	ssettm $0x7FFFFFFF  }
tec
execute0_lowered:
.L_overlay_start_1:
0x0: {  	(tag) =	ssettag $0x1  }
0x1: {  	s5 =	rddreg [dreg:$0x0]  }
0x2: {  	s1 =	rddreg [dreg:$0x1]  }
0x3: {  	s2 =	rddreg [dreg:$0x2]  }
0x4: {  	s0 =	rddreg [dreg:$0x3];
	s3 =	simm.s32 $0x0;
	s4 =	srdreg.scid  }
0x5: {  	s8 =	stileid.u32;
	s12 =	simm.s32 $0x1;
	s13 =	simm.s32 $0x0  }
0x6: {  	[smem:$0x7FF] =	sst s3;
	s7 =	sand.u32 $0x1, s4;
	s6 =	sshll.u32 s8, $0x8  }
0x7: {  	s4 =	sadd.s32 $0xC00, s5;
	s10 =	sshll.u32 s8, $0x11;
	p0 =	sne.s32 s8, $0x0  }
0x8: {  	_ =	strace $0x80000047;
	s9 =	sshll.u32 s7, $0x7;
	s29 =	ssub.s32 $0x2, s7  }
0x9: {  	s10 =	sadd.s32 s10, s5;
	s30 =	sshll.u32 s7, $0x10;
	s6 =	sor.u32 s9, s6  }
0xa: {  	s11 =	sshrl.u32 s29, $0x1;
	s31 =	sadd.s32 s30, s10;
	s10 =	simm.s32 $0x10000  }
0xb: {  	s6 =	sshrl.u32 s6, $0x3;
	s9 =	ssub.s32 s29, s11;
	s8 =	sadd.s32 $0x1000, s31  }
0xc: {  	s11 =	simm.s32 $0x2;
	s6 =	sadd.s32 s6, s5;
	s7 =	smax.u32 s9, $0x1  }
0xd: {  	s9 =	sshrl.u32 @!p0 s2, $0x3;
	s5 =	sadd.s32 $0xE00, s6;
	s6 =	sadd.s32 $0x40, s2  }
.LBB2_1:
0xe: {  	s14 =	simm.s32 @!p0 $0x1C02  }
0xf: {  	[spmem:s9], [sflag:s14] =	dma.local @!p0 [hbm:s4], $0x9  }
0x10: {  	s14 =	simm.s32 @!p0 $0x2  }
0x11: {  	_ =	swait.ge @!p0 [sflag:s14], $0x9  }
0x12: {  	[sflag:s14] =	ssyncset.done @!p0 $0x0  }
0x13: {  	[sflag:s14] =	ssyncadd.s32 @!p0 $0xFFFFFFF7  }
0x14: {  	[bflag:$0x0] =	sbarrier.arrive $0xFFFF  }
0x15: {  	[tilespmem:s10], [sflag:$0x2] =	stream.linear.gather [hbm4b:s5+s3], $0x80, $0x38;
	[tilespmem:$0x10088] =	vst v63  }
0x16: {  	_ =	swait.ge [sflag:s11], $0x80  }
0x17: {  	[sflag:s11] =	ssyncset.done $0x0  }
0x18: {  	[sflag:s11] =	ssyncadd.s32 $0xFFFFFF80  }
0x19: {  	[tilespmem:s3], [sflag:$0x2] =	stream.linear.gather [hbm4b:s1+s3], $0x10000, $0x38;
	[tilespmem:$0x10088] =	vst v63  }
0x1a: {  	_ =	swait.ge [sflag:s11], $0x10000  }
0x1b: {  	[sflag:s11] =	ssyncset.done $0x0  }
0x1c: {  	s15 =	simm.s32 $0x0;
	s14 =	smov.u32 s8;
	[sflag:s11] =	ssyncadd.s32 $0xFFFF0000  }
.LBB2_2:
0x1d: {  	s16 =	sshra.s32 s15, $0x2  }
0x1e: {  	v0 =	vld [tilespmem:s16+$0x10000];
	_ =	sdelay $0x4  }
0x1f: {  	(v2sf) =	vpush v0, $0x0;
	_ =	sdelay $0x5  }
0x20: {  	(v2sf) =	vpush v0, $0x1;
	_ =	sdelay $0x5  }
0x21: {  	(v2sf) =	vpush v0, $0x2;
	_ =	sdelay $0x2  }
0x22: {  	s17 =	spop (v2sf)  }
0x23: {  	s18 =	sshll.u32 s17, $0x3  }
0x24: {  	p1 =	sgt.s32 s17, $0xFFFFFFFF;
	p2 =	sgt.s32 s17, $0x0;
	s18 =	sand.u32 $0x38, s18  }
0x25: {  	(v2sf) =	vpush v0, $0x3;
	s17 =	simm.s32 @!p2 $0x0;
	s18 =	simm.s32 @!p1 $0x40  }
0x26: {  	s17 =	sand.u32 $0x7FFFFFF8, s17;
	s18 =	sadd.s32 s18, s2  }
0x27: {  	[tilespmem:s17], [sflag:$0x1] =	stream.linear.gather [spmem:s18], $0x8, $0x38;
	[tilespmem:$0x10088] =	vst v63  }
0x28: {  	s17 =	spop (v2sf)  }
0x29: {  	p2 =	sgt.s32 s17, $0x0;
	s26 =	sshll.u32 s17, $0x3  }
0x2a: {  	p1 =	sgt.s32 s17, $0xFFFFFFFF;
	s17 =	simm.s32 @!p2 $0x0;
	s18 =	sand.u32 $0x38, s26  }
0x2b: {  	(v2sf) =	vpush v0, $0x4;
	s17 =	sand.u32 $0x7FFFFFF8, s17;
	s18 =	simm.s32 @!p1 $0x40  }
0x2c: {  	s17 =	sadd.s32 $0x1000, s17;
	s18 =	sadd.s32 s18, s2  }
0x2d: {  	[tilespmem:s17], [sflag:$0x1] =	stream.linear.gather [spmem:s18], $0x8, $0x38;
	[tilespmem:$0x10088] =	vst v63  }
0x2e: {  	s17 =	spop (v2sf)  }
0x2f: {  	p2 =	sgt.s32 s17, $0x0;
	s28 =	sshll.u32 s17, $0x3  }
0x30: {  	p1 =	sgt.s32 s17, $0xFFFFFFFF;
	s17 =	simm.s32 @!p2 $0x0;
	s18 =	sand.u32 $0x38, s28  }
0x31: {  	(v2sf) =	vpush v0, $0x5;
	s17 =	sand.u32 $0x7FFFFFF8, s17;
	s18 =	simm.s32 @!p1 $0x40  }
0x32: {  	s17 =	sadd.s32 $0x2000, s17;
	s18 =	sadd.s32 s18, s2  }
0x33: {  	[tilespmem:s17], [sflag:$0x1] =	stream.linear.gather [spmem:s18], $0x8, $0x38;
	[tilespmem:$0x10088] =	vst v63  }
0x34: {  	s17 =	spop (v2sf)  }
0x35: {  	p2 =	sgt.s32 s17, $0x0;
	s29 =	sshll.u32 s17, $0x3  }
0x36: {  	p1 =	sgt.s32 s17, $0xFFFFFFFF;
	s17 =	simm.s32 @!p2 $0x0;
	s18 =	sand.u32 $0x38, s29  }
0x37: {  	(v2sf) =	vpush v0, $0x6;
	s17 =	sand.u32 $0x7FFFFFF8, s17;
	s18 =	simm.s32 @!p1 $0x40  }
0x38: {  	s17 =	sadd.s32 $0x3000, s17;
	s18 =	sadd.s32 s18, s2  }
0x39: {  	[tilespmem:s17], [sflag:$0x1] =	stream.linear.gather [spmem:s18], $0x8, $0x38;
	[tilespmem:$0x10088] =	vst v63  }
0x3a: {  	s17 =	spop (v2sf)  }
0x3b: {  	p2 =	sgt.s32 s17, $0x0;
	s30 =	sshll.u32 s17, $0x3  }
0x3c: {  	p1 =	sgt.s32 s17, $0xFFFFFFFF;
	s17 =	simm.s32 @!p2 $0x0;
	s18 =	sand.u32 $0x38, s30  }
0x3d: {  	(v2sf) =	vpush v0, $0x7;
	s17 =	sand.u32 $0x7FFFFFF8, s17;
	s18 =	simm.s32 @!p1 $0x40  }
0x3e: {  	s17 =	sadd.s32 $0x4000, s17;
	s18 =	sadd.s32 s18, s2  }
0x3f: {  	[tilespmem:s17], [sflag:$0x1] =	stream.linear.gather [spmem:s18], $0x8, $0x38;
	[tilespmem:$0x10088] =	vst v63  }
0x40: {  	s17 =	spop (v2sf)  }
0x41: {  	p2 =	sgt.s32 s17, $0x0;
	s31 =	sshll.u32 s17, $0x3  }
0x42: {  	p1 =	sgt.s32 s17, $0xFFFFFFFF;
	s17 =	simm.s32 @!p2 $0x0;
	s18 =	sand.u32 $0x38, s31  }
0x43: {  	(v2sf) =	vpush v0, $0x8;
	s17 =	sand.u32 $0x7FFFFFF8, s17;
	s18 =	simm.s32 @!p1 $0x40  }
0x44: {  	s17 =	sadd.s32 $0x5000, s17;
	s18 =	sadd.s32 s18, s2  }
0x45: {  	[tilespmem:s17], [sflag:$0x1] =	stream.linear.gather [spmem:s18], $0x8, $0x38;
	[tilespmem:$0x10088] =	vst v63  }
0x46: {  	s17 =	spop (v2sf)  }
0x47: {  	p2 =	sgt.s32 s17, $0x0;
	s19 =	sshll.u32 s17, $0x3  }
0x48: {  	p1 =	sgt.s32 s17, $0xFFFFFFFF;
	s17 =	simm.s32 @!p2 $0x0;
	s18 =	sand.u32 $0x38, s19  }
0x49: {  	(v2sf) =	vpush v0, $0x9;
	s17 =	sand.u32 $0x7FFFFFF8, s17;
	s18 =	simm.s32 @!p1 $0x40  }
0x4a: {  	s17 =	sadd.s32 $0x6000, s17;
	s18 =	sadd.s32 s18, s2  }
0x4b: {  	[tilespmem:s17], [sflag:$0x1] =	stream.linear.gather [spmem:s18], $0x8, $0x38;
	[tilespmem:$0x10088] =	vst v63  }
0x4c: {  	s17 =	spop (v2sf)  }
0x4d: {  	p2 =	sgt.s32 s17, $0x0;
	s20 =	sshll.u32 s17, $0x3  }
0x4e: {  	p1 =	sgt.s32 s17, $0xFFFFFFFF;
	s17 =	simm.s32 @!p2 $0x0;
	s18 =	sand.u32 $0x38, s20  }
0x4f: {  	(v2sf) =	vpush v0, $0xA;
	s17 =	sand.u32 $0x7FFFFFF8, s17;
	s18 =	simm.s32 @!p1 $0x40  }
0x50: {  	s17 =	sadd.s32 $0x7000, s17;
	s18 =	sadd.s32 s18, s2  }
0x51: {  	[tilespmem:s17], [sflag:$0x1] =	stream.linear.gather [spmem:s18], $0x8, $0x38;
	[tilespmem:$0x10088] =	vst v63  }
0x52: {  	s17 =	spop (v2sf)  }
0x53: {  	p2 =	sgt.s32 s17, $0x0;
	s21 =	sshll.u32 s17, $0x3  }
0x54: {  	p1 =	sgt.s32 s17, $0xFFFFFFFF;
	s17 =	simm.s32 @!p2 $0x0;
	s18 =	sand.u32 $0x38, s21  }
0x55: {  	(v2sf) =	vpush v0, $0xB;
	s17 =	sand.u32 $0x7FFFFFF8, s17;
	s18 =	simm.s32 @!p1 $0x40  }
0x56: {  	s17 =	sadd.s32 $0x8000, s17;
	s18 =	sadd.s32 s18, s2  }
0x57: {  	[tilespmem:s17], [sflag:$0x1] =	stream.linear.gather [spmem:s18], $0x8, $0x38;
	[tilespmem:$0x10088] =	vst v63  }
0x58: {  	s17 =	spop (v2sf)  }
0x59: {  	p2 =	sgt.s32 s17, $0x0;
	s22 =	sshll.u32 s17, $0x3  }
0x5a: {  	p1 =	sgt.s32 s17, $0xFFFFFFFF;
	s17 =	simm.s32 @!p2 $0x0;
	s18 =	sand.u32 $0x38, s22  }
0x5b: {  	(v2sf) =	vpush v0, $0xC;
	s17 =	sand.u32 $0x7FFFFFF8, s17;
	s18 =	simm.s32 @!p1 $0x40  }
0x5c: {  	s17 =	sadd.s32 $0x9000, s17;
	s18 =	sadd.s32 s18, s2  }
0x5d: {  	[tilespmem:s17], [sflag:$0x1] =	stream.linear.gather [spmem:s18], $0x8, $0x38;
	[tilespmem:$0x10088] =	vst v63  }
0x5e: {  	s17 =	spop (v2sf)  }
0x5f: {  	p2 =	sgt.s32 s17, $0x0;
	s23 =	sshll.u32 s17, $0x3  }
0x60: {  	p1 =	sgt.s32 s17, $0xFFFFFFFF;
	s17 =	simm.s32 @!p2 $0x0;
	s18 =	sand.u32 $0x38, s23  }
0x61: {  	(v2sf) =	vpush v0, $0xD;
	s17 =	sand.u32 $0x7FFFFFF8, s17;
	s18 =	simm.s32 @!p1 $0x40  }
0x62: {  	s17 =	sadd.s32 $0xA000, s17;
	s18 =	sadd.s32 s18, s2  }
0x63: {  	[tilespmem:s17], [sflag:$0x1] =	stream.linear.gather [spmem:s18], $0x8, $0x38;
	[tilespmem:$0x10088] =	vst v63  }
0x64: {  	s17 =	spop (v2sf)  }
0x65: {  	p2 =	sgt.s32 s17, $0x0;
	s24 =	sshll.u32 s17, $0x3  }
0x66: {  	p1 =	sgt.s32 s17, $0xFFFFFFFF;
	s17 =	simm.s32 @!p2 $0x0;
	s18 =	sand.u32 $0x38, s24  }
0x67: {  	(v2sf) =	vpush v0, $0xE;
	s17 =	sand.u32 $0x7FFFFFF8, s17;
	s18 =	simm.s32 @!p1 $0x40  }
0x68: {  	s17 =	sadd.s32 $0xB000, s17;
	s18 =	sadd.s32 s18, s2  }
0x69: {  	[tilespmem:s17], [sflag:$0x1] =	stream.linear.gather [spmem:s18], $0x8, $0x38;
	[tilespmem:$0x10088] =	vst v63  }
0x6a: {  	s17 =	spop (v2sf)  }
0x6b: {  	p2 =	sgt.s32 s17, $0x0;
	s25 =	sshll.u32 s17, $0x3  }
0x6c: {  	p1 =	sgt.s32 s17, $0xFFFFFFFF;
	s17 =	simm.s32 @!p2 $0x0;
	s18 =	sand.u32 $0x38, s25  }
0x6d: {  	(v2sf) =	vpush v0, $0xF;
	s17 =	sand.u32 $0x7FFFFFF8, s17;
	s18 =	simm.s32 @!p1 $0x40  }
0x6e: {  	s17 =	sadd.s32 $0xC000, s17;
	s18 =	sadd.s32 s18, s2  }
0x6f: {  	[tilespmem:s17], [sflag:$0x1] =	stream.linear.gather [spmem:s18], $0x8, $0x38;
	[tilespmem:$0x10088] =	vst v63  }
0x70: {  	s17 =	spop (v2sf)  }
0x71: {  	p2 =	sgt.s32 s17, $0x0;
	s26 =	sshll.u32 s17, $0x3  }
0x72: {  	p1 =	sgt.s32 s17, $0xFFFFFFFF;
	s17 =	simm.s32 @!p2 $0x0;
	s18 =	sand.u32 $0x38, s26  }
0x73: {  	s17 =	sand.u32 $0x7FFFFFF8, s17;
	s18 =	simm.s32 @!p1 $0x40  }
0x74: {  	s17 =	sadd.s32 $0xD000, s17;
	s18 =	sadd.s32 s18, s2  }
0x75: {  	[tilespmem:s17], [sflag:$0x1] =	stream.linear.gather [spmem:s18], $0x8, $0x38;
	[tilespmem:$0x10088] =	vst v63  }
0x76: {  	s17 =	spop (v2sf)  }
0x77: {  	p2 =	sgt.s32 s17, $0x0;
	s28 =	sshll.u32 s17, $0x3  }
0x78: {  	p1 =	sgt.s32 s17, $0xFFFFFFFF;
	s17 =	simm.s32 @!p2 $0x0;
	s18 =	sand.u32 $0x38, s28  }
0x79: {  	s17 =	sand.u32 $0x7FFFFFF8, s17;
	s18 =	simm.s32 @!p1 $0x40  }
0x7a: {  	s17 =	sadd.s32 $0xE000, s17;
	s18 =	sadd.s32 s18, s2  }
0x7b: {  	[tilespmem:s17], [sflag:$0x1] =	stream.linear.gather [spmem:s18], $0x8, $0x38;
	[tilespmem:$0x10088] =	vst v63  }
0x7c: {  	s17 =	spop (v2sf)  }
0x7d: {  	p2 =	sgt.s32 s17, $0x0;
	s29 =	sshll.u32 s17, $0x3  }
0x7e: {  	p1 =	sgt.s32 s17, $0xFFFFFFFF;
	s17 =	simm.s32 @!p2 $0x0;
	s18 =	sand.u32 $0x38, s29  }
0x7f: {  	s17 =	sand.u32 $0x7FFFFFF8, s17;
	s18 =	simm.s32 @!p1 $0x40  }
0x80: {  	s17 =	sadd.s32 $0xF000, s17;
	s18 =	sadd.s32 s18, s2  }
0x81: {  	[tilespmem:s17], [sflag:$0x1] =	stream.linear.gather [spmem:s18], $0x8, $0x38;
	[tilespmem:$0x10088] =	vst v63  }
0x82: {  	_ =	swait.ge [sflag:s12], $0x8  }
0x83: {  	[sflag:s12] =	ssyncset.done $0x0  }
0x84: {  	[sflag:s12] =	ssyncadd.s32 $0xFFFFFFF8  }
0x85: {  	_ =	swait.ge [sflag:s12], $0x8  }
0x86: {  	[sflag:s12] =	ssyncset.done $0x0  }
0x87: {  	[sflag:s12] =	ssyncadd.s32 $0xFFFFFFF8  }
0x88: {  	_ =	swait.ge [sflag:s12], $0x8  }
0x89: {  	[sflag:s12] =	ssyncset.done $0x0  }
0x8a: {  	[sflag:s12] =	ssyncadd.s32 $0xFFFFFFF8  }
0x8b: {  	_ =	swait.ge [sflag:s12], $0x8  }
0x8c: {  	[sflag:s12] =	ssyncset.done $0x0  }
0x8d: {  	[sflag:s12] =	ssyncadd.s32 $0xFFFFFFF8  }
0x8e: {  	_ =	swait.ge [sflag:s12], $0x8  }
0x8f: {  	[sflag:s12] =	ssyncset.done $0x0  }
0x90: {  	[sflag:s12] =	ssyncadd.s32 $0xFFFFFFF8  }
0x91: {  	_ =	swait.ge [sflag:s12], $0x8  }
0x92: {  	[sflag:s12] =	ssyncset.done $0x0  }
0x93: {  	[sflag:s12] =	ssyncadd.s32 $0xFFFFFFF8  }
0x94: {  	_ =	swait.ge [sflag:s12], $0x8  }
0x95: {  	[sflag:s12] =	ssyncset.done $0x0  }
0x96: {  	[sflag:s12] =	ssyncadd.s32 $0xFFFFFFF8  }
0x97: {  	_ =	swait.ge [sflag:s12], $0x8  }
0x98: {  	[sflag:s12] =	ssyncset.done $0x0  }
0x99: {  	[sflag:s12] =	ssyncadd.s32 $0xFFFFFFF8  }
0x9a: {  	_ =	swait.ge [sflag:s12], $0x8  }
0x9b: {  	[sflag:s12] =	ssyncset.done $0x0  }
0x9c: {  	[sflag:s12] =	ssyncadd.s32 $0xFFFFFFF8  }
0x9d: {  	_ =	swait.ge [sflag:s12], $0x8  }
0x9e: {  	[sflag:s12] =	ssyncset.done $0x0  }
0x9f: {  	[sflag:s12] =	ssyncadd.s32 $0xFFFFFFF8  }
0xa0: {  	_ =	swait.ge [sflag:s12], $0x8  }
0xa1: {  	[sflag:s12] =	ssyncset.done $0x0  }
0xa2: {  	[sflag:s12] =	ssyncadd.s32 $0xFFFFFFF8  }
0xa3: {  	_ =	swait.ge [sflag:s12], $0x8  }
0xa4: {  	[sflag:s12] =	ssyncset.done $0x0  }
0xa5: {  	[sflag:s12] =	ssyncadd.s32 $0xFFFFFFF8  }
0xa6: {  	_ =	swait.ge [sflag:s12], $0x8  }
0xa7: {  	[sflag:s12] =	ssyncset.done $0x0  }
0xa8: {  	[sflag:s12] =	ssyncadd.s32 $0xFFFFFFF8  }
0xa9: {  	_ =	swait.ge [sflag:s12], $0x8  }
0xaa: {  	[sflag:s12] =	ssyncset.done $0x0  }
0xab: {  	[sflag:s12] =	ssyncadd.s32 $0xFFFFFFF8  }
0xac: {  	_ =	swait.ge [sflag:s12], $0x8  }
0xad: {  	[sflag:s12] =	ssyncset.done $0x0  }
0xae: {  	[sflag:s12] =	ssyncadd.s32 $0xFFFFFFF8  }
0xaf: {  	_ =	swait.ge [sflag:s12], $0x8  }
0xb0: {  	[sflag:s12] =	ssyncset.done $0x0  }
0xb1: {  	[sflag:s12] =	ssyncadd.s32 $0xFFFFFFF8  }
0xb2: {  	[hbm4b:s14+s3] =	stream.linear.scatter [tilespmem:s3], [sflag:$0x2], $0x10000, $0x38;
	[tilespmem:$0x10088] =	vst v63  }
0xb3: {  	_ =	swait.ge [sflag:s11], $0x10000  }
0xb4: {  	[sflag:s11] =	ssyncset.done $0x0  }
0xb5: {  	[sflag:s11] =	ssyncadd.s32 $0xFFFF0000  }
0xb6: {  	v63 =	vld [tilespmem:s16+$0x10000];
	_ =	sdelay $0x4  }
0xb7: {  	(v2sf) =	vpush v63, $0x0;
	_ =	sdelay $0x4  }
0xb8: {  	(v2sf) =	vpush v63, $0x1;
	_ =	sdelay $0x5  }
0xb9: {  	(v2sf) =	vpush v63, $0x2;
	_ =	sdelay $0x3  }
0xba: {  	s16 =	spop (v2sf)  }
0xbb: {  	p1 =	sgt.s32 s16, $0x0  }
0xbc: {  	(v2sf) =	vpush v63, $0x3;
	s16 =	simm.s32 @!p1 $0x0  }
0xbd: {  	s16 =	sand.u32 $0x7FFFFFF8, s16  }
0xbe: {  	[tilespmem:s16], [sflag:$0x1] =	stream.linear.gather [spmem:s6], $0x8, $0x38;
	[tilespmem:$0x10088] =	vst v63  }
0xbf: {  	s16 =	spop (v2sf)  }
0xc0: {  	p1 =	sgt.s32 s16, $0x0  }
0xc1: {  	s16 =	simm.s32 @!p1 $0x0  }
0xc2: {  	(v2sf) =	vpush v63, $0x4;
	s16 =	sand.u32 $0x7FFFFFF8, s16  }
0xc3: {  	s16 =	sadd.s32 $0x1000, s16  }
0xc4: {  	[tilespmem:s16], [sflag:$0x1] =	stream.linear.gather [spmem:s6], $0x8, $0x38;
	[tilespmem:$0x10088] =	vst v63  }
0xc5: {  	s16 =	spop (v2sf)  }
0xc6: {  	p1 =	sgt.s32 s16, $0x0  }
0xc7: {  	s16 =	simm.s32 @!p1 $0x0  }
0xc8: {  	(v2sf) =	vpush v63, $0x5;
	s16 =	sand.u32 $0x7FFFFFF8, s16  }
0xc9: {  	s16 =	sadd.s32 $0x2000, s16  }
0xca: {  	[tilespmem:s16], [sflag:$0x1] =	stream.linear.gather [spmem:s6], $0x8, $0x38;
	[tilespmem:$0x10088] =	vst v63  }
0xcb: {  	s16 =	spop (v2sf)  }
0xcc: {  	p1 =	sgt.s32 s16, $0x0  }
0xcd: {  	s16 =	simm.s32 @!p1 $0x0  }
0xce: {  	(v2sf) =	vpush v63, $0x6;
	s16 =	sand.u32 $0x7FFFFFF8, s16  }
0xcf: {  	s16 =	sadd.s32 $0x3000, s16  }
0xd0: {  	[tilespmem:s16], [sflag:$0x1] =	stream.linear.gather [spmem:s6], $0x8, $0x38;
	[tilespmem:$0x10088] =	vst v63  }
0xd1: {  	s16 =	spop (v2sf)  }
0xd2: {  	p1 =	sgt.s32 s16, $0x0  }
0xd3: {  	s16 =	simm.s32 @!p1 $0x0  }
0xd4: {  	(v2sf) =	vpush v63, $0x7;
	s16 =	sand.u32 $0x7FFFFFF8, s16  }
0xd5: {  	s16 =	sadd.s32 $0x4000, s16  }
0xd6: {  	[tilespmem:s16], [sflag:$0x1] =	stream.linear.gather [spmem:s6], $0x8, $0x38;
	[tilespmem:$0x10088] =	vst v63  }
0xd7: {  	s16 =	spop (v2sf)  }
0xd8: {  	p1 =	sgt.s32 s16, $0x0  }
0xd9: {  	s16 =	simm.s32 @!p1 $0x0  }
0xda: {  	(v2sf) =	vpush v63, $0x8;
	s16 =	sand.u32 $0x7FFFFFF8, s16  }
0xdb: {  	s16 =	sadd.s32 $0x5000, s16  }
0xdc: {  	[tilespmem:s16], [sflag:$0x1] =	stream.linear.gather [spmem:s6], $0x8, $0x38;
	[tilespmem:$0x10088] =	vst v63  }
0xdd: {  	s16 =	spop (v2sf)  }
0xde: {  	p1 =	sgt.s32 s16, $0x0  }
0xdf: {  	s16 =	simm.s32 @!p1 $0x0  }
0xe0: {  	(v2sf) =	vpush v63, $0x9;
	s16 =	sand.u32 $0x7FFFFFF8, s16  }
0xe1: {  	s16 =	sadd.s32 $0x6000, s16  }
0xe2: {  	[tilespmem:s16], [sflag:$0x1] =	stream.linear.gather [spmem:s6], $0x8, $0x38;
	[tilespmem:$0x10088] =	vst v63  }
0xe3: {  	s16 =	spop (v2sf)  }
0xe4: {  	p1 =	sgt.s32 s16, $0x0  }
0xe5: {  	s16 =	simm.s32 @!p1 $0x0  }
0xe6: {  	(v2sf) =	vpush v63, $0xA;
	s16 =	sand.u32 $0x7FFFFFF8, s16  }
0xe7: {  	s16 =	sadd.s32 $0x7000, s16  }
0xe8: {  	[tilespmem:s16], [sflag:$0x1] =	stream.linear.gather [spmem:s6], $0x8, $0x38;
	[tilespmem:$0x10088] =	vst v63  }
0xe9: {  	s16 =	spop (v2sf)  }
0xea: {  	p1 =	sgt.s32 s16, $0x0  }
0xeb: {  	s16 =	simm.s32 @!p1 $0x0  }
0xec: {  	(v2sf) =	vpush v63, $0xB;
	s16 =	sand.u32 $0x7FFFFFF8, s16  }
0xed: {  	s16 =	sadd.s32 $0x8000, s16  }
0xee: {  	[tilespmem:s16], [sflag:$0x1] =	stream.linear.gather [spmem:s6], $0x8, $0x38;
	[tilespmem:$0x10088] =	vst v63  }
0xef: {  	s16 =	spop (v2sf)  }
0xf0: {  	p1 =	sgt.s32 s16, $0x0  }
0xf1: {  	s16 =	simm.s32 @!p1 $0x0  }
0xf2: {  	(v2sf) =	vpush v63, $0xC;
	s16 =	sand.u32 $0x7FFFFFF8, s16  }
0xf3: {  	s16 =	sadd.s32 $0x9000, s16  }
0xf4: {  	[tilespmem:s16], [sflag:$0x1] =	stream.linear.gather [spmem:s6], $0x8, $0x38;
	[tilespmem:$0x10088] =	vst v63  }
0xf5: {  	s16 =	spop (v2sf)  }
0xf6: {  	(v2sf) =	vpush v63, $0xD;
	p1 =	sgt.s32 s16, $0x0  }
0xf7: {  	s16 =	simm.s32 @!p1 $0x0  }
0xf8: {  	s16 =	sand.u32 $0x7FFFFFF8, s16  }
0xf9: {  	s16 =	sadd.s32 $0xA000, s16  }
0xfa: {  	[tilespmem:s16], [sflag:$0x1] =	stream.linear.gather [spmem:s6], $0x8, $0x38;
	[tilespmem:$0x10088] =	vst v63  }
0xfb: {  	s16 =	spop (v2sf);
	(v2sf) =	vpush v63, $0xE  }
0xfc: {  	p1 =	sgt.s32 s16, $0x0  }
0xfd: {  	s16 =	simm.s32 @!p1 $0x0  }
0xfe: {  	s16 =	sand.u32 $0x7FFFFFF8, s16  }
0xff: {  	s16 =	sadd.s32 $0xB000, s16  }
0x100: {  	[tilespmem:s16], [sflag:$0x1] =	stream.linear.gather [spmem:s6], $0x8, $0x38;
	[tilespmem:$0x10088] =	vst v63  }
0x101: {  	s16 =	spop (v2sf)  }
0x102: {  	(v2sf) =	vpush v63, $0xF;
	p1 =	sgt.s32 s16, $0x0  }
0x103: {  	s16 =	simm.s32 @!p1 $0x0  }
0x104: {  	s16 =	sand.u32 $0x7FFFFFF8, s16  }
0x105: {  	s16 =	sadd.s32 $0xC000, s16;
	s17 =	spop (v2sf)  }
0x106: {  	[tilespmem:s16], [sflag:$0x1] =	stream.linear.gather [spmem:s6], $0x8, $0x38;
	[tilespmem:$0x10088] =	vst v63  }
0x107: {  	p1 =	sgt.s32 s17, $0x0  }
0x108: {  	s17 =	simm.s32 @!p1 $0x0  }
0x109: {  	s30 =	sand.u32 $0x7FFFFFF8, s17  }
0x10a: {  	s16 =	sadd.s32 $0xD000, s30;
	s17 =	spop (v2sf)  }
0x10b: {  	[tilespmem:s16], [sflag:$0x1] =	stream.linear.gather [spmem:s6], $0x8, $0x38;
	[tilespmem:$0x10088] =	vst v63  }
0x10c: {  	p1 =	sgt.s32 s17, $0x0  }
0x10d: {  	s17 =	simm.s32 @!p1 $0x0  }
0x10e: {  	s31 =	sand.u32 $0x7FFFFFF8, s17  }
0x10f: {  	s16 =	sadd.s32 $0xE000, s31  }
0x110: {  	[tilespmem:s16], [sflag:$0x1] =	stream.linear.gather [spmem:s6], $0x8, $0x38;
	[tilespmem:$0x10088] =	vst v63  }
0x111: {  	s16 =	spop (v2sf)  }
0x112: {  	p1 =	sgt.s32 s16, $0x0  }
0x113: {  	s16 =	simm.s32 @!p1 $0x0  }
0x114: {  	s16 =	sand.u32 $0x7FFFFFF8, s16  }
0x115: {  	s16 =	sadd.s32 $0xF000, s16  }
0x116: {  	[tilespmem:s16], [sflag:$0x1] =	stream.linear.gather [spmem:s6], $0x8, $0x38;
	[tilespmem:$0x10088] =	vst v63  }
0x117: {  	_ =	swait.ge [sflag:s12], $0x8  }
0x118: {  	[sflag:s12] =	ssyncset.done $0x0  }
0x119: {  	[sflag:s12] =	ssyncadd.s32 $0xFFFFFFF8  }
0x11a: {  	_ =	swait.ge [sflag:s12], $0x8  }
0x11b: {  	[sflag:s12] =	ssyncset.done $0x0  }
0x11c: {  	[sflag:s12] =	ssyncadd.s32 $0xFFFFFFF8  }
0x11d: {  	_ =	swait.ge [sflag:s12], $0x8  }
0x11e: {  	[sflag:s12] =	ssyncset.done $0x0  }
0x11f: {  	[sflag:s12] =	ssyncadd.s32 $0xFFFFFFF8  }
0x120: {  	_ =	swait.ge [sflag:s12], $0x8  }
0x121: {  	[sflag:s12] =	ssyncset.done $0x0  }
0x122: {  	[sflag:s12] =	ssyncadd.s32 $0xFFFFFFF8  }
0x123: {  	_ =	swait.ge [sflag:s12], $0x8  }
0x124: {  	[sflag:s12] =	ssyncset.done $0x0  }
0x125: {  	[sflag:s12] =	ssyncadd.s32 $0xFFFFFFF8  }
0x126: {  	_ =	swait.ge [sflag:s12], $0x8  }
0x127: {  	[sflag:s12] =	ssyncset.done $0x0  }
0x128: {  	[sflag:s12] =	ssyncadd.s32 $0xFFFFFFF8  }
0x129: {  	_ =	swait.ge [sflag:s12], $0x8  }
0x12a: {  	[sflag:s12] =	ssyncset.done $0x0  }
0x12b: {  	[sflag:s12] =	ssyncadd.s32 $0xFFFFFFF8  }
0x12c: {  	_ =	swait.ge [sflag:s12], $0x8  }
0x12d: {  	[sflag:s12] =	ssyncset.done $0x0  }
0x12e: {  	[sflag:s12] =	ssyncadd.s32 $0xFFFFFFF8  }
0x12f: {  	_ =	swait.ge [sflag:s12], $0x8  }
0x130: {  	[sflag:s12] =	ssyncset.done $0x0  }
0x131: {  	[sflag:s12] =	ssyncadd.s32 $0xFFFFFFF8  }
0x132: {  	_ =	swait.ge [sflag:s12], $0x8  }
0x133: {  	[sflag:s12] =	ssyncset.done $0x0  }
0x134: {  	[sflag:s12] =	ssyncadd.s32 $0xFFFFFFF8  }
0x135: {  	_ =	swait.ge [sflag:s12], $0x8  }
0x136: {  	[sflag:s12] =	ssyncset.done $0x0  }
0x137: {  	[sflag:s12] =	ssyncadd.s32 $0xFFFFFFF8  }
0x138: {  	_ =	swait.ge [sflag:s12], $0x8  }
0x139: {  	[sflag:s12] =	ssyncset.done $0x0  }
0x13a: {  	[sflag:s12] =	ssyncadd.s32 $0xFFFFFFF8  }
0x13b: {  	_ =	swait.ge [sflag:s12], $0x8  }
0x13c: {  	[sflag:s12] =	ssyncset.done $0x0  }
0x13d: {  	[sflag:s12] =	ssyncadd.s32 $0xFFFFFFF8  }
0x13e: {  	_ =	swait.ge [sflag:s12], $0x8  }
0x13f: {  	[sflag:s12] =	ssyncset.done $0x0  }
0x140: {  	[sflag:s12] =	ssyncadd.s32 $0xFFFFFFF8  }
0x141: {  	p1 =	sne.s32 s15, $0x1C0;
	_ =	swait.ge [sflag:s12], $0x8  }
.Ltmp0:
0x142: {  	[sflag:s12] =	ssyncset.done $0x0;
	(pc) =	sbr.rel @p1 .LBB2_2-.Ltmp0, $4  }
0x143: {  	[sflag:s12] =	ssyncadd.s32 $0xFFFFFFF8  }
0x144: {  	_ =	swait.ge [sflag:s12], $0x8  }
0x145: {  	[sflag:s12] =	ssyncset.done $0x0  }
0x146: {  	s14 =	sadd.s32 $0x2000, s14;
	s15 =	sadd.s32 $0x40, s15;
	[sflag:s12] =	ssyncadd.s32 $0xFFFFFFF8  }
0x147: {  	s13 =	sadd.s32 $0x1, s13  }
0x148: {  	p1 =	sne.s32 s13, s7  }
.Ltmp1:
0x149: {  	_ = 	snop;
	(pc) =	sbr.rel @p1 .LBB2_1-.Ltmp1, $1  }
0x14a: {  	_ =	sdelay $0x3  }
0x14b: {  	_ =	sfence.sel $0x180000  }
0x14c: {  	[bflag:$0x0] =	sbarrier.arrive $0xFFFF  }
0x14d: {  	_ =	strace $0x90000047  }
0x14e: {  	s0 =	sadd.s32 @!p0 $0x100000, s0;
	[bflag:$0x2] =	sbarrier.arrive $0xFFFF  }
0x14f: {  	[sflag:s0] =	ssyncadd.tile.s32 @!p0 $0x1;
	_ =	shalt  }
.Lfunc_end2:
_tile_overlayer_lowered:
.L_overlay_start_2:
0x150: {  	(tag) =	ssettag $0x2  }
0x151: {  	s0 =	rddreg [dreg:$0x0];
	s2 =	stileid.u32  }
0x152: {  	s1 =	rddreg [dreg:$0x1];
	p0 =	sne.s32 s2, $0x0  }
0x153: {  	s3 =	rddreg [dreg:$0x2];
	[bflag:$0x3] =	sbarrier.arrive $0xFFFF;
	s2 =	simm.s32 @!p0 $0x1C02  }
0x154: {  	[timem:s3], [sflag:s2] =	dma.local @!p0 [hbm:s0], s1  }
0x155: {  	s0 =	simm.s32 @!p0 $0x2  }
0x156: {  	_ =	swait.ge @!p0 [sflag:s0], s1  }
0x157: {  	s1 =	ssub.s32 @!p0 $0x0, s1;
	[sflag:s0] =	ssyncset.done @!p0 $0x0  }
0x158: {  	[sflag:s0] =	ssyncadd.s32 @!p0 s1  }
0x159: {  	[bflag:$0x3] =	sbarrier.arrive $0xFFFF  }
0x15a: {  	_ =	shalt  }

</sc_bundles>
